<compile_context>
chip_gen: v7x
topology: tpu7x:2x2x1
jax: 0.10.2.dev20260603
libtpu: 0.0.44.dev20260713+nightly
codegen_flags: <defaults>
</compile_context>

<pallas_src>
import functools

import jax
import jax.numpy as jnp
from jax import lax
from jax.experimental import pallas as pl
from jax.experimental.pallas import tpu as pltpu
from jax.experimental.pallas import tpu_sc as plsc

_N, _NPAD, _F, _HH, _H = 10000, 10240, 128, 48, 96
_NC, _NS, _NW, _CH = 2, 16, 32, 128
_C1H = 80
_C1 = 160
_C2 = 316
_C2H = 158
_CW = 1
_EC = _CW * 128
_PADROW = _NPAD - 1
_STR = _NPAD // _NS
_BN = 1280
_HIGH = lax.Precision.DEFAULT

_mesh = plsc.VectorSubcoreMesh(core_axis_name="c", subcore_axis_name="s")
_sc_params = pltpu.CompilerParams(use_tc_tiling_on_sc=False)



def _hist_scatter(ones_v, acc, idx_v, nh):
    @pl.loop(0, nh)
    def _(j):
        pltpu.sync_copy(ones_v, acc.at[idx_v.at[j]], add=True)


@functools.partial(
    pl.kernel,
    out_type=jax.ShapeDtypeStruct((_NC, 2, _NPAD, _F), jnp.float32),
    mesh=_mesh,
    compiler_params=_sc_params,
    scratch_types=[
        pltpu.VMEM_SHARED((_NPAD, 16), jnp.float32),
        pltpu.VMEM_SHARED((_NPAD, 16), jnp.float32),
        pltpu.VMEM((_EC, 16), jnp.float32),
        pltpu.VMEM((_C1H // _CW, _EC), jnp.int32),
    ],
)
def _sc_hist(cc_hbm, cv_hbm, ones_hbm, zeros_hbm, out_hbm,
             acc_c, acc_v, ones_v, idx_v):
    cid = lax.axis_index("c")
    sid = lax.axis_index("s")
    base = sid * _STR
    pltpu.sync_copy(zeros_hbm, acc_c.at[pl.ds(base, _STR)])
    pltpu.sync_copy(zeros_hbm, acc_v.at[pl.ds(base, _STR)])
    pltpu.sync_copy(ones_hbm, ones_v)
    plsc.subcore_barrier()

    nh = _C1H // _CW
    pltpu.sync_copy(cc_hbm.at[sid, pl.ds(cid * nh, nh)], idx_v)
    _hist_scatter(ones_v, acc_c, idx_v, nh)
    pltpu.sync_copy(cv_hbm.at[sid, pl.ds(cid * nh, nh)], idx_v)
    _hist_scatter(ones_v, acc_v, idx_v, nh)

    plsc.subcore_barrier()
    pltpu.sync_copy(acc_c.at[pl.ds(base, _STR)],
                    out_hbm.at[cid, 0, pl.ds(base, _STR), pl.ds(0, 16)])
    pltpu.sync_copy(acc_v.at[pl.ds(base, _STR)],
                    out_hbm.at[cid, 1, pl.ds(base, _STR), pl.ds(0, 16)])


def _agg_edges(table, idxr_v, idxc_v, acc, gbs, semg, sems, drain_src, n_chunks):
    nb = len(gbs)
    for b in range(nb - 1):
        pltpu.async_copy(table.at[idxr_v.at[b]], gbs[b], semg[b])

    @pl.loop(0, n_chunks, step=nb)
    def _(j):
        for b in range(nb):
            jj = j + b
            nxt = jj + (nb - 1)
            bb = (b + nb - 1) % nb
            pltpu.make_async_copy(
                table.at[idxr_v.at[jj]], gbs[b], semg[b]).wait()
            pltpu.async_copy(
                gbs[b], acc.at[idxc_v.at[jj]], sems[b], add=True)

            @pl.when(nxt < n_chunks)
            def _():
                @pl.when(nxt >= nb)
                def _():
                    pltpu.make_async_copy(drain_src, gbs[bb], sems[bb]).wait()

                pltpu.async_copy(
                    table.at[idxr_v.at[nxt]], gbs[bb], semg[bb])

    for b in range(nb):
        pltpu.make_async_copy(drain_src, gbs[b], sems[b]).wait()


_AGG_SCRATCH = [
    pltpu.VMEM_SHARED((_NPAD, _HH), jnp.float32),
    pltpu.VMEM_SHARED((_NPAD, _HH), jnp.float32),
    pltpu.VMEM((_C1 // _CW, _EC), jnp.int32),
    pltpu.VMEM((_C1 // _CW, _EC), jnp.int32),
    pltpu.VMEM((_EC, _HH), jnp.float32),
    pltpu.VMEM((_EC, _HH), jnp.float32),
    pltpu.VMEM((_EC, _HH), jnp.float32),
    pltpu.VMEM((_EC, _HH), jnp.float32),
    pltpu.SemaphoreType.DMA,
    pltpu.SemaphoreType.DMA,
    pltpu.SemaphoreType.DMA,
    pltpu.SemaphoreType.DMA,
    pltpu.SemaphoreType.DMA,
    pltpu.SemaphoreType.DMA,
    pltpu.SemaphoreType.DMA,
    pltpu.SemaphoreType.DMA,
]


@functools.partial(
    pl.kernel,
    out_type=jax.ShapeDtypeStruct((_NC, _NPAD, _F), jnp.float32),
    mesh=_mesh,
    compiler_params=_sc_params,
    scratch_types=_AGG_SCRATCH,
)
def _sc_agg1(hsc_hbm, hsv_hbm, rc_hbm, cc_hbm, rv_hbm, cv_hbm, zeros_hbm,
             out_hbm, acc, table, idxr_v, idxc_v,
             gb0, gb1, gb2, gb3, sg0, sg1, sg2, sg3, ss0, ss1, ss2, ss3):
    cid = lax.axis_index("c")
    sid = lax.axis_index("s")
    base = sid * _STR
    pltpu.sync_copy(zeros_hbm, acc.at[pl.ds(base, _STR)])

    @pl.when(cid == 0)
    def _():
        pltpu.sync_copy(hsc_hbm.at[pl.ds(base, _STR), pl.ds(0, _HH)],
                        table.at[pl.ds(base, _STR)])
        pltpu.sync_copy(rc_hbm.at[sid], idxr_v)
        pltpu.sync_copy(cc_hbm.at[sid], idxc_v)

    @pl.when(cid == 1)
    def _():
        pltpu.sync_copy(hsv_hbm.at[pl.ds(base, _STR), pl.ds(0, _HH)],
                        table.at[pl.ds(base, _STR)])
        pltpu.sync_copy(rv_hbm.at[sid], idxr_v)
        pltpu.sync_copy(cv_hbm.at[sid], idxc_v)

    plsc.subcore_barrier()
    _agg_edges(table, idxr_v, idxc_v, acc, (gb0, gb1, gb2, gb3),
               (sg0, sg1, sg2, sg3), (ss0, ss1, ss2, ss3),
               zeros_hbm.at[pl.ds(0, _EC)], _C1 // _CW)
    plsc.subcore_barrier()
    pltpu.sync_copy(acc.at[pl.ds(base, _STR)],
                    out_hbm.at[cid, pl.ds(base, _STR), pl.ds(0, _HH)])


@functools.partial(
    pl.kernel,
    out_type=jax.ShapeDtypeStruct((_NC, _NPAD, _F), jnp.float32),
    mesh=_mesh,
    compiler_params=_sc_params,
    scratch_types=_AGG_SCRATCH,
)
def _sc_agg2(hs2a_hbm, hs2b_hbm, rc_hbm, cc_hbm, rv_hbm, cv_hbm, zeros_hbm,
             out_hbm, acc, table, idxr_v, idxc_v,
             gb0, gb1, gb2, gb3, sg0, sg1, sg2, sg3, ss0, ss1, ss2, ss3):
    cid = lax.axis_index("c")
    sid = lax.axis_index("s")
    base = sid * _STR
    pltpu.sync_copy(zeros_hbm, acc.at[pl.ds(base, _STR)])

    @pl.when(cid == 0)
    def _():
        pltpu.sync_copy(hs2a_hbm.at[pl.ds(base, _STR), pl.ds(0, _HH)],
                        table.at[pl.ds(base, _STR)])

    @pl.when(cid == 1)
    def _():
        pltpu.sync_copy(hs2b_hbm.at[pl.ds(base, _STR), pl.ds(0, _HH)],
                        table.at[pl.ds(base, _STR)])

    plsc.subcore_barrier()

    for r_hbm, c_hbm in ((rc_hbm, cc_hbm), (rv_hbm, cv_hbm)):
        pltpu.sync_copy(r_hbm.at[sid], idxr_v)
        pltpu.sync_copy(c_hbm.at[sid], idxc_v)
        _agg_edges(table, idxr_v, idxc_v, acc, (gb0, gb1, gb2, gb3),
                   (sg0, sg1, sg2, sg3), (ss0, ss1, ss2, ss3),
                   zeros_hbm.at[pl.ds(0, _EC)], _C1 // _CW)

    plsc.subcore_barrier()
    pltpu.sync_copy(acc.at[pl.ds(base, _STR)],
                    out_hbm.at[cid, pl.ds(base, _STR), pl.ds(0, _HH)])



def _ln_elu(v, g, b):
    m = jnp.mean(v, axis=-1, keepdims=True)
    var = jnp.mean((v - m) ** 2, axis=-1, keepdims=True)
    u = (v - m) / jnp.sqrt(var + 1e-5) * g + b
    return jnp.where(u > 0, u, jnp.exp(jnp.minimum(u, 0.0)) - 1.0)


def _deg_scales(cnt):
    cntc = cnt[0, 0, :, 0] + cnt[1, 0, :, 0]
    cntv = cnt[0, 1, :, 0] + cnt[1, 1, :, 0]
    disc = lax.rsqrt(cntc + 1.0)
    disv = lax.rsqrt(cntv + 1.0)
    dis2 = lax.rsqrt(cntc + cntv + 1.0)
    return disc, disv, dis2


def _tc1_body(cnt_ref, x_ref, xl_ref, wc_ref, wva_ref, wvb_ref,
              hsc_ref, hsv_ref, dis_ref):
    disc, disv, dis2 = _deg_scales(cnt_ref[...])
    xb = x_ref[...]
    hc = jnp.dot(xb, wc_ref[...], precision=_HIGH)
    hv = (jnp.dot(xb, wva_ref[...], precision=_HIGH)
          + jnp.dot(xl_ref[...], wvb_ref[...], precision=_HIGH))
    row = _BN * pl.program_id(0) + lax.broadcasted_iota(jnp.int32, (_BN, 1), 0)
    live = row < _N
    zpad = jnp.zeros((_BN, _F - _HH), jnp.float32)
    hsc_ref[...] = jnp.concatenate(
        [jnp.where(live, hc * disc[:, None], 0.0), zpad], axis=1)
    hsv_ref[...] = jnp.concatenate(
        [jnp.where(live, hv * disv[:, None], 0.0), zpad], axis=1)
    dis_ref[...] = jnp.stack([disc, disv, dis2], axis=1)


def _tc2_body(agg_ref, hsc_ref, hsv_ref, dis_ref, wra_ref, wrb_ref,
              pc_ref, pv_ref, hs2a_ref, hs2b_ref):
    dis = dis_ref[...]
    disc, disv, dis2 = dis[:, 0], dis[:, 1], dis[:, 2]
    pc = pc_ref[...]
    pv = pv_ref[...]
    oc = disc[:, None] * (agg_ref[0, :, :_HH] + hsc_ref[..., :_HH]) + pc[0]
    ov = disv[:, None] * (agg_ref[1, :, :_HH] + hsv_ref[..., :_HH]) + pv[0]
    uc = _ln_elu(oc, pc[1], pc[2])
    uv = _ln_elu(ov, pv[1], pv[2])
    h2 = (jnp.dot(uc, wra_ref[...], precision=_HIGH)
          + jnp.dot(uv, wrb_ref[...], precision=_HIGH))
    hs2 = h2 * dis2[:, None]
    zpad = jnp.zeros((_BN, _F - _HH), jnp.float32)
    hs2a_ref[...] = jnp.concatenate([hs2[:, :_HH], zpad], axis=1)
    hs2b_ref[...] = jnp.concatenate([hs2[:, _HH:], zpad], axis=1)


def _tc3_body(agg2_ref, hs2a_ref, hs2b_ref, dis_ref, pr_ref, tail_ref, out_ref):
    dis2 = dis_ref[...][:, 2]
    pr = pr_ref[...]
    agg2 = jnp.concatenate([agg2_ref[0, :, :_HH], agg2_ref[1, :, :_HH]], axis=1)
    hs2 = jnp.concatenate([hs2a_ref[..., :_HH], hs2b_ref[..., :_HH]], axis=1)
    o = dis2[:, None] * (agg2 + hs2) + pr[0]
    u = _ln_elu(o, pr[1], pr[2])
    tail = tail_ref[...]
    wo = tail[0, :_H]
    bo = tail[0, _H]
    out_ref[...] = (jnp.sum(u * wo[None, :], axis=1) + bo)[:, None]


def _full(shape):
    return pl.BlockSpec(shape, lambda i: tuple(0 for _ in shape))


def _rows(w):
    return pl.BlockSpec((_BN, w), lambda i: (i, 0))


_GRID = (_NPAD // _BN,)
_CNT_SPEC = pl.BlockSpec((_NC, 2, _BN, _F), lambda i: (0, 0, i, 0))

_tc1 = pl.pallas_call(
    _tc1_body,
    grid=_GRID,
    in_specs=[_CNT_SPEC, _rows(_F), _rows(_F),
              _full((_F, _HH)), _full((_F, _HH)), _full((_F, _HH))],
    out_specs=(_rows(_F), _rows(_F), _rows(3)),
    out_shape=(jax.ShapeDtypeStruct((_NPAD, _F), jnp.float32),
               jax.ShapeDtypeStruct((_NPAD, _F), jnp.float32),
               jax.ShapeDtypeStruct((_NPAD, 3), jnp.float32)),
)

_tc2 = pl.pallas_call(
    _tc2_body,
    grid=_GRID,
    in_specs=[pl.BlockSpec((_NC, _BN, _F), lambda i: (0, i, 0)),
              _rows(_F), _rows(_F), _rows(3),
              _full((_HH, _H)), _full((_HH, _H)),
              _full((3, _HH)), _full((3, _HH))],
    out_specs=(_rows(_F), _rows(_F)),
    out_shape=(jax.ShapeDtypeStruct((_NPAD, _F), jnp.float32),
               jax.ShapeDtypeStruct((_NPAD, _F), jnp.float32)),
)

_tc3 = pl.pallas_call(
    _tc3_body,
    grid=_GRID,
    in_specs=[pl.BlockSpec((_NC, _BN, _F), lambda i: (0, i, 0)),
              _rows(_F), _rows(_F), _rows(3),
              _full((3, _H)), _full((1, _F))],
    out_specs=pl.BlockSpec((_BN, 1), lambda i: (i, 0)),
    out_shape=jax.ShapeDtypeStruct((_NPAD, 1), jnp.float32),
)



def _prep_idx(idx, n_parts, n_chunks):
    e = idx.shape[0]
    epad = n_parts * n_chunks * _EC
    p = jnp.full((epad,), _PADROW, jnp.int32).at[:e].set(idx)
    return p.reshape(n_parts, n_chunks, _EC)


def kernel(x, edge_index_corr, edge_index_vendor, x_lagged,
           W_corr, b_corr, g_corr, beta_corr,
           W_vendor, b_vendor, g_vendor, beta_vendor,
           W_refine, b_refine, g_refine, beta_refine,
           W_out, b_out):
    f32 = jnp.float32
    rc = _prep_idx(edge_index_corr[0], _NS, _C1 // _CW)
    cc = _prep_idx(edge_index_corr[1], _NS, _C1 // _CW)
    rv = _prep_idx(edge_index_vendor[0], _NS, _C1 // _CW)
    cv = _prep_idx(edge_index_vendor[1], _NS, _C1 // _CW)

    ones16 = jnp.ones((_EC, 16), f32)
    z16 = jnp.zeros((_STR, 16), f32)
    z48 = jnp.zeros((_STR, _HH), f32)

    wc_t = W_corr.T
    wva_t = W_vendor[:, :_F].T
    wvb_t = W_vendor[:, _F:].T
    wra_t = W_refine[:, :_HH].T
    wrb_t = W_refine[:, _HH:].T
    pc = jnp.stack([b_corr, g_corr, beta_corr])
    pv = jnp.stack([b_vendor, g_vendor, beta_vendor])
    pr = jnp.stack([b_refine, g_refine, beta_refine])
    tail = jnp.zeros((1, _F), f32).at[0, :_H].set(W_out[0]).at[0, _H].set(b_out[0])

    cnt = _sc_hist(cc, cv, ones16, z16)
    hsc, hsv, dis = _tc1(cnt, x, x_lagged, wc_t, wva_t, wvb_t)
    agg1 = _sc_agg1(hsc, hsv, rc, cc, rv, cv, z48)
    hs2a, hs2b = _tc2(agg1, hsc, hsv, dis, wra_t, wrb_t, pc, pv)
    agg2 = _sc_agg2(hs2a, hs2b, rc, cc, rv, cv, z48)
    out = _tc3(agg2, hs2a, hs2b, dis, pr, tail)
    return out[:_N, 0]

# --- scband reference (transcript-rebuilt; emitter-appended) ---
"""Pipeline reference for scband-multi-rel-gnn-54812372631715 (READ-ONLY COPY).

The authoritative reference and input builder live on the scoring server;
editing this copy changes nothing except your own understanding.
"""

import jax, jax.numpy as jnp
import numpy as np


def _gcn_conv(x, edge_index, W, b):
    # Faithful PyG GCNConv: add self-loops, symmetric deg^-1/2 normalization,
    # linear transform, scatter-add aggregation to dst, then bias.
    N = x.shape[0]
    row = edge_index[0]
    col = edge_index[1]
    loop = jnp.arange(N, dtype=row.dtype)
    row = jnp.concatenate([row, loop])
    col = jnp.concatenate([col, loop])
    ew = jnp.ones(row.shape[0], dtype=x.dtype)
    deg = jnp.zeros(N, dtype=x.dtype).at[col].add(ew)
    # self-loops guarantee deg >= 1
    dis = deg ** -0.5
    norm = dis[row] * dis[col]
    h = x @ W.T
    msg = h[row] * norm[:, None]
    out = jnp.zeros((N, h.shape[1]), dtype=x.dtype).at[col].add(msg)
    return out + b


def _ln(x, g, b):
    m = jnp.mean(x, axis=-1, keepdims=True)
    v = jnp.var(x, axis=-1, keepdims=True)
    return (x - m) / jnp.sqrt(v + 1e-5) * g + b


def _xavier(k, shape):
    fan_out, fan_in = shape
    lim = (6.0 / (fan_in + fan_out)) ** 0.5
    return jax.random.uniform(k, shape, minval=-lim, maxval=lim, dtype=jnp.float32)


def setup_inputs(seed: int = 0) -> dict:
    key = jax.random.key(seed)
    ks = jax.random.split(key, 10)
    N, F, H = 10000, 128, 96
    E = 320000
    Hh = H // 2  # 48
    x = jax.random.normal(ks[0], (N, F), dtype=jnp.float32)
    x_lagged = jax.random.normal(ks[1], (N, F), dtype=jnp.float32)
    edge_index_corr = jax.random.randint(ks[2], (2, E), 0, N, dtype=jnp.int32)
    edge_index_vendor = jax.random.randint(ks[3], (2, E), 0, N, dtype=jnp.int32)
    inp = {
        'x': x,
        'edge_index_corr': edge_index_corr,
        'edge_index_vendor': edge_index_vendor,
        'x_lagged': x_lagged,
        'W_corr': _xavier(ks[4], (Hh, F)),
        'b_corr': jnp.zeros((Hh,), jnp.float32),
        'g_corr': jnp.ones((Hh,), jnp.float32),
        'beta_corr': jnp.zeros((Hh,), jnp.float32),
        'W_vendor': _xavier(ks[5], (Hh, 2 * F)),
        'b_vendor': jnp.zeros((Hh,), jnp.float32),
        'g_vendor': jnp.ones((Hh,), jnp.float32),
        'beta_vendor': jnp.zeros((Hh,), jnp.float32),
        'W_refine': _xavier(ks[6], (H, H)),
        'b_refine': jnp.zeros((H,), jnp.float32),
        'g_refine': jnp.ones((H,), jnp.float32),
        'beta_refine': jnp.zeros((H,), jnp.float32),
        'W_out': _xavier(ks[7], (1, H)),
        'b_out': jnp.zeros((1,), jnp.float32),
    }
    return inp


def reference(x, edge_index_corr, edge_index_vendor, x_lagged,
              W_corr, b_corr, g_corr, beta_corr,
              W_vendor, b_vendor, g_vendor, beta_vendor,
              W_refine, b_refine, g_refine, beta_refine,
              W_out, b_out):
    act = jax.nn.elu
    h_corr = act(_ln(_gcn_conv(x, edge_index_corr, W_corr, b_corr), g_corr, beta_corr))
    x_vendor = jnp.concatenate([x, x_lagged], axis=1)
    h_vendor = act(_ln(_gcn_conv(x_vendor, edge_index_vendor, W_vendor, b_vendor), g_vendor, beta_vendor))
    h = jnp.concatenate([h_corr, h_vendor], axis=1)
    # dropout is identity in eval mode
    edge_combined = jnp.concatenate([edge_index_corr, edge_index_vendor], axis=1)
    h = act(_ln(_gcn_conv(h, edge_combined, W_refine, b_refine), g_refine, beta_refine))
    out = (h @ W_out.T + b_out)[:, 0]
    return out

if __name__ == "__main__":
    import jax
    _d = setup_inputs()
    print(jax.jit(kernel)(*tuple(_d.values())))

</pallas_src>

<mosaic_0001>
#map = affine_map<(d0, d1) -> (0, 0)>
#map1 = affine_map<(d0, d1) -> (0, 0, 0)>
module attributes {stable_mosaic.version = 14 : i64} {
  func.func @_sc_agg1(%arg0: i32, %arg1: i32, %arg2: memref<10240x128xf32, #tpu.memory_space<hbm>>, %arg3: memref<10240x128xf32, #tpu.memory_space<hbm>>, %arg4: memref<16x160x128xi32, #tpu.memory_space<hbm>>, %arg5: memref<16x160x128xi32, #tpu.memory_space<hbm>>, %arg6: memref<16x160x128xi32, #tpu.memory_space<hbm>>, %arg7: memref<16x160x128xi32, #tpu.memory_space<hbm>>, %arg8: memref<640x48xf32, #tpu.memory_space<hbm>>, %arg9: memref<2x10240x128xf32, #tpu.memory_space<hbm>>, %arg10: memref<10240x48xf32, #tpu.memory_space<vmem_shared>>, %arg11: memref<10240x48xf32, #tpu.memory_space<vmem_shared>>, %arg12: memref<160x128xi32, #tpu.memory_space<vmem>>, %arg13: memref<160x128xi32, #tpu.memory_space<vmem>>, %arg14: memref<128x48xf32, #tpu.memory_space<vmem>>, %arg15: memref<128x48xf32, #tpu.memory_space<vmem>>, %arg16: memref<128x48xf32, #tpu.memory_space<vmem>>, %arg17: memref<128x48xf32, #tpu.memory_space<vmem>>, %arg18: memref<!tpu.dma_semaphore, #tpu.memory_space<semaphore_mem>>, %arg19: memref<!tpu.dma_semaphore, #tpu.memory_space<semaphore_mem>>, %arg20: memref<!tpu.dma_semaphore, #tpu.memory_space<semaphore_mem>>, %arg21: memref<!tpu.dma_semaphore, #tpu.memory_space<semaphore_mem>>, %arg22: memref<!tpu.dma_semaphore, #tpu.memory_space<semaphore_mem>>, %arg23: memref<!tpu.dma_semaphore, #tpu.memory_space<semaphore_mem>>, %arg24: memref<!tpu.dma_semaphore, #tpu.memory_space<semaphore_mem>>, %arg25: memref<!tpu.dma_semaphore, #tpu.memory_space<semaphore_mem>>) attributes {dimension_semantics = [#tpu.dimension_semantics<core_parallel>, #tpu.dimension_semantics<subcore_parallel>], iteration_bounds = array<i64: 2, 16>, scalar_prefetch = 0 : i64, scratch_operands = 16 : i64, tpu.core_type = #tpu.core_type<sc_vector_subcore>, window_params = [{transform_indices = #map}, {transform_indices = #map}, {transform_indices = #map1}, {transform_indices = #map1}, {transform_indices = #map1}, {transform_indices = #map1}, {transform_indices = #map}, {transform_indices = #map1}]} {
    %mul3A = arith.constant 640 : i32
    %mul3A_0 = arith.muli %arg1, %mul3A : i32
    "tpu.region"() ({
      %run_scoped3A = tpu.sem_alloc : memref<!tpu.dma_semaphore, #tpu.memory_space<semaphore_mem>>
      %dma_start3A_56 = arith.constant 0 : i32
      %dma_start3A_57 = tpu.memref_slice %arg10[%mul3A_0, %dma_start3A_56] : memref<10240x48xf32, #tpu.memory_space<vmem_shared>> -> memref<640x48xf32, #tpu.memory_space<vmem_shared>>
      tpu.enqueue_dma source(%arg8 : memref<640x48xf32, #tpu.memory_space<hbm>>) target(%dma_start3A_57 : memref<640x48xf32, #tpu.memory_space<vmem_shared>>) target_semaphore(%run_scoped3A : memref<!tpu.dma_semaphore, #tpu.memory_space<semaphore_mem>>)
      %dma_wait3A_58 = arith.constant 0 : i32
      %dma_wait3A_59 = tpu.memref_slice %arg10[%mul3A_0, %dma_wait3A_58] : memref<10240x48xf32, #tpu.memory_space<vmem_shared>> -> memref<640x48xf32, #tpu.memory_space<vmem_shared>>
      tpu.wait_dma2 semaphore(%run_scoped3A : memref<!tpu.dma_semaphore, #tpu.memory_space<semaphore_mem>>) src(%arg8 : memref<640x48xf32, #tpu.memory_space<hbm>>) dst(%dma_wait3A_59 : memref<640x48xf32, #tpu.memory_space<vmem_shared>>)
      tpu.yield
    }) : () -> ()
    %eq3A = arith.constant 0 : i32
    %eq3A_1 = arith.cmpi eq, %arg0, %eq3A : i32
    %convert_element_type3A = arith.extui %eq3A_1 : i1 to i32
    %cond3A = arith.constant 0 : i32
    %cond3A_2 = arith.cmpi ne, %convert_element_type3A, %cond3A : i32
    scf.if %cond3A_2 {
      "tpu.region"() ({
        %run_scoped3A = tpu.sem_alloc : memref<!tpu.dma_semaphore, #tpu.memory_space<semaphore_mem>>
        %dma_start3A_56 = arith.constant 0 : i32
        %dma_start3A_57 = tpu.memref_slice %arg11[%mul3A_0, %dma_start3A_56] : memref<10240x48xf32, #tpu.memory_space<vmem_shared>> -> memref<640x48xf32, #tpu.memory_space<vmem_shared>>
        %dma_start3A_58 = arith.constant 0 : i32
        %dma_start3A_59 = tpu.memref_slice %arg2[%mul3A_0, %dma_start3A_58] : memref<10240x128xf32, #tpu.memory_space<hbm>> -> memref<640x48xf32, #tpu.memory_space<hbm>>
        tpu.enqueue_dma source(%dma_start3A_59 : memref<640x48xf32, #tpu.memory_space<hbm>>) target(%dma_start3A_57 : memref<640x48xf32, #tpu.memory_space<vmem_shared>>) target_semaphore(%run_scoped3A : memref<!tpu.dma_semaphore, #tpu.memory_space<semaphore_mem>>)
        %dma_wait3A_60 = arith.constant 0 : i32
        %dma_wait3A_61 = tpu.memref_slice %arg11[%mul3A_0, %dma_wait3A_60] : memref<10240x48xf32, #tpu.memory_space<vmem_shared>> -> memref<640x48xf32, #tpu.memory_space<vmem_shared>>
        %dma_wait3A_62 = arith.constant 0 : i32
        %dma_wait3A_63 = tpu.memref_slice %arg2[%mul3A_0, %dma_wait3A_62] : memref<10240x128xf32, #tpu.memory_space<hbm>> -> memref<640x48xf32, #tpu.memory_space<hbm>>
        tpu.wait_dma2 semaphore(%run_scoped3A : memref<!tpu.dma_semaphore, #tpu.memory_space<semaphore_mem>>) src(%dma_wait3A_63 : memref<640x48xf32, #tpu.memory_space<hbm>>) dst(%dma_wait3A_61 : memref<640x48xf32, #tpu.memory_space<vmem_shared>>)
        tpu.yield
      }) : () -> ()
      "tpu.region"() ({
        %run_scoped3A = tpu.sem_alloc : memref<!tpu.dma_semaphore, #tpu.memory_space<semaphore_mem>>
        %dma_start3A_56 = arith.constant 0 : i32
        %dma_start3A_57 = arith.constant 0 : i32
        %dma_start3A_58 = tpu.memref_slice %arg4[%arg1, %dma_start3A_56, %dma_start3A_57] : memref<16x160x128xi32, #tpu.memory_space<hbm>> -> memref<1x160x128xi32, #tpu.memory_space<hbm>>
        %dma_start3A_59 = tpu.memref_squeeze %dma_start3A_58 : memref<1x160x128xi32, #tpu.memory_space<hbm>> -> memref<160x128xi32, #tpu.memory_space<hbm>>
        %dma_start3A_60 = arith.constant 0 : i32
        %dma_start3A_61 = arith.constant 0 : i32
        %dma_start3A_62 = tpu.memref_slice %arg4[%arg1, %dma_start3A_60, %dma_start3A_61] : memref<16x160x128xi32, #tpu.memory_space<hbm>> -> memref<1x160x128xi32, #tpu.memory_space<hbm>>
        %dma_start3A_63 = tpu.memref_squeeze %dma_start3A_62 : memref<1x160x128xi32, #tpu.memory_space<hbm>> -> memref<160x128xi32, #tpu.memory_space<hbm>>
        tpu.enqueue_dma source(%dma_start3A_63 : memref<160x128xi32, #tpu.memory_space<hbm>>) target(%arg12 : memref<160x128xi32, #tpu.memory_space<vmem>>) target_semaphore(%run_scoped3A : memref<!tpu.dma_semaphore, #tpu.memory_space<semaphore_mem>>)
        %dma_wait3A_64 = arith.constant 0 : i32
        %dma_wait3A_65 = arith.constant 0 : i32
        %dma_wait3A_66 = tpu.memref_slice %arg4[%arg1, %dma_wait3A_64, %dma_wait3A_65] : memref<16x160x128xi32, #tpu.memory_space<hbm>> -> memref<1x160x128xi32, #tpu.memory_space<hbm>>
        %dma_wait3A_67 = tpu.memref_squeeze %dma_wait3A_66 : memref<1x160x128xi32, #tpu.memory_space<hbm>> -> memref<160x128xi32, #tpu.memory_space<hbm>>
        %dma_wait3A_68 = arith.constant 0 : i32
        %dma_wait3A_69 = arith.constant 0 : i32
        %dma_wait3A_70 = tpu.memref_slice %arg4[%arg1, %dma_wait3A_68, %dma_wait3A_69] : memref<16x160x128xi32, #tpu.memory_space<hbm>> -> memref<1x160x128xi32, #tpu.memory_space<hbm>>
        %dma_wait3A_71 = tpu.memref_squeeze %dma_wait3A_70 : memref<1x160x128xi32, #tpu.memory_space<hbm>> -> memref<160x128xi32, #tpu.memory_space<hbm>>
        tpu.wait_dma2 semaphore(%run_scoped3A : memref<!tpu.dma_semaphore, #tpu.memory_space<semaphore_mem>>) src(%dma_wait3A_71 : memref<160x128xi32, #tpu.memory_space<hbm>>) dst(%arg12 : memref<160x128xi32, #tpu.memory_space<vmem>>)
        tpu.yield
      }) : () -> ()
      "tpu.region"() ({
        %run_scoped3A = tpu.sem_alloc : memref<!tpu.dma_semaphore, #tpu.memory_space<semaphore_mem>>
        %dma_start3A_56 = arith.constant 0 : i32
        %dma_start3A_57 = arith.constant 0 : i32
        %dma_start3A_58 = tpu.memref_slice %arg5[%arg1, %dma_start3A_56, %dma_start3A_57] : memref<16x160x128xi32, #tpu.memory_space<hbm>> -> memref<1x160x128xi32, #tpu.memory_space<hbm>>
        %dma_start3A_59 = tpu.memref_squeeze %dma_start3A_58 : memref<1x160x128xi32, #tpu.memory_space<hbm>> -> memref<160x128xi32, #tpu.memory_space<hbm>>
        %dma_start3A_60 = arith.constant 0 : i32
        %dma_start3A_61 = arith.constant 0 : i32
        %dma_start3A_62 = tpu.memref_slice %arg5[%arg1, %dma_start3A_60, %dma_start3A_61] : memref<16x160x128xi32, #tpu.memory_space<hbm>> -> memref<1x160x128xi32, #tpu.memory_space<hbm>>
        %dma_start3A_63 = tpu.memref_squeeze %dma_start3A_62 : memref<1x160x128xi32, #tpu.memory_space<hbm>> -> memref<160x128xi32, #tpu.memory_space<hbm>>
        tpu.enqueue_dma source(%dma_start3A_63 : memref<160x128xi32, #tpu.memory_space<hbm>>) target(%arg13 : memref<160x128xi32, #tpu.memory_space<vmem>>) target_semaphore(%run_scoped3A : memref<!tpu.dma_semaphore, #tpu.memory_space<semaphore_mem>>)
        %dma_wait3A_64 = arith.constant 0 : i32
        %dma_wait3A_65 = arith.constant 0 : i32
        %dma_wait3A_66 = tpu.memref_slice %arg5[%arg1, %dma_wait3A_64, %dma_wait3A_65] : memref<16x160x128xi32, #tpu.memory_space<hbm>> -> memref<1x160x128xi32, #tpu.memory_space<hbm>>
        %dma_wait3A_67 = tpu.memref_squeeze %dma_wait3A_66 : memref<1x160x128xi32, #tpu.memory_space<hbm>> -> memref<160x128xi32, #tpu.memory_space<hbm>>
        %dma_wait3A_68 = arith.constant 0 : i32
        %dma_wait3A_69 = arith.constant 0 : i32
        %dma_wait3A_70 = tpu.memref_slice %arg5[%arg1, %dma_wait3A_68, %dma_wait3A_69] : memref<16x160x128xi32, #tpu.memory_space<hbm>> -> memref<1x160x128xi32, #tpu.memory_space<hbm>>
        %dma_wait3A_71 = tpu.memref_squeeze %dma_wait3A_70 : memref<1x160x128xi32, #tpu.memory_space<hbm>> -> memref<160x128xi32, #tpu.memory_space<hbm>>
        tpu.wait_dma2 semaphore(%run_scoped3A : memref<!tpu.dma_semaphore, #tpu.memory_space<semaphore_mem>>) src(%dma_wait3A_71 : memref<160x128xi32, #tpu.memory_space<hbm>>) dst(%arg13 : memref<160x128xi32, #tpu.memory_space<vmem>>)
        tpu.yield
      }) : () -> ()
    } else {
    }
    %eq3A_3 = arith.constant 1 : i32
    %eq3A_4 = arith.cmpi eq, %arg0, %eq3A_3 : i32
    %convert_element_type3A_5 = arith.extui %eq3A_4 : i1 to i32
    %cond3A_6 = arith.constant 0 : i32
    %cond3A_7 = arith.cmpi ne, %convert_element_type3A_5, %cond3A_6 : i32
    scf.if %cond3A_7 {
      "tpu.region"() ({
        %run_scoped3A = tpu.sem_alloc : memref<!tpu.dma_semaphore, #tpu.memory_space<semaphore_mem>>
        %dma_start3A_56 = arith.constant 0 : i32
        %dma_start3A_57 = tpu.memref_slice %arg11[%mul3A_0, %dma_start3A_56] : memref<10240x48xf32, #tpu.memory_space<vmem_shared>> -> memref<640x48xf32, #tpu.memory_space<vmem_shared>>
        %dma_start3A_58 = arith.constant 0 : i32
        %dma_start3A_59 = tpu.memref_slice %arg3[%mul3A_0, %dma_start3A_58] : memref<10240x128xf32, #tpu.memory_space<hbm>> -> memref<640x48xf32, #tpu.memory_space<hbm>>
        tpu.enqueue_dma source(%dma_start3A_59 : memref<640x48xf32, #tpu.memory_space<hbm>>) target(%dma_start3A_57 : memref<640x48xf32, #tpu.memory_space<vmem_shared>>) target_semaphore(%run_scoped3A : memref<!tpu.dma_semaphore, #tpu.memory_space<semaphore_mem>>)
        %dma_wait3A_60 = arith.constant 0 : i32
        %dma_wait3A_61 = tpu.memref_slice %arg11[%mul3A_0, %dma_wait3A_60] : memref<10240x48xf32, #tpu.memory_space<vmem_shared>> -> memref<640x48xf32, #tpu.memory_space<vmem_shared>>
        %dma_wait3A_62 = arith.constant 0 : i32
        %dma_wait3A_63 = tpu.memref_slice %arg3[%mul3A_0, %dma_wait3A_62] : memref<10240x128xf32, #tpu.memory_space<hbm>> -> memref<640x48xf32, #tpu.memory_space<hbm>>
        tpu.wait_dma2 semaphore(%run_scoped3A : memref<!tpu.dma_semaphore, #tpu.memory_space<semaphore_mem>>) src(%dma_wait3A_63 : memref<640x48xf32, #tpu.memory_space<hbm>>) dst(%dma_wait3A_61 : memref<640x48xf32, #tpu.memory_space<vmem_shared>>)
        tpu.yield
      }) : () -> ()
      "tpu.region"() ({
        %run_scoped3A = tpu.sem_alloc : memref<!tpu.dma_semaphore, #tpu.memory_space<semaphore_mem>>
        %dma_start3A_56 = arith.constant 0 : i32
        %dma_start3A_57 = arith.constant 0 : i32
        %dma_start3A_58 = tpu.memref_slice %arg6[%arg1, %dma_start3A_56, %dma_start3A_57] : memref<16x160x128xi32, #tpu.memory_space<hbm>> -> memref<1x160x128xi32, #tpu.memory_space<hbm>>
        %dma_start3A_59 = tpu.memref_squeeze %dma_start3A_58 : memref<1x160x128xi32, #tpu.memory_space<hbm>> -> memref<160x128xi32, #tpu.memory_space<hbm>>
        %dma_start3A_60 = arith.constant 0 : i32
        %dma_start3A_61 = arith.constant 0 : i32
        %dma_start3A_62 = tpu.memref_slice %arg6[%arg1, %dma_start3A_60, %dma_start3A_61] : memref<16x160x128xi32, #tpu.memory_space<hbm>> -> memref<1x160x128xi32, #tpu.memory_space<hbm>>
        %dma_start3A_63 = tpu.memref_squeeze %dma_start3A_62 : memref<1x160x128xi32, #tpu.memory_space<hbm>> -> memref<160x128xi32, #tpu.memory_space<hbm>>
        tpu.enqueue_dma source(%dma_start3A_63 : memref<160x128xi32, #tpu.memory_space<hbm>>) target(%arg12 : memref<160x128xi32, #tpu.memory_space<vmem>>) target_semaphore(%run_scoped3A : memref<!tpu.dma_semaphore, #tpu.memory_space<semaphore_mem>>)
        %dma_wait3A_64 = arith.constant 0 : i32
        %dma_wait3A_65 = arith.constant 0 : i32
        %dma_wait3A_66 = tpu.memref_slice %arg6[%arg1, %dma_wait3A_64, %dma_wait3A_65] : memref<16x160x128xi32, #tpu.memory_space<hbm>> -> memref<1x160x128xi32, #tpu.memory_space<hbm>>
        %dma_wait3A_67 = tpu.memref_squeeze %dma_wait3A_66 : memref<1x160x128xi32, #tpu.memory_space<hbm>> -> memref<160x128xi32, #tpu.memory_space<hbm>>
        %dma_wait3A_68 = arith.constant 0 : i32
        %dma_wait3A_69 = arith.constant 0 : i32
        %dma_wait3A_70 = tpu.memref_slice %arg6[%arg1, %dma_wait3A_68, %dma_wait3A_69] : memref<16x160x128xi32, #tpu.memory_space<hbm>> -> memref<1x160x128xi32, #tpu.memory_space<hbm>>
        %dma_wait3A_71 = tpu.memref_squeeze %dma_wait3A_70 : memref<1x160x128xi32, #tpu.memory_space<hbm>> -> memref<160x128xi32, #tpu.memory_space<hbm>>
        tpu.wait_dma2 semaphore(%run_scoped3A : memref<!tpu.dma_semaphore, #tpu.memory_space<semaphore_mem>>) src(%dma_wait3A_71 : memref<160x128xi32, #tpu.memory_space<hbm>>) dst(%arg12 : memref<160x128xi32, #tpu.memory_space<vmem>>)
        tpu.yield
      }) : () -> ()
      "tpu.region"() ({
        %run_scoped3A = tpu.sem_alloc : memref<!tpu.dma_semaphore, #tpu.memory_space<semaphore_mem>>
        %dma_start3A_56 = arith.constant 0 : i32
        %dma_start3A_57 = arith.constant 0 : i32
        %dma_start3A_58 = tpu.memref_slice %arg7[%arg1, %dma_start3A_56, %dma_start3A_57] : memref<16x160x128xi32, #tpu.memory_space<hbm>> -> memref<1x160x128xi32, #tpu.memory_space<hbm>>
        %dma_start3A_59 = tpu.memref_squeeze %dma_start3A_58 : memref<1x160x128xi32, #tpu.memory_space<hbm>> -> memref<160x128xi32, #tpu.memory_space<hbm>>
        %dma_start3A_60 = arith.constant 0 : i32
        %dma_start3A_61 = arith.constant 0 : i32
        %dma_start3A_62 = tpu.memref_slice %arg7[%arg1, %dma_start3A_60, %dma_start3A_61] : memref<16x160x128xi32, #tpu.memory_space<hbm>> -> memref<1x160x128xi32, #tpu.memory_space<hbm>>
        %dma_start3A_63 = tpu.memref_squeeze %dma_start3A_62 : memref<1x160x128xi32, #tpu.memory_space<hbm>> -> memref<160x128xi32, #tpu.memory_space<hbm>>
        tpu.enqueue_dma source(%dma_start3A_63 : memref<160x128xi32, #tpu.memory_space<hbm>>) target(%arg13 : memref<160x128xi32, #tpu.memory_space<vmem>>) target_semaphore(%run_scoped3A : memref<!tpu.dma_semaphore, #tpu.memory_space<semaphore_mem>>)
        %dma_wait3A_64 = arith.constant 0 : i32
        %dma_wait3A_65 = arith.constant 0 : i32
        %dma_wait3A_66 = tpu.memref_slice %arg7[%arg1, %dma_wait3A_64, %dma_wait3A_65] : memref<16x160x128xi32, #tpu.memory_space<hbm>> -> memref<1x160x128xi32, #tpu.memory_space<hbm>>
        %dma_wait3A_67 = tpu.memref_squeeze %dma_wait3A_66 : memref<1x160x128xi32, #tpu.memory_space<hbm>> -> memref<160x128xi32, #tpu.memory_space<hbm>>
        %dma_wait3A_68 = arith.constant 0 : i32
        %dma_wait3A_69 = arith.constant 0 : i32
        %dma_wait3A_70 = tpu.memref_slice %arg7[%arg1, %dma_wait3A_68, %dma_wait3A_69] : memref<16x160x128xi32, #tpu.memory_space<hbm>> -> memref<1x160x128xi32, #tpu.memory_space<hbm>>
        %dma_wait3A_71 = tpu.memref_squeeze %dma_wait3A_70 : memref<1x160x128xi32, #tpu.memory_space<hbm>> -> memref<160x128xi32, #tpu.memory_space<hbm>>
        tpu.wait_dma2 semaphore(%run_scoped3A : memref<!tpu.dma_semaphore, #tpu.memory_space<semaphore_mem>>) src(%dma_wait3A_71 : memref<160x128xi32, #tpu.memory_space<hbm>>) dst(%arg13 : memref<160x128xi32, #tpu.memory_space<vmem>>)
        tpu.yield
      }) : () -> ()
    } else {
    }
    %barrier3A = arith.constant 0 : index
    tpu.barrier barrier_id(%barrier3A)
    %dma_start3A = arith.constant 0 : i32
    %dma_start3A_8 = arith.constant 0 : i32
    %dma_start3A_9 = tpu.memref_slice %arg12[%dma_start3A, %dma_start3A_8] : memref<160x128xi32, #tpu.memory_space<vmem>> -> memref<1x128xi32, #tpu.memory_space<vmem>>
    %dma_start3A_10 = tpu.memref_squeeze %dma_start3A_9 : memref<1x128xi32, #tpu.memory_space<vmem>> -> memref<128xi32, #tpu.memory_space<vmem>>
    %dma_start3A_11 = arith.constant 0 : i32
    %dma_start3A_12 = arith.constant 0 : i32
    %dma_start3A_13 = tpu.memref_slice %arg11[%dma_start3A_11, %dma_start3A_12] : memref<10240x48xf32, #tpu.memory_space<vmem_shared>> -> memref<10240x48xf32, #tpu.memory_space<vmem_shared>>
    tpu.enqueue_indirect_dma source(%dma_start3A_13 : memref<10240x48xf32, #tpu.memory_space<vmem_shared>>) target(%arg14 : memref<128x48xf32, #tpu.memory_space<vmem>>) offsets(%dma_start3A_10 : memref<128xi32, #tpu.memory_space<vmem>>) semaphore(%arg18 : memref<!tpu.dma_semaphore, #tpu.memory_space<semaphore_mem>>)
    %dma_start3A_14 = arith.constant 1 : i32
    %dma_start3A_15 = arith.constant 0 : i32
    %dma_start3A_16 = tpu.memref_slice %arg12[%dma_start3A_14, %dma_start3A_15] : memref<160x128xi32, #tpu.memory_space<vmem>> -> memref<1x128xi32, #tpu.memory_space<vmem>>
    %dma_start3A_17 = tpu.memref_squeeze %dma_start3A_16 : memref<1x128xi32, #tpu.memory_space<vmem>> -> memref<128xi32, #tpu.memory_space<vmem>>
    %dma_start3A_18 = arith.constant 0 : i32
    %dma_start3A_19 = arith.constant 0 : i32
    %dma_start3A_20 = tpu.memref_slice %arg11[%dma_start3A_18, %dma_start3A_19] : memref<10240x48xf32, #tpu.memory_space<vmem_shared>> -> memref<10240x48xf32, #tpu.memory_space<vmem_shared>>
    tpu.enqueue_indirect_dma source(%dma_start3A_20 : memref<10240x48xf32, #tpu.memory_space<vmem_shared>>) target(%arg15 : memref<128x48xf32, #tpu.memory_space<vmem>>) offsets(%dma_start3A_17 : memref<128xi32, #tpu.memory_space<vmem>>) semaphore(%arg19 : memref<!tpu.dma_semaphore, #tpu.memory_space<semaphore_mem>>)
    %dma_start3A_21 = arith.constant 2 : i32
    %dma_start3A_22 = arith.constant 0 : i32
    %dma_start3A_23 = tpu.memref_slice %arg12[%dma_start3A_21, %dma_start3A_22] : memref<160x128xi32, #tpu.memory_space<vmem>> -> memref<1x128xi32, #tpu.memory_space<vmem>>
    %dma_start3A_24 = tpu.memref_squeeze %dma_start3A_23 : memref<1x128xi32, #tpu.memory_space<vmem>> -> memref<128xi32, #tpu.memory_space<vmem>>
    %dma_start3A_25 = arith.constant 0 : i32
    %dma_start3A_26 = arith.constant 0 : i32
    %dma_start3A_27 = tpu.memref_slice %arg11[%dma_start3A_25, %dma_start3A_26] : memref<10240x48xf32, #tpu.memory_space<vmem_shared>> -> memref<10240x48xf32, #tpu.memory_space<vmem_shared>>
    tpu.enqueue_indirect_dma source(%dma_start3A_27 : memref<10240x48xf32, #tpu.memory_space<vmem_shared>>) target(%arg16 : memref<128x48xf32, #tpu.memory_space<vmem>>) offsets(%dma_start3A_24 : memref<128xi32, #tpu.memory_space<vmem>>) semaphore(%arg20 : memref<!tpu.dma_semaphore, #tpu.memory_space<semaphore_mem>>)
    %scan3A = arith.constant 0 : i32
    %scan3A_28 = arith.constant 40 : i32
    %scan3A_29 = arith.addi %scan3A, %scan3A_28 : i32
    %scan3A_30 = arith.constant 1 : i32
    scf.for %scan3A_56 = %scan3A to %scan3A_29 step %scan3A_30  : i32 {
      %mul3A_57 = arith.constant 4 : i32
      %mul3A_58 = arith.muli %scan3A_56, %mul3A_57 : i32
      %add3A = arith.constant 0 : i32
      %add3A_59 = arith.addi %add3A, %mul3A_58 : i32
      %add3A_60 = arith.constant 0 : i32
      %add3A_61 = arith.addi %add3A_59, %add3A_60 : i32
      %add3A_62 = arith.constant 3 : i32
      %add3A_63 = arith.addi %add3A_61, %add3A_62 : i32
      %dma_wait3A_64 = arith.constant 0 : i32
      %dma_wait3A_65 = tpu.memref_slice %arg12[%add3A_61, %dma_wait3A_64] : memref<160x128xi32, #tpu.memory_space<vmem>> -> memref<1x128xi32, #tpu.memory_space<vmem>>
      %dma_wait3A_66 = tpu.memref_squeeze %dma_wait3A_65 : memref<1x128xi32, #tpu.memory_space<vmem>> -> memref<128xi32, #tpu.memory_space<vmem>>
      %dma_wait3A_67 = arith.constant 0 : i32
      %dma_wait3A_68 = arith.constant 0 : i32
      %dma_wait3A_69 = tpu.memref_slice %arg11[%dma_wait3A_67, %dma_wait3A_68] : memref<10240x48xf32, #tpu.memory_space<vmem_shared>> -> memref<10240x48xf32, #tpu.memory_space<vmem_shared>>
      tpu.wait_indirect_dma semaphore(%arg18 : memref<!tpu.dma_semaphore, #tpu.memory_space<semaphore_mem>>) src(%dma_wait3A_69 : memref<10240x48xf32, #tpu.memory_space<vmem_shared>>) dst(%arg14 : memref<128x48xf32, #tpu.memory_space<vmem>>)
      %dma_start3A_70 = arith.constant 0 : i32
      %dma_start3A_71 = tpu.memref_slice %arg13[%add3A_61, %dma_start3A_70] : memref<160x128xi32, #tpu.memory_space<vmem>> -> memref<1x128xi32, #tpu.memory_space<vmem>>
      %dma_start3A_72 = tpu.memref_squeeze %dma_start3A_71 : memref<1x128xi32, #tpu.memory_space<vmem>> -> memref<128xi32, #tpu.memory_space<vmem>>
      %dma_start3A_73 = arith.constant 0 : i32
      %dma_start3A_74 = arith.constant 0 : i32
      %dma_start3A_75 = tpu.memref_slice %arg10[%dma_start3A_73, %dma_start3A_74] : memref<10240x48xf32, #tpu.memory_space<vmem_shared>> -> memref<10240x48xf32, #tpu.memory_space<vmem_shared>>
      tpu.enqueue_indirect_dma source(%arg14 : memref<128x48xf32, #tpu.memory_space<vmem>>) target(%dma_start3A_75 : memref<10240x48xf32, #tpu.memory_space<vmem_shared>>) offsets(%dma_start3A_72 : memref<128xi32, #tpu.memory_space<vmem>>) semaphore(%arg22 : memref<!tpu.dma_semaphore, #tpu.memory_space<semaphore_mem>>) {add = true}
      %lt3A = arith.constant 160 : i32
      %lt3A_76 = arith.cmpi slt, %add3A_63, %lt3A : i32
      %convert_element_type3A_77 = arith.extui %lt3A_76 : i1 to i32
      %cond3A_78 = arith.constant 0 : i32
      %cond3A_79 = arith.cmpi ne, %convert_element_type3A_77, %cond3A_78 : i32
      scf.if %cond3A_79 {
        %ge3A = arith.constant 4 : i32
        %ge3A_143 = arith.cmpi sge, %add3A_63, %ge3A : i32
        %convert_element_type3A_144 = arith.extui %ge3A_143 : i1 to i32
        %cond3A_145 = arith.constant 0 : i32
        %cond3A_146 = arith.cmpi ne, %convert_element_type3A_144, %cond3A_145 : i32
        scf.if %cond3A_146 {
          %dma_wait3A_153 = arith.constant 0 : i32
          %dma_wait3A_154 = arith.constant 0 : i32
          %dma_wait3A_155 = tpu.memref_slice %arg8[%dma_wait3A_153, %dma_wait3A_154] : memref<640x48xf32, #tpu.memory_space<hbm>> -> memref<128x48xf32, #tpu.memory_space<hbm>>
          %dma_wait3A_156 = arith.constant 0 : i32
          %dma_wait3A_157 = arith.constant 0 : i32
          %dma_wait3A_158 = tpu.memref_slice %arg8[%dma_wait3A_156, %dma_wait3A_157] : memref<640x48xf32, #tpu.memory_space<hbm>> -> memref<128x48xf32, #tpu.memory_space<hbm>>
          tpu.wait_dma2 semaphore(%arg25 : memref<!tpu.dma_semaphore, #tpu.memory_space<semaphore_mem>>) src(%dma_wait3A_158 : memref<128x48xf32, #tpu.memory_space<hbm>>) dst(%arg17 : memref<128x48xf32, #tpu.memory_space<vmem>>)
        } else {
        }
        %dma_start3A_147 = arith.constant 0 : i32
        %dma_start3A_148 = tpu.memref_slice %arg12[%add3A_63, %dma_start3A_147] : memref<160x128xi32, #tpu.memory_space<vmem>> -> memref<1x128xi32, #tpu.memory_space<vmem>>
        %dma_start3A_149 = tpu.memref_squeeze %dma_start3A_148 : memref<1x128xi32, #tpu.memory_space<vmem>> -> memref<128xi32, #tpu.memory_space<vmem>>
        %dma_start3A_150 = arith.constant 0 : i32
        %dma_start3A_151 = arith.constant 0 : i32
        %dma_start3A_152 = tpu.memref_slice %arg11[%dma_start3A_150, %dma_start3A_151] : memref<10240x48xf32, #tpu.memory_space<vmem_shared>> -> memref<10240x48xf32, #tpu.memory_space<vmem_shared>>
        tpu.enqueue_indirect_dma source(%dma_start3A_152 : memref<10240x48xf32, #tpu.memory_space<vmem_shared>>) target(%arg17 : memref<128x48xf32, #tpu.memory_space<vmem>>) offsets(%dma_start3A_149 : memref<128xi32, #tpu.memory_space<vmem>>) semaphore(%arg21 : memref<!tpu.dma_semaphore, #tpu.memory_space<semaphore_mem>>)
      } else {
      }
      %add3A_80 = arith.constant 1 : i32
      %add3A_81 = arith.addi %add3A_59, %add3A_80 : i32
      %add3A_82 = arith.constant 3 : i32
      %add3A_83 = arith.addi %add3A_81, %add3A_82 : i32
      %dma_wait3A_84 = arith.constant 0 : i32
      %dma_wait3A_85 = tpu.memref_slice %arg12[%add3A_81, %dma_wait3A_84] : memref<160x128xi32, #tpu.memory_space<vmem>> -> memref<1x128xi32, #tpu.memory_space<vmem>>
      %dma_wait3A_86 = tpu.memref_squeeze %dma_wait3A_85 : memref<1x128xi32, #tpu.memory_space<vmem>> -> memref<128xi32, #tpu.memory_space<vmem>>
      %dma_wait3A_87 = arith.constant 0 : i32
      %dma_wait3A_88 = arith.constant 0 : i32
      %dma_wait3A_89 = tpu.memref_slice %arg11[%dma_wait3A_87, %dma_wait3A_88] : memref<10240x48xf32, #tpu.memory_space<vmem_shared>> -> memref<10240x48xf32, #tpu.memory_space<vmem_shared>>
      tpu.wait_indirect_dma semaphore(%arg19 : memref<!tpu.dma_semaphore, #tpu.memory_space<semaphore_mem>>) src(%dma_wait3A_89 : memref<10240x48xf32, #tpu.memory_space<vmem_shared>>) dst(%arg15 : memref<128x48xf32, #tpu.memory_space<vmem>>)
      %dma_start3A_90 = arith.constant 0 : i32
      %dma_start3A_91 = tpu.memref_slice %arg13[%add3A_81, %dma_start3A_90] : memref<160x128xi32, #tpu.memory_space<vmem>> -> memref<1x128xi32, #tpu.memory_space<vmem>>
      %dma_start3A_92 = tpu.memref_squeeze %dma_start3A_91 : memref<1x128xi32, #tpu.memory_space<vmem>> -> memref<128xi32, #tpu.memory_space<vmem>>
      %dma_start3A_93 = arith.constant 0 : i32
      %dma_start3A_94 = arith.constant 0 : i32
      %dma_start3A_95 = tpu.memref_slice %arg10[%dma_start3A_93, %dma_start3A_94] : memref<10240x48xf32, #tpu.memory_space<vmem_shared>> -> memref<10240x48xf32, #tpu.memory_space<vmem_shared>>
      tpu.enqueue_indirect_dma source(%arg15 : memref<128x48xf32, #tpu.memory_space<vmem>>) target(%dma_start3A_95 : memref<10240x48xf32, #tpu.memory_space<vmem_shared>>) offsets(%dma_start3A_92 : memref<128xi32, #tpu.memory_space<vmem>>) semaphore(%arg23 : memref<!tpu.dma_semaphore, #tpu.memory_space<semaphore_mem>>) {add = true}
      %lt3A_96 = arith.constant 160 : i32
      %lt3A_97 = arith.cmpi slt, %add3A_83, %lt3A_96 : i32
      %convert_element_type3A_98 = arith.extui %lt3A_97 : i1 to i32
      %cond3A_99 = arith.constant 0 : i32
      %cond3A_100 = arith.cmpi ne, %convert_element_type3A_98, %cond3A_99 : i32
      scf.if %cond3A_100 {
        %ge3A = arith.constant 4 : i32
        %ge3A_143 = arith.cmpi sge, %add3A_83, %ge3A : i32
        %convert_element_type3A_144 = arith.extui %ge3A_143 : i1 to i32
        %cond3A_145 = arith.constant 0 : i32
        %cond3A_146 = arith.cmpi ne, %convert_element_type3A_144, %cond3A_145 : i32
        scf.if %cond3A_146 {
          %dma_wait3A_153 = arith.constant 0 : i32
          %dma_wait3A_154 = arith.constant 0 : i32
          %dma_wait3A_155 = tpu.memref_slice %arg8[%dma_wait3A_153, %dma_wait3A_154] : memref<640x48xf32, #tpu.memory_space<hbm>> -> memref<128x48xf32, #tpu.memory_space<hbm>>
          %dma_wait3A_156 = arith.constant 0 : i32
          %dma_wait3A_157 = arith.constant 0 : i32
          %dma_wait3A_158 = tpu.memref_slice %arg8[%dma_wait3A_156, %dma_wait3A_157] : memref<640x48xf32, #tpu.memory_space<hbm>> -> memref<128x48xf32, #tpu.memory_space<hbm>>
          tpu.wait_dma2 semaphore(%arg22 : memref<!tpu.dma_semaphore, #tpu.memory_space<semaphore_mem>>) src(%dma_wait3A_158 : memref<128x48xf32, #tpu.memory_space<hbm>>) dst(%arg14 : memref<128x48xf32, #tpu.memory_space<vmem>>)
        } else {
        }
        %dma_start3A_147 = arith.constant 0 : i32
        %dma_start3A_148 = tpu.memref_slice %arg12[%add3A_83, %dma_start3A_147] : memref<160x128xi32, #tpu.memory_space<vmem>> -> memref<1x128xi32, #tpu.memory_space<vmem>>
        %dma_start3A_149 = tpu.memref_squeeze %dma_start3A_148 : memref<1x128xi32, #tpu.memory_space<vmem>> -> memref<128xi32, #tpu.memory_space<vmem>>
        %dma_start3A_150 = arith.constant 0 : i32
        %dma_start3A_151 = arith.constant 0 : i32
        %dma_start3A_152 = tpu.memref_slice %arg11[%dma_start3A_150, %dma_start3A_151] : memref<10240x48xf32, #tpu.memory_space<vmem_shared>> -> memref<10240x48xf32, #tpu.memory_space<vmem_shared>>
        tpu.enqueue_indirect_dma source(%dma_start3A_152 : memref<10240x48xf32, #tpu.memory_space<vmem_shared>>) target(%arg14 : memref<128x48xf32, #tpu.memory_space<vmem>>) offsets(%dma_start3A_149 : memref<128xi32, #tpu.memory_space<vmem>>) semaphore(%arg18 : memref<!tpu.dma_semaphore, #tpu.memory_space<semaphore_mem>>)
      } else {
      }
      %add3A_101 = arith.constant 2 : i32
      %add3A_102 = arith.addi %add3A_59, %add3A_101 : i32
      %add3A_103 = arith.constant 3 : i32
      %add3A_104 = arith.addi %add3A_102, %add3A_103 : i32
      %dma_wait3A_105 = arith.constant 0 : i32
      %dma_wait3A_106 = tpu.memref_slice %arg12[%add3A_102, %dma_wait3A_105] : memref<160x128xi32, #tpu.memory_space<vmem>> -> memref<1x128xi32, #tpu.memory_space<vmem>>
      %dma_wait3A_107 = tpu.memref_squeeze %dma_wait3A_106 : memref<1x128xi32, #tpu.memory_space<vmem>> -> memref<128xi32, #tpu.memory_space<vmem>>
      %dma_wait3A_108 = arith.constant 0 : i32
      %dma_wait3A_109 = arith.constant 0 : i32
      %dma_wait3A_110 = tpu.memref_slice %arg11[%dma_wait3A_108, %dma_wait3A_109] : memref<10240x48xf32, #tpu.memory_space<vmem_shared>> -> memref<10240x48xf32, #tpu.memory_space<vmem_shared>>
      tpu.wait_indirect_dma semaphore(%arg20 : memref<!tpu.dma_semaphore, #tpu.memory_space<semaphore_mem>>) src(%dma_wait3A_110 : memref<10240x48xf32, #tpu.memory_space<vmem_shared>>) dst(%arg16 : memref<128x48xf32, #tpu.memory_space<vmem>>)
      %dma_start3A_111 = arith.constant 0 : i32
      %dma_start3A_112 = tpu.memref_slice %arg13[%add3A_102, %dma_start3A_111] : memref<160x128xi32, #tpu.memory_space<vmem>> -> memref<1x128xi32, #tpu.memory_space<vmem>>
      %dma_start3A_113 = tpu.memref_squeeze %dma_start3A_112 : memref<1x128xi32, #tpu.memory_space<vmem>> -> memref<128xi32, #tpu.memory_space<vmem>>
      %dma_start3A_114 = arith.constant 0 : i32
      %dma_start3A_115 = arith.constant 0 : i32
      %dma_start3A_116 = tpu.memref_slice %arg10[%dma_start3A_114, %dma_start3A_115] : memref<10240x48xf32, #tpu.memory_space<vmem_shared>> -> memref<10240x48xf32, #tpu.memory_space<vmem_shared>>
      tpu.enqueue_indirect_dma source(%arg16 : memref<128x48xf32, #tpu.memory_space<vmem>>) target(%dma_start3A_116 : memref<10240x48xf32, #tpu.memory_space<vmem_shared>>) offsets(%dma_start3A_113 : memref<128xi32, #tpu.memory_space<vmem>>) semaphore(%arg24 : memref<!tpu.dma_semaphore, #tpu.memory_space<semaphore_mem>>) {add = true}
      %lt3A_117 = arith.constant 160 : i32
      %lt3A_118 = arith.cmpi slt, %add3A_104, %lt3A_117 : i32
      %convert_element_type3A_119 = arith.extui %lt3A_118 : i1 to i32
      %cond3A_120 = arith.constant 0 : i32
      %cond3A_121 = arith.cmpi ne, %convert_element_type3A_119, %cond3A_120 : i32
      scf.if %cond3A_121 {
        %ge3A = arith.constant 4 : i32
        %ge3A_143 = arith.cmpi sge, %add3A_104, %ge3A : i32
        %convert_element_type3A_144 = arith.extui %ge3A_143 : i1 to i32
        %cond3A_145 = arith.constant 0 : i32
        %cond3A_146 = arith.cmpi ne, %convert_element_type3A_144, %cond3A_145 : i32
        scf.if %cond3A_146 {
          %dma_wait3A_153 = arith.constant 0 : i32
          %dma_wait3A_154 = arith.constant 0 : i32
          %dma_wait3A_155 = tpu.memref_slice %arg8[%dma_wait3A_153, %dma_wait3A_154] : memref<640x48xf32, #tpu.memory_space<hbm>> -> memref<128x48xf32, #tpu.memory_space<hbm>>
          %dma_wait3A_156 = arith.constant 0 : i32
          %dma_wait3A_157 = arith.constant 0 : i32
          %dma_wait3A_158 = tpu.memref_slice %arg8[%dma_wait3A_156, %dma_wait3A_157] : memref<640x48xf32, #tpu.memory_space<hbm>> -> memref<128x48xf32, #tpu.memory_space<hbm>>
          tpu.wait_dma2 semaphore(%arg23 : memref<!tpu.dma_semaphore, #tpu.memory_space<semaphore_mem>>) src(%dma_wait3A_158 : memref<128x48xf32, #tpu.memory_space<hbm>>) dst(%arg15 : memref<128x48xf32, #tpu.memory_space<vmem>>)
        } else {
        }
        %dma_start3A_147 = arith.constant 0 : i32
        %dma_start3A_148 = tpu.memref_slice %arg12[%add3A_104, %dma_start3A_147] : memref<160x128xi32, #tpu.memory_space<vmem>> -> memref<1x128xi32, #tpu.memory_space<vmem>>
        %dma_start3A_149 = tpu.memref_squeeze %dma_start3A_148 : memref<1x128xi32, #tpu.memory_space<vmem>> -> memref<128xi32, #tpu.memory_space<vmem>>
        %dma_start3A_150 = arith.constant 0 : i32
        %dma_start3A_151 = arith.constant 0 : i32
        %dma_start3A_152 = tpu.memref_slice %arg11[%dma_start3A_150, %dma_start3A_151] : memref<10240x48xf32, #tpu.memory_space<vmem_shared>> -> memref<10240x48xf32, #tpu.memory_space<vmem_shared>>
        tpu.enqueue_indirect_dma source(%dma_start3A_152 : memref<10240x48xf32, #tpu.memory_space<vmem_shared>>) target(%arg15 : memref<128x48xf32, #tpu.memory_space<vmem>>) offsets(%dma_start3A_149 : memref<128xi32, #tpu.memory_space<vmem>>) semaphore(%arg19 : memref<!tpu.dma_semaphore, #tpu.memory_space<semaphore_mem>>)
      } else {
      }
      %add3A_122 = arith.constant 3 : i32
      %add3A_123 = arith.addi %add3A_59, %add3A_122 : i32
      %add3A_124 = arith.constant 3 : i32
      %add3A_125 = arith.addi %add3A_123, %add3A_124 : i32
      %dma_wait3A_126 = arith.constant 0 : i32
      %dma_wait3A_127 = tpu.memref_slice %arg12[%add3A_123, %dma_wait3A_126] : memref<160x128xi32, #tpu.memory_space<vmem>> -> memref<1x128xi32, #tpu.memory_space<vmem>>
      %dma_wait3A_128 = tpu.memref_squeeze %dma_wait3A_127 : memref<1x128xi32, #tpu.memory_space<vmem>> -> memref<128xi32, #tpu.memory_space<vmem>>
      %dma_wait3A_129 = arith.constant 0 : i32
      %dma_wait3A_130 = arith.constant 0 : i32
      %dma_wait3A_131 = tpu.memref_slice %arg11[%dma_wait3A_129, %dma_wait3A_130] : memref<10240x48xf32, #tpu.memory_space<vmem_shared>> -> memref<10240x48xf32, #tpu.memory_space<vmem_shared>>
      tpu.wait_indirect_dma semaphore(%arg21 : memref<!tpu.dma_semaphore, #tpu.memory_space<semaphore_mem>>) src(%dma_wait3A_131 : memref<10240x48xf32, #tpu.memory_space<vmem_shared>>) dst(%arg17 : memref<128x48xf32, #tpu.memory_space<vmem>>)
      %dma_start3A_132 = arith.constant 0 : i32
      %dma_start3A_133 = tpu.memref_slice %arg13[%add3A_123, %dma_start3A_132] : memref<160x128xi32, #tpu.memory_space<vmem>> -> memref<1x128xi32, #tpu.memory_space<vmem>>
      %dma_start3A_134 = tpu.memref_squeeze %dma_start3A_133 : memref<1x128xi32, #tpu.memory_space<vmem>> -> memref<128xi32, #tpu.memory_space<vmem>>
      %dma_start3A_135 = arith.constant 0 : i32
      %dma_start3A_136 = arith.constant 0 : i32
      %dma_start3A_137 = tpu.memref_slice %arg10[%dma_start3A_135, %dma_start3A_136] : memref<10240x48xf32, #tpu.memory_space<vmem_shared>> -> memref<10240x48xf32, #tpu.memory_space<vmem_shared>>
      tpu.enqueue_indirect_dma source(%arg17 : memref<128x48xf32, #tpu.memory_space<vmem>>) target(%dma_start3A_137 : memref<10240x48xf32, #tpu.memory_space<vmem_shared>>) offsets(%dma_start3A_134 : memref<128xi32, #tpu.memory_space<vmem>>) semaphore(%arg25 : memref<!tpu.dma_semaphore, #tpu.memory_space<semaphore_mem>>) {add = true}
      %lt3A_138 = arith.constant 160 : i32
      %lt3A_139 = arith.cmpi slt, %add3A_125, %lt3A_138 : i32
      %convert_element_type3A_140 = arith.extui %lt3A_139 : i1 to i32
      %cond3A_141 = arith.constant 0 : i32
      %cond3A_142 = arith.cmpi ne, %convert_element_type3A_140, %cond3A_141 : i32
      scf.if %cond3A_142 {
        %ge3A = arith.constant 4 : i32
        %ge3A_143 = arith.cmpi sge, %add3A_125, %ge3A : i32
        %convert_element_type3A_144 = arith.extui %ge3A_143 : i1 to i32
        %cond3A_145 = arith.constant 0 : i32
        %cond3A_146 = arith.cmpi ne, %convert_element_type3A_144, %cond3A_145 : i32
        scf.if %cond3A_146 {
          %dma_wait3A_153 = arith.constant 0 : i32
          %dma_wait3A_154 = arith.constant 0 : i32
          %dma_wait3A_155 = tpu.memref_slice %arg8[%dma_wait3A_153, %dma_wait3A_154] : memref<640x48xf32, #tpu.memory_space<hbm>> -> memref<128x48xf32, #tpu.memory_space<hbm>>
          %dma_wait3A_156 = arith.constant 0 : i32
          %dma_wait3A_157 = arith.constant 0 : i32
          %dma_wait3A_158 = tpu.memref_slice %arg8[%dma_wait3A_156, %dma_wait3A_157] : memref<640x48xf32, #tpu.memory_space<hbm>> -> memref<128x48xf32, #tpu.memory_space<hbm>>
          tpu.wait_dma2 semaphore(%arg24 : memref<!tpu.dma_semaphore, #tpu.memory_space<semaphore_mem>>) src(%dma_wait3A_158 : memref<128x48xf32, #tpu.memory_space<hbm>>) dst(%arg16 : memref<128x48xf32, #tpu.memory_space<vmem>>)
        } else {
        }
        %dma_start3A_147 = arith.constant 0 : i32
        %dma_start3A_148 = tpu.memref_slice %arg12[%add3A_125, %dma_start3A_147] : memref<160x128xi32, #tpu.memory_space<vmem>> -> memref<1x128xi32, #tpu.memory_space<vmem>>
        %dma_start3A_149 = tpu.memref_squeeze %dma_start3A_148 : memref<1x128xi32, #tpu.memory_space<vmem>> -> memref<128xi32, #tpu.memory_space<vmem>>
        %dma_start3A_150 = arith.constant 0 : i32
        %dma_start3A_151 = arith.constant 0 : i32
        %dma_start3A_152 = tpu.memref_slice %arg11[%dma_start3A_150, %dma_start3A_151] : memref<10240x48xf32, #tpu.memory_space<vmem_shared>> -> memref<10240x48xf32, #tpu.memory_space<vmem_shared>>
        tpu.enqueue_indirect_dma source(%dma_start3A_152 : memref<10240x48xf32, #tpu.memory_space<vmem_shared>>) target(%arg16 : memref<128x48xf32, #tpu.memory_space<vmem>>) offsets(%dma_start3A_149 : memref<128xi32, #tpu.memory_space<vmem>>) semaphore(%arg20 : memref<!tpu.dma_semaphore, #tpu.memory_space<semaphore_mem>>)
      } else {
      }
    }
    %scan3A_31 = arith.constant 40 : i32
    %dma_wait3A = arith.constant 0 : i32
    %dma_wait3A_32 = arith.constant 0 : i32
    %dma_wait3A_33 = tpu.memref_slice %arg8[%dma_wait3A, %dma_wait3A_32] : memref<640x48xf32, #tpu.memory_space<hbm>> -> memref<128x48xf32, #tpu.memory_space<hbm>>
    %dma_wait3A_34 = arith.constant 0 : i32
    %dma_wait3A_35 = arith.constant 0 : i32
    %dma_wait3A_36 = tpu.memref_slice %arg8[%dma_wait3A_34, %dma_wait3A_35] : memref<640x48xf32, #tpu.memory_space<hbm>> -> memref<128x48xf32, #tpu.memory_space<hbm>>
    tpu.wait_dma2 semaphore(%arg22 : memref<!tpu.dma_semaphore, #tpu.memory_space<semaphore_mem>>) src(%dma_wait3A_36 : memref<128x48xf32, #tpu.memory_space<hbm>>) dst(%arg14 : memref<128x48xf32, #tpu.memory_space<vmem>>)
    %dma_wait3A_37 = arith.constant 0 : i32
    %dma_wait3A_38 = arith.constant 0 : i32
    %dma_wait3A_39 = tpu.memref_slice %arg8[%dma_wait3A_37, %dma_wait3A_38] : memref<640x48xf32, #tpu.memory_space<hbm>> -> memref<128x48xf32, #tpu.memory_space<hbm>>
    %dma_wait3A_40 = arith.constant 0 : i32
    %dma_wait3A_41 = arith.constant 0 : i32
    %dma_wait3A_42 = tpu.memref_slice %arg8[%dma_wait3A_40, %dma_wait3A_41] : memref<640x48xf32, #tpu.memory_space<hbm>> -> memref<128x48xf32, #tpu.memory_space<hbm>>
    tpu.wait_dma2 semaphore(%arg23 : memref<!tpu.dma_semaphore, #tpu.memory_space<semaphore_mem>>) src(%dma_wait3A_42 : memref<128x48xf32, #tpu.memory_space<hbm>>) dst(%arg15 : memref<128x48xf32, #tpu.memory_space<vmem>>)
    %dma_wait3A_43 = arith.constant 0 : i32
    %dma_wait3A_44 = arith.constant 0 : i32
    %dma_wait3A_45 = tpu.memref_slice %arg8[%dma_wait3A_43, %dma_wait3A_44] : memref<640x48xf32, #tpu.memory_space<hbm>> -> memref<128x48xf32, #tpu.memory_space<hbm>>
    %dma_wait3A_46 = arith.constant 0 : i32
    %dma_wait3A_47 = arith.constant 0 : i32
    %dma_wait3A_48 = tpu.memref_slice %arg8[%dma_wait3A_46, %dma_wait3A_47] : memref<640x48xf32, #tpu.memory_space<hbm>> -> memref<128x48xf32, #tpu.memory_space<hbm>>
    tpu.wait_dma2 semaphore(%arg24 : memref<!tpu.dma_semaphore, #tpu.memory_space<semaphore_mem>>) src(%dma_wait3A_48 : memref<128x48xf32, #tpu.memory_space<hbm>>) dst(%arg16 : memref<128x48xf32, #tpu.memory_space<vmem>>)
    %dma_wait3A_49 = arith.constant 0 : i32
    %dma_wait3A_50 = arith.constant 0 : i32
    %dma_wait3A_51 = tpu.memref_slice %arg8[%dma_wait3A_49, %dma_wait3A_50] : memref<640x48xf32, #tpu.memory_space<hbm>> -> memref<128x48xf32, #tpu.memory_space<hbm>>
    %dma_wait3A_52 = arith.constant 0 : i32
    %dma_wait3A_53 = arith.constant 0 : i32
    %dma_wait3A_54 = tpu.memref_slice %arg8[%dma_wait3A_52, %dma_wait3A_53] : memref<640x48xf32, #tpu.memory_space<hbm>> -> memref<128x48xf32, #tpu.memory_space<hbm>>
    tpu.wait_dma2 semaphore(%arg25 : memref<!tpu.dma_semaphore, #tpu.memory_space<semaphore_mem>>) src(%dma_wait3A_54 : memref<128x48xf32, #tpu.memory_space<hbm>>) dst(%arg17 : memref<128x48xf32, #tpu.memory_space<vmem>>)
    %barrier3A_55 = arith.constant 0 : index
    tpu.barrier barrier_id(%barrier3A_55)
    "tpu.region"() ({
      %run_scoped3A = tpu.sem_alloc : memref<!tpu.dma_semaphore, #tpu.memory_space<semaphore_mem>>
      %dma_start3A_56 = arith.constant 0 : i32
      %dma_start3A_57 = tpu.memref_slice %arg9[%arg0, %mul3A_0, %dma_start3A_56] : memref<2x10240x128xf32, #tpu.memory_space<hbm>> -> memref<1x640x48xf32, #tpu.memory_space<hbm>>
      %dma_start3A_58 = tpu.memref_squeeze %dma_start3A_57 : memref<1x640x48xf32, #tpu.memory_space<hbm>> -> memref<640x48xf32, #tpu.memory_space<hbm>>
      %dma_start3A_59 = arith.constant 0 : i32
      %dma_start3A_60 = tpu.memref_slice %arg10[%mul3A_0, %dma_start3A_59] : memref<10240x48xf32, #tpu.memory_space<vmem_shared>> -> memref<640x48xf32, #tpu.memory_space<vmem_shared>>
      tpu.enqueue_dma source(%dma_start3A_60 : memref<640x48xf32, #tpu.memory_space<vmem_shared>>) target(%dma_start3A_58 : memref<640x48xf32, #tpu.memory_space<hbm>>) target_semaphore(%run_scoped3A : memref<!tpu.dma_semaphore, #tpu.memory_space<semaphore_mem>>)
      %dma_wait3A_61 = arith.constant 0 : i32
      %dma_wait3A_62 = tpu.memref_slice %arg9[%arg0, %mul3A_0, %dma_wait3A_61] : memref<2x10240x128xf32, #tpu.memory_space<hbm>> -> memref<1x640x48xf32, #tpu.memory_space<hbm>>
      %dma_wait3A_63 = tpu.memref_squeeze %dma_wait3A_62 : memref<1x640x48xf32, #tpu.memory_space<hbm>> -> memref<640x48xf32, #tpu.memory_space<hbm>>
      %dma_wait3A_64 = arith.constant 0 : i32
      %dma_wait3A_65 = tpu.memref_slice %arg10[%mul3A_0, %dma_wait3A_64] : memref<10240x48xf32, #tpu.memory_space<vmem_shared>> -> memref<640x48xf32, #tpu.memory_space<vmem_shared>>
      tpu.wait_dma2 semaphore(%run_scoped3A : memref<!tpu.dma_semaphore, #tpu.memory_space<semaphore_mem>>) src(%dma_wait3A_65 : memref<640x48xf32, #tpu.memory_space<vmem_shared>>) dst(%dma_wait3A_63 : memref<640x48xf32, #tpu.memory_space<hbm>>)
      tpu.yield
    }) : () -> ()
    return
  }
}

#map = affine_map<(d0, d1) -> (0, 0, 0)>
#map1 = affine_map<(d0, d1) -> (0, 0)>
#map2 = affine_map<(d0, d1) -> (0, 0, 0, 0)>
module attributes {stable_mosaic.version = 14 : i64} {
  func.func @_sc_hist(%arg0: i32, %arg1: i32, %arg2: memref<16x160x128xi32, #tpu.memory_space<hbm>>, %arg3: memref<16x160x128xi32, #tpu.memory_space<hbm>>, %arg4: memref<128x16xf32, #tpu.memory_space<hbm>>, %arg5: memref<640x16xf32, #tpu.memory_space<hbm>>, %arg6: memref<2x2x10240x128xf32, #tpu.memory_space<hbm>>, %arg7: memref<10240x16xf32, #tpu.memory_space<vmem_shared>>, %arg8: memref<10240x16xf32, #tpu.memory_space<vmem_shared>>, %arg9: memref<128x16xf32, #tpu.memory_space<vmem>>, %arg10: memref<80x128xi32, #tpu.memory_space<vmem>>) attributes {dimension_semantics = [#tpu.dimension_semantics<core_parallel>, #tpu.dimension_semantics<subcore_parallel>], iteration_bounds = array<i64: 2, 16>, scalar_prefetch = 0 : i64, scratch_operands = 4 : i64, tpu.core_type = #tpu.core_type<sc_vector_subcore>, window_params = [{transform_indices = #map}, {transform_indices = #map}, {transform_indices = #map1}, {transform_indices = #map1}, {transform_indices = #map2}]} {
    %mul3A = arith.constant 640 : i32
    %mul3A_0 = arith.muli %arg1, %mul3A : i32
    "tpu.region"() ({
      %run_scoped3A_16 = tpu.sem_alloc : memref<!tpu.dma_semaphore, #tpu.memory_space<semaphore_mem>>
      %dma_start3A = arith.constant 0 : i32
      %dma_start3A_17 = tpu.memref_slice %arg7[%mul3A_0, %dma_start3A] : memref<10240x16xf32, #tpu.memory_space<vmem_shared>> -> memref<640x16xf32, #tpu.memory_space<vmem_shared>>
      tpu.enqueue_dma source(%arg5 : memref<640x16xf32, #tpu.memory_space<hbm>>) target(%dma_start3A_17 : memref<640x16xf32, #tpu.memory_space<vmem_shared>>) target_semaphore(%run_scoped3A_16 : memref<!tpu.dma_semaphore, #tpu.memory_space<semaphore_mem>>)
      %dma_wait3A = arith.constant 0 : i32
      %dma_wait3A_18 = tpu.memref_slice %arg7[%mul3A_0, %dma_wait3A] : memref<10240x16xf32, #tpu.memory_space<vmem_shared>> -> memref<640x16xf32, #tpu.memory_space<vmem_shared>>
      tpu.wait_dma2 semaphore(%run_scoped3A_16 : memref<!tpu.dma_semaphore, #tpu.memory_space<semaphore_mem>>) src(%arg5 : memref<640x16xf32, #tpu.memory_space<hbm>>) dst(%dma_wait3A_18 : memref<640x16xf32, #tpu.memory_space<vmem_shared>>)
      tpu.yield
    }) : () -> ()
    "tpu.region"() ({
      %run_scoped3A_16 = tpu.sem_alloc : memref<!tpu.dma_semaphore, #tpu.memory_space<semaphore_mem>>
      %dma_start3A = arith.constant 0 : i32
      %dma_start3A_17 = tpu.memref_slice %arg8[%mul3A_0, %dma_start3A] : memref<10240x16xf32, #tpu.memory_space<vmem_shared>> -> memref<640x16xf32, #tpu.memory_space<vmem_shared>>
      tpu.enqueue_dma source(%arg5 : memref<640x16xf32, #tpu.memory_space<hbm>>) target(%dma_start3A_17 : memref<640x16xf32, #tpu.memory_space<vmem_shared>>) target_semaphore(%run_scoped3A_16 : memref<!tpu.dma_semaphore, #tpu.memory_space<semaphore_mem>>)
      %dma_wait3A = arith.constant 0 : i32
      %dma_wait3A_18 = tpu.memref_slice %arg8[%mul3A_0, %dma_wait3A] : memref<10240x16xf32, #tpu.memory_space<vmem_shared>> -> memref<640x16xf32, #tpu.memory_space<vmem_shared>>
      tpu.wait_dma2 semaphore(%run_scoped3A_16 : memref<!tpu.dma_semaphore, #tpu.memory_space<semaphore_mem>>) src(%arg5 : memref<640x16xf32, #tpu.memory_space<hbm>>) dst(%dma_wait3A_18 : memref<640x16xf32, #tpu.memory_space<vmem_shared>>)
      tpu.yield
    }) : () -> ()
    "tpu.region"() ({
      %run_scoped3A_16 = tpu.sem_alloc : memref<!tpu.dma_semaphore, #tpu.memory_space<semaphore_mem>>
      tpu.enqueue_dma source(%arg4 : memref<128x16xf32, #tpu.memory_space<hbm>>) target(%arg9 : memref<128x16xf32, #tpu.memory_space<vmem>>) target_semaphore(%run_scoped3A_16 : memref<!tpu.dma_semaphore, #tpu.memory_space<semaphore_mem>>)
      tpu.wait_dma2 semaphore(%run_scoped3A_16 : memref<!tpu.dma_semaphore, #tpu.memory_space<semaphore_mem>>) src(%arg4 : memref<128x16xf32, #tpu.memory_space<hbm>>) dst(%arg9 : memref<128x16xf32, #tpu.memory_space<vmem>>)
      tpu.yield
    }) : () -> ()
    %barrier3A = arith.constant 0 : index
    tpu.barrier barrier_id(%barrier3A)
    %mul3A_1 = arith.constant 80 : i32
    %mul3A_2 = arith.muli %arg0, %mul3A_1 : i32
    "tpu.region"() ({
      %run_scoped3A_16 = tpu.sem_alloc : memref<!tpu.dma_semaphore, #tpu.memory_space<semaphore_mem>>
      %dma_start3A = arith.constant 0 : i32
      %dma_start3A_17 = tpu.memref_slice %arg2[%arg1, %mul3A_2, %dma_start3A] : memref<16x160x128xi32, #tpu.memory_space<hbm>> -> memref<1x80x128xi32, #tpu.memory_space<hbm>>
      %dma_start3A_18 = tpu.memref_squeeze %dma_start3A_17 : memref<1x80x128xi32, #tpu.memory_space<hbm>> -> memref<80x128xi32, #tpu.memory_space<hbm>>
      %dma_start3A_19 = arith.constant 0 : i32
      %dma_start3A_20 = tpu.memref_slice %arg2[%arg1, %mul3A_2, %dma_start3A_19] : memref<16x160x128xi32, #tpu.memory_space<hbm>> -> memref<1x80x128xi32, #tpu.memory_space<hbm>>
      %dma_start3A_21 = tpu.memref_squeeze %dma_start3A_20 : memref<1x80x128xi32, #tpu.memory_space<hbm>> -> memref<80x128xi32, #tpu.memory_space<hbm>>
      tpu.enqueue_dma source(%dma_start3A_21 : memref<80x128xi32, #tpu.memory_space<hbm>>) target(%arg10 : memref<80x128xi32, #tpu.memory_space<vmem>>) target_semaphore(%run_scoped3A_16 : memref<!tpu.dma_semaphore, #tpu.memory_space<semaphore_mem>>)
      %dma_wait3A = arith.constant 0 : i32
      %dma_wait3A_22 = tpu.memref_slice %arg2[%arg1, %mul3A_2, %dma_wait3A] : memref<16x160x128xi32, #tpu.memory_space<hbm>> -> memref<1x80x128xi32, #tpu.memory_space<hbm>>
      %dma_wait3A_23 = tpu.memref_squeeze %dma_wait3A_22 : memref<1x80x128xi32, #tpu.memory_space<hbm>> -> memref<80x128xi32, #tpu.memory_space<hbm>>
      %dma_wait3A_24 = arith.constant 0 : i32
      %dma_wait3A_25 = tpu.memref_slice %arg2[%arg1, %mul3A_2, %dma_wait3A_24] : memref<16x160x128xi32, #tpu.memory_space<hbm>> -> memref<1x80x128xi32, #tpu.memory_space<hbm>>
      %dma_wait3A_26 = tpu.memref_squeeze %dma_wait3A_25 : memref<1x80x128xi32, #tpu.memory_space<hbm>> -> memref<80x128xi32, #tpu.memory_space<hbm>>
      tpu.wait_dma2 semaphore(%run_scoped3A_16 : memref<!tpu.dma_semaphore, #tpu.memory_space<semaphore_mem>>) src(%dma_wait3A_26 : memref<80x128xi32, #tpu.memory_space<hbm>>) dst(%arg10 : memref<80x128xi32, #tpu.memory_space<vmem>>)
      tpu.yield
    }) : () -> ()
    %scan3A = arith.constant 0 : i32
    %scan3A_3 = arith.constant 80 : i32
    %scan3A_4 = arith.addi %scan3A, %scan3A_3 : i32
    %scan3A_5 = arith.constant 1 : i32
    scf.for %scan3A_16 = %scan3A to %scan3A_4 step %scan3A_5  : i32 {
      %mul3A_17 = arith.constant 1 : i32
      %mul3A_18 = arith.muli %scan3A_16, %mul3A_17 : i32
      %add3A = arith.constant 0 : i32
      %add3A_19 = arith.addi %add3A, %mul3A_18 : i32
      "tpu.region"() ({
        %run_scoped3A_20 = tpu.sem_alloc : memref<!tpu.dma_semaphore, #tpu.memory_space<semaphore_mem>>
        %dma_start3A = arith.constant 0 : i32
        %dma_start3A_21 = tpu.memref_slice %arg10[%add3A_19, %dma_start3A] : memref<80x128xi32, #tpu.memory_space<vmem>> -> memref<1x128xi32, #tpu.memory_space<vmem>>
        %dma_start3A_22 = tpu.memref_squeeze %dma_start3A_21 : memref<1x128xi32, #tpu.memory_space<vmem>> -> memref<128xi32, #tpu.memory_space<vmem>>
        %dma_start3A_23 = arith.constant 0 : i32
        %dma_start3A_24 = arith.constant 0 : i32
        %dma_start3A_25 = tpu.memref_slice %arg7[%dma_start3A_23, %dma_start3A_24] : memref<10240x16xf32, #tpu.memory_space<vmem_shared>> -> memref<10240x16xf32, #tpu.memory_space<vmem_shared>>
        tpu.enqueue_indirect_dma source(%arg9 : memref<128x16xf32, #tpu.memory_space<vmem>>) target(%dma_start3A_25 : memref<10240x16xf32, #tpu.memory_space<vmem_shared>>) offsets(%dma_start3A_22 : memref<128xi32, #tpu.memory_space<vmem>>) semaphore(%run_scoped3A_20 : memref<!tpu.dma_semaphore, #tpu.memory_space<semaphore_mem>>) {add = true}
        %dma_wait3A = arith.constant 0 : i32
        %dma_wait3A_26 = tpu.memref_slice %arg10[%add3A_19, %dma_wait3A] : memref<80x128xi32, #tpu.memory_space<vmem>> -> memref<1x128xi32, #tpu.memory_space<vmem>>
        %dma_wait3A_27 = tpu.memref_squeeze %dma_wait3A_26 : memref<1x128xi32, #tpu.memory_space<vmem>> -> memref<128xi32, #tpu.memory_space<vmem>>
        %dma_wait3A_28 = arith.constant 0 : i32
        %dma_wait3A_29 = arith.constant 0 : i32
        %dma_wait3A_30 = tpu.memref_slice %arg7[%dma_wait3A_28, %dma_wait3A_29] : memref<10240x16xf32, #tpu.memory_space<vmem_shared>> -> memref<10240x16xf32, #tpu.memory_space<vmem_shared>>
        tpu.wait_indirect_dma semaphore(%run_scoped3A_20 : memref<!tpu.dma_semaphore, #tpu.memory_space<semaphore_mem>>) src(%arg9 : memref<128x16xf32, #tpu.memory_space<vmem>>) dst(%dma_wait3A_30 : memref<10240x16xf32, #tpu.memory_space<vmem_shared>>)
        tpu.yield
      }) : () -> ()
    }
    %scan3A_6 = arith.constant 80 : i32
    %mul3A_7 = arith.constant 80 : i32
    %mul3A_8 = arith.muli %arg0, %mul3A_7 : i32
    "tpu.region"() ({
      %run_scoped3A_16 = tpu.sem_alloc : memref<!tpu.dma_semaphore, #tpu.memory_space<semaphore_mem>>
      %dma_start3A = arith.constant 0 : i32
      %dma_start3A_17 = tpu.memref_slice %arg3[%arg1, %mul3A_8, %dma_start3A] : memref<16x160x128xi32, #tpu.memory_space<hbm>> -> memref<1x80x128xi32, #tpu.memory_space<hbm>>
      %dma_start3A_18 = tpu.memref_squeeze %dma_start3A_17 : memref<1x80x128xi32, #tpu.memory_space<hbm>> -> memref<80x128xi32, #tpu.memory_space<hbm>>
      %dma_start3A_19 = arith.constant 0 : i32
      %dma_start3A_20 = tpu.memref_slice %arg3[%arg1, %mul3A_8, %dma_start3A_19] : memref<16x160x128xi32, #tpu.memory_space<hbm>> -> memref<1x80x128xi32, #tpu.memory_space<hbm>>
      %dma_start3A_21 = tpu.memref_squeeze %dma_start3A_20 : memref<1x80x128xi32, #tpu.memory_space<hbm>> -> memref<80x128xi32, #tpu.memory_space<hbm>>
      tpu.enqueue_dma source(%dma_start3A_21 : memref<80x128xi32, #tpu.memory_space<hbm>>) target(%arg10 : memref<80x128xi32, #tpu.memory_space<vmem>>) target_semaphore(%run_scoped3A_16 : memref<!tpu.dma_semaphore, #tpu.memory_space<semaphore_mem>>)
      %dma_wait3A = arith.constant 0 : i32
      %dma_wait3A_22 = tpu.memref_slice %arg3[%arg1, %mul3A_8, %dma_wait3A] : memref<16x160x128xi32, #tpu.memory_space<hbm>> -> memref<1x80x128xi32, #tpu.memory_space<hbm>>
      %dma_wait3A_23 = tpu.memref_squeeze %dma_wait3A_22 : memref<1x80x128xi32, #tpu.memory_space<hbm>> -> memref<80x128xi32, #tpu.memory_space<hbm>>
      %dma_wait3A_24 = arith.constant 0 : i32
      %dma_wait3A_25 = tpu.memref_slice %arg3[%arg1, %mul3A_8, %dma_wait3A_24] : memref<16x160x128xi32, #tpu.memory_space<hbm>> -> memref<1x80x128xi32, #tpu.memory_space<hbm>>
      %dma_wait3A_26 = tpu.memref_squeeze %dma_wait3A_25 : memref<1x80x128xi32, #tpu.memory_space<hbm>> -> memref<80x128xi32, #tpu.memory_space<hbm>>
      tpu.wait_dma2 semaphore(%run_scoped3A_16 : memref<!tpu.dma_semaphore, #tpu.memory_space<semaphore_mem>>) src(%dma_wait3A_26 : memref<80x128xi32, #tpu.memory_space<hbm>>) dst(%arg10 : memref<80x128xi32, #tpu.memory_space<vmem>>)
      tpu.yield
    }) : () -> ()
    %scan3A_9 = arith.constant 0 : i32
    %scan3A_10 = arith.constant 80 : i32
    %scan3A_11 = arith.addi %scan3A_9, %scan3A_10 : i32
    %scan3A_12 = arith.constant 1 : i32
    scf.for %scan3A_16 = %scan3A_9 to %scan3A_11 step %scan3A_12  : i32 {
      %mul3A_17 = arith.constant 1 : i32
      %mul3A_18 = arith.muli %scan3A_16, %mul3A_17 : i32
      %add3A = arith.constant 0 : i32
      %add3A_19 = arith.addi %add3A, %mul3A_18 : i32
      "tpu.region"() ({
        %run_scoped3A_20 = tpu.sem_alloc : memref<!tpu.dma_semaphore, #tpu.memory_space<semaphore_mem>>
        %dma_start3A = arith.constant 0 : i32
        %dma_start3A_21 = tpu.memref_slice %arg10[%add3A_19, %dma_start3A] : memref<80x128xi32, #tpu.memory_space<vmem>> -> memref<1x128xi32, #tpu.memory_space<vmem>>
        %dma_start3A_22 = tpu.memref_squeeze %dma_start3A_21 : memref<1x128xi32, #tpu.memory_space<vmem>> -> memref<128xi32, #tpu.memory_space<vmem>>
        %dma_start3A_23 = arith.constant 0 : i32
        %dma_start3A_24 = arith.constant 0 : i32
        %dma_start3A_25 = tpu.memref_slice %arg8[%dma_start3A_23, %dma_start3A_24] : memref<10240x16xf32, #tpu.memory_space<vmem_shared>> -> memref<10240x16xf32, #tpu.memory_space<vmem_shared>>
        tpu.enqueue_indirect_dma source(%arg9 : memref<128x16xf32, #tpu.memory_space<vmem>>) target(%dma_start3A_25 : memref<10240x16xf32, #tpu.memory_space<vmem_shared>>) offsets(%dma_start3A_22 : memref<128xi32, #tpu.memory_space<vmem>>) semaphore(%run_scoped3A_20 : memref<!tpu.dma_semaphore, #tpu.memory_space<semaphore_mem>>) {add = true}
        %dma_wait3A = arith.constant 0 : i32
        %dma_wait3A_26 = tpu.memref_slice %arg10[%add3A_19, %dma_wait3A] : memref<80x128xi32, #tpu.memory_space<vmem>> -> memref<1x128xi32, #tpu.memory_space<vmem>>
        %dma_wait3A_27 = tpu.memref_squeeze %dma_wait3A_26 : memref<1x128xi32, #tpu.memory_space<vmem>> -> memref<128xi32, #tpu.memory_space<vmem>>
        %dma_wait3A_28 = arith.constant 0 : i32
        %dma_wait3A_29 = arith.constant 0 : i32
        %dma_wait3A_30 = tpu.memref_slice %arg8[%dma_wait3A_28, %dma_wait3A_29] : memref<10240x16xf32, #tpu.memory_space<vmem_shared>> -> memref<10240x16xf32, #tpu.memory_space<vmem_shared>>
        tpu.wait_indirect_dma semaphore(%run_scoped3A_20 : memref<!tpu.dma_semaphore, #tpu.memory_space<semaphore_mem>>) src(%arg9 : memref<128x16xf32, #tpu.memory_space<vmem>>) dst(%dma_wait3A_30 : memref<10240x16xf32, #tpu.memory_space<vmem_shared>>)
        tpu.yield
      }) : () -> ()
    }
    %scan3A_13 = arith.constant 80 : i32
    %barrier3A_14 = arith.constant 0 : index
    tpu.barrier barrier_id(%barrier3A_14)
    %run_scoped3A = arith.constant 0 : i32
    "tpu.region"() ({
      %run_scoped3A_16 = tpu.sem_alloc : memref<!tpu.dma_semaphore, #tpu.memory_space<semaphore_mem>>
      %dma_start3A = arith.constant 0 : i32
      %dma_start3A_17 = tpu.memref_slice %arg6[%arg0, %run_scoped3A, %mul3A_0, %dma_start3A] : memref<2x2x10240x128xf32, #tpu.memory_space<hbm>> -> memref<1x1x640x16xf32, #tpu.memory_space<hbm>>
      %dma_start3A_18 = tpu.memref_squeeze %dma_start3A_17 : memref<1x1x640x16xf32, #tpu.memory_space<hbm>> -> memref<640x16xf32, #tpu.memory_space<hbm>>
      %dma_start3A_19 = arith.constant 0 : i32
      %dma_start3A_20 = tpu.memref_slice %arg7[%mul3A_0, %dma_start3A_19] : memref<10240x16xf32, #tpu.memory_space<vmem_shared>> -> memref<640x16xf32, #tpu.memory_space<vmem_shared>>
      tpu.enqueue_dma source(%dma_start3A_20 : memref<640x16xf32, #tpu.memory_space<vmem_shared>>) target(%dma_start3A_18 : memref<640x16xf32, #tpu.memory_space<hbm>>) target_semaphore(%run_scoped3A_16 : memref<!tpu.dma_semaphore, #tpu.memory_space<semaphore_mem>>)
      %dma_wait3A = arith.constant 0 : i32
      %dma_wait3A_21 = tpu.memref_slice %arg6[%arg0, %run_scoped3A, %mul3A_0, %dma_wait3A] : memref<2x2x10240x128xf32, #tpu.memory_space<hbm>> -> memref<1x1x640x16xf32, #tpu.memory_space<hbm>>
      %dma_wait3A_22 = tpu.memref_squeeze %dma_wait3A_21 : memref<1x1x640x16xf32, #tpu.memory_space<hbm>> -> memref<640x16xf32, #tpu.memory_space<hbm>>
      %dma_wait3A_23 = arith.constant 0 : i32
      %dma_wait3A_24 = tpu.memref_slice %arg7[%mul3A_0, %dma_wait3A_23] : memref<10240x16xf32, #tpu.memory_space<vmem_shared>> -> memref<640x16xf32, #tpu.memory_space<vmem_shared>>
      tpu.wait_dma2 semaphore(%run_scoped3A_16 : memref<!tpu.dma_semaphore, #tpu.memory_space<semaphore_mem>>) src(%dma_wait3A_24 : memref<640x16xf32, #tpu.memory_space<vmem_shared>>) dst(%dma_wait3A_22 : memref<640x16xf32, #tpu.memory_space<hbm>>)
      tpu.yield
    }) : () -> ()
    %run_scoped3A_15 = arith.constant 1 : i32
    "tpu.region"() ({
      %run_scoped3A_16 = tpu.sem_alloc : memref<!tpu.dma_semaphore, #tpu.memory_space<semaphore_mem>>
      %dma_start3A = arith.constant 0 : i32
      %dma_start3A_17 = tpu.memref_slice %arg6[%arg0, %run_scoped3A_15, %mul3A_0, %dma_start3A] : memref<2x2x10240x128xf32, #tpu.memory_space<hbm>> -> memref<1x1x640x16xf32, #tpu.memory_space<hbm>>
      %dma_start3A_18 = tpu.memref_squeeze %dma_start3A_17 : memref<1x1x640x16xf32, #tpu.memory_space<hbm>> -> memref<640x16xf32, #tpu.memory_space<hbm>>
      %dma_start3A_19 = arith.constant 0 : i32
      %dma_start3A_20 = tpu.memref_slice %arg8[%mul3A_0, %dma_start3A_19] : memref<10240x16xf32, #tpu.memory_space<vmem_shared>> -> memref<640x16xf32, #tpu.memory_space<vmem_shared>>
      tpu.enqueue_dma source(%dma_start3A_20 : memref<640x16xf32, #tpu.memory_space<vmem_shared>>) target(%dma_start3A_18 : memref<640x16xf32, #tpu.memory_space<hbm>>) target_semaphore(%run_scoped3A_16 : memref<!tpu.dma_semaphore, #tpu.memory_space<semaphore_mem>>)
      %dma_wait3A = arith.constant 0 : i32
      %dma_wait3A_21 = tpu.memref_slice %arg6[%arg0, %run_scoped3A_15, %mul3A_0, %dma_wait3A] : memref<2x2x10240x128xf32, #tpu.memory_space<hbm>> -> memref<1x1x640x16xf32, #tpu.memory_space<hbm>>
      %dma_wait3A_22 = tpu.memref_squeeze %dma_wait3A_21 : memref<1x1x640x16xf32, #tpu.memory_space<hbm>> -> memref<640x16xf32, #tpu.memory_space<hbm>>
      %dma_wait3A_23 = arith.constant 0 : i32
      %dma_wait3A_24 = tpu.memref_slice %arg8[%mul3A_0, %dma_wait3A_23] : memref<10240x16xf32, #tpu.memory_space<vmem_shared>> -> memref<640x16xf32, #tpu.memory_space<vmem_shared>>
      tpu.wait_dma2 semaphore(%run_scoped3A_16 : memref<!tpu.dma_semaphore, #tpu.memory_space<semaphore_mem>>) src(%dma_wait3A_24 : memref<640x16xf32, #tpu.memory_space<vmem_shared>>) dst(%dma_wait3A_22 : memref<640x16xf32, #tpu.memory_space<hbm>>)
      tpu.yield
    }) : () -> ()
    return
  }
}

#map = affine_map<(d0, d1) -> (0, 0)>
#map1 = affine_map<(d0, d1) -> (0, 0, 0)>
module attributes {stable_mosaic.version = 14 : i64} {
  func.func @_sc_agg2(%arg0: i32, %arg1: i32, %arg2: memref<10240x128xf32, #tpu.memory_space<hbm>>, %arg3: memref<10240x128xf32, #tpu.memory_space<hbm>>, %arg4: memref<16x160x128xi32, #tpu.memory_space<hbm>>, %arg5: memref<16x160x128xi32, #tpu.memory_space<hbm>>, %arg6: memref<16x160x128xi32, #tpu.memory_space<hbm>>, %arg7: memref<16x160x128xi32, #tpu.memory_space<hbm>>, %arg8: memref<640x48xf32, #tpu.memory_space<hbm>>, %arg9: memref<2x10240x128xf32, #tpu.memory_space<hbm>>, %arg10: memref<10240x48xf32, #tpu.memory_space<vmem_shared>>, %arg11: memref<10240x48xf32, #tpu.memory_space<vmem_shared>>, %arg12: memref<160x128xi32, #tpu.memory_space<vmem>>, %arg13: memref<160x128xi32, #tpu.memory_space<vmem>>, %arg14: memref<128x48xf32, #tpu.memory_space<vmem>>, %arg15: memref<128x48xf32, #tpu.memory_space<vmem>>, %arg16: memref<128x48xf32, #tpu.memory_space<vmem>>, %arg17: memref<128x48xf32, #tpu.memory_space<vmem>>, %arg18: memref<!tpu.dma_semaphore, #tpu.memory_space<semaphore_mem>>, %arg19: memref<!tpu.dma_semaphore, #tpu.memory_space<semaphore_mem>>, %arg20: memref<!tpu.dma_semaphore, #tpu.memory_space<semaphore_mem>>, %arg21: memref<!tpu.dma_semaphore, #tpu.memory_space<semaphore_mem>>, %arg22: memref<!tpu.dma_semaphore, #tpu.memory_space<semaphore_mem>>, %arg23: memref<!tpu.dma_semaphore, #tpu.memory_space<semaphore_mem>>, %arg24: memref<!tpu.dma_semaphore, #tpu.memory_space<semaphore_mem>>, %arg25: memref<!tpu.dma_semaphore, #tpu.memory_space<semaphore_mem>>) attributes {dimension_semantics = [#tpu.dimension_semantics<core_parallel>, #tpu.dimension_semantics<subcore_parallel>], iteration_bounds = array<i64: 2, 16>, scalar_prefetch = 0 : i64, scratch_operands = 16 : i64, tpu.core_type = #tpu.core_type<sc_vector_subcore>, window_params = [{transform_indices = #map}, {transform_indices = #map}, {transform_indices = #map1}, {transform_indices = #map1}, {transform_indices = #map1}, {transform_indices = #map1}, {transform_indices = #map}, {transform_indices = #map1}]} {
    %mul3A = arith.constant 640 : i32
    %mul3A_0 = arith.muli %arg1, %mul3A : i32
    "tpu.region"() ({
      %run_scoped3A = tpu.sem_alloc : memref<!tpu.dma_semaphore, #tpu.memory_space<semaphore_mem>>
      %dma_start3A_106 = arith.constant 0 : i32
      %dma_start3A_107 = tpu.memref_slice %arg10[%mul3A_0, %dma_start3A_106] : memref<10240x48xf32, #tpu.memory_space<vmem_shared>> -> memref<640x48xf32, #tpu.memory_space<vmem_shared>>
      tpu.enqueue_dma source(%arg8 : memref<640x48xf32, #tpu.memory_space<hbm>>) target(%dma_start3A_107 : memref<640x48xf32, #tpu.memory_space<vmem_shared>>) target_semaphore(%run_scoped3A : memref<!tpu.dma_semaphore, #tpu.memory_space<semaphore_mem>>)
      %dma_wait3A_108 = arith.constant 0 : i32
      %dma_wait3A_109 = tpu.memref_slice %arg10[%mul3A_0, %dma_wait3A_108] : memref<10240x48xf32, #tpu.memory_space<vmem_shared>> -> memref<640x48xf32, #tpu.memory_space<vmem_shared>>
      tpu.wait_dma2 semaphore(%run_scoped3A : memref<!tpu.dma_semaphore, #tpu.memory_space<semaphore_mem>>) src(%arg8 : memref<640x48xf32, #tpu.memory_space<hbm>>) dst(%dma_wait3A_109 : memref<640x48xf32, #tpu.memory_space<vmem_shared>>)
      tpu.yield
    }) : () -> ()
    %eq3A = arith.constant 0 : i32
    %eq3A_1 = arith.cmpi eq, %arg0, %eq3A : i32
    %convert_element_type3A = arith.extui %eq3A_1 : i1 to i32
    %cond3A = arith.constant 0 : i32
    %cond3A_2 = arith.cmpi ne, %convert_element_type3A, %cond3A : i32
    scf.if %cond3A_2 {
      "tpu.region"() ({
        %run_scoped3A = tpu.sem_alloc : memref<!tpu.dma_semaphore, #tpu.memory_space<semaphore_mem>>
        %dma_start3A_106 = arith.constant 0 : i32
        %dma_start3A_107 = tpu.memref_slice %arg11[%mul3A_0, %dma_start3A_106] : memref<10240x48xf32, #tpu.memory_space<vmem_shared>> -> memref<640x48xf32, #tpu.memory_space<vmem_shared>>
        %dma_start3A_108 = arith.constant 0 : i32
        %dma_start3A_109 = tpu.memref_slice %arg2[%mul3A_0, %dma_start3A_108] : memref<10240x128xf32, #tpu.memory_space<hbm>> -> memref<640x48xf32, #tpu.memory_space<hbm>>
        tpu.enqueue_dma source(%dma_start3A_109 : memref<640x48xf32, #tpu.memory_space<hbm>>) target(%dma_start3A_107 : memref<640x48xf32, #tpu.memory_space<vmem_shared>>) target_semaphore(%run_scoped3A : memref<!tpu.dma_semaphore, #tpu.memory_space<semaphore_mem>>)
        %dma_wait3A_110 = arith.constant 0 : i32
        %dma_wait3A_111 = tpu.memref_slice %arg11[%mul3A_0, %dma_wait3A_110] : memref<10240x48xf32, #tpu.memory_space<vmem_shared>> -> memref<640x48xf32, #tpu.memory_space<vmem_shared>>
        %dma_wait3A_112 = arith.constant 0 : i32
        %dma_wait3A_113 = tpu.memref_slice %arg2[%mul3A_0, %dma_wait3A_112] : memref<10240x128xf32, #tpu.memory_space<hbm>> -> memref<640x48xf32, #tpu.memory_space<hbm>>
        tpu.wait_dma2 semaphore(%run_scoped3A : memref<!tpu.dma_semaphore, #tpu.memory_space<semaphore_mem>>) src(%dma_wait3A_113 : memref<640x48xf32, #tpu.memory_space<hbm>>) dst(%dma_wait3A_111 : memref<640x48xf32, #tpu.memory_space<vmem_shared>>)
        tpu.yield
      }) : () -> ()
    } else {
    }
    %eq3A_3 = arith.constant 1 : i32
    %eq3A_4 = arith.cmpi eq, %arg0, %eq3A_3 : i32
    %convert_element_type3A_5 = arith.extui %eq3A_4 : i1 to i32
    %cond3A_6 = arith.constant 0 : i32
    %cond3A_7 = arith.cmpi ne, %convert_element_type3A_5, %cond3A_6 : i32
    scf.if %cond3A_7 {
      "tpu.region"() ({
        %run_scoped3A = tpu.sem_alloc : memref<!tpu.dma_semaphore, #tpu.memory_space<semaphore_mem>>
        %dma_start3A_106 = arith.constant 0 : i32
        %dma_start3A_107 = tpu.memref_slice %arg11[%mul3A_0, %dma_start3A_106] : memref<10240x48xf32, #tpu.memory_space<vmem_shared>> -> memref<640x48xf32, #tpu.memory_space<vmem_shared>>
        %dma_start3A_108 = arith.constant 0 : i32
        %dma_start3A_109 = tpu.memref_slice %arg3[%mul3A_0, %dma_start3A_108] : memref<10240x128xf32, #tpu.memory_space<hbm>> -> memref<640x48xf32, #tpu.memory_space<hbm>>
        tpu.enqueue_dma source(%dma_start3A_109 : memref<640x48xf32, #tpu.memory_space<hbm>>) target(%dma_start3A_107 : memref<640x48xf32, #tpu.memory_space<vmem_shared>>) target_semaphore(%run_scoped3A : memref<!tpu.dma_semaphore, #tpu.memory_space<semaphore_mem>>)
        %dma_wait3A_110 = arith.constant 0 : i32
        %dma_wait3A_111 = tpu.memref_slice %arg11[%mul3A_0, %dma_wait3A_110] : memref<10240x48xf32, #tpu.memory_space<vmem_shared>> -> memref<640x48xf32, #tpu.memory_space<vmem_shared>>
        %dma_wait3A_112 = arith.constant 0 : i32
        %dma_wait3A_113 = tpu.memref_slice %arg3[%mul3A_0, %dma_wait3A_112] : memref<10240x128xf32, #tpu.memory_space<hbm>> -> memref<640x48xf32, #tpu.memory_space<hbm>>
        tpu.wait_dma2 semaphore(%run_scoped3A : memref<!tpu.dma_semaphore, #tpu.memory_space<semaphore_mem>>) src(%dma_wait3A_113 : memref<640x48xf32, #tpu.memory_space<hbm>>) dst(%dma_wait3A_111 : memref<640x48xf32, #tpu.memory_space<vmem_shared>>)
        tpu.yield
      }) : () -> ()
    } else {
    }
    %barrier3A = arith.constant 0 : index
    tpu.barrier barrier_id(%barrier3A)
    "tpu.region"() ({
      %run_scoped3A = tpu.sem_alloc : memref<!tpu.dma_semaphore, #tpu.memory_space<semaphore_mem>>
      %dma_start3A_106 = arith.constant 0 : i32
      %dma_start3A_107 = arith.constant 0 : i32
      %dma_start3A_108 = tpu.memref_slice %arg4[%arg1, %dma_start3A_106, %dma_start3A_107] : memref<16x160x128xi32, #tpu.memory_space<hbm>> -> memref<1x160x128xi32, #tpu.memory_space<hbm>>
      %dma_start3A_109 = tpu.memref_squeeze %dma_start3A_108 : memref<1x160x128xi32, #tpu.memory_space<hbm>> -> memref<160x128xi32, #tpu.memory_space<hbm>>
      %dma_start3A_110 = arith.constant 0 : i32
      %dma_start3A_111 = arith.constant 0 : i32
      %dma_start3A_112 = tpu.memref_slice %arg4[%arg1, %dma_start3A_110, %dma_start3A_111] : memref<16x160x128xi32, #tpu.memory_space<hbm>> -> memref<1x160x128xi32, #tpu.memory_space<hbm>>
      %dma_start3A_113 = tpu.memref_squeeze %dma_start3A_112 : memref<1x160x128xi32, #tpu.memory_space<hbm>> -> memref<160x128xi32, #tpu.memory_space<hbm>>
      tpu.enqueue_dma source(%dma_start3A_113 : memref<160x128xi32, #tpu.memory_space<hbm>>) target(%arg12 : memref<160x128xi32, #tpu.memory_space<vmem>>) target_semaphore(%run_scoped3A : memref<!tpu.dma_semaphore, #tpu.memory_space<semaphore_mem>>)
      %dma_wait3A_114 = arith.constant 0 : i32
      %dma_wait3A_115 = arith.constant 0 : i32
      %dma_wait3A_116 = tpu.memref_slice %arg4[%arg1, %dma_wait3A_114, %dma_wait3A_115] : memref<16x160x128xi32, #tpu.memory_space<hbm>> -> memref<1x160x128xi32, #tpu.memory_space<hbm>>
      %dma_wait3A_117 = tpu.memref_squeeze %dma_wait3A_116 : memref<1x160x128xi32, #tpu.memory_space<hbm>> -> memref<160x128xi32, #tpu.memory_space<hbm>>
      %dma_wait3A_118 = arith.constant 0 : i32
      %dma_wait3A_119 = arith.constant 0 : i32
      %dma_wait3A_120 = tpu.memref_slice %arg4[%arg1, %dma_wait3A_118, %dma_wait3A_119] : memref<16x160x128xi32, #tpu.memory_space<hbm>> -> memref<1x160x128xi32, #tpu.memory_space<hbm>>
      %dma_wait3A_121 = tpu.memref_squeeze %dma_wait3A_120 : memref<1x160x128xi32, #tpu.memory_space<hbm>> -> memref<160x128xi32, #tpu.memory_space<hbm>>
      tpu.wait_dma2 semaphore(%run_scoped3A : memref<!tpu.dma_semaphore, #tpu.memory_space<semaphore_mem>>) src(%dma_wait3A_121 : memref<160x128xi32, #tpu.memory_space<hbm>>) dst(%arg12 : memref<160x128xi32, #tpu.memory_space<vmem>>)
      tpu.yield
    }) : () -> ()
    "tpu.region"() ({
      %run_scoped3A = tpu.sem_alloc : memref<!tpu.dma_semaphore, #tpu.memory_space<semaphore_mem>>
      %dma_start3A_106 = arith.constant 0 : i32
      %dma_start3A_107 = arith.constant 0 : i32
      %dma_start3A_108 = tpu.memref_slice %arg5[%arg1, %dma_start3A_106, %dma_start3A_107] : memref<16x160x128xi32, #tpu.memory_space<hbm>> -> memref<1x160x128xi32, #tpu.memory_space<hbm>>
      %dma_start3A_109 = tpu.memref_squeeze %dma_start3A_108 : memref<1x160x128xi32, #tpu.memory_space<hbm>> -> memref<160x128xi32, #tpu.memory_space<hbm>>
      %dma_start3A_110 = arith.constant 0 : i32
      %dma_start3A_111 = arith.constant 0 : i32
      %dma_start3A_112 = tpu.memref_slice %arg5[%arg1, %dma_start3A_110, %dma_start3A_111] : memref<16x160x128xi32, #tpu.memory_space<hbm>> -> memref<1x160x128xi32, #tpu.memory_space<hbm>>
      %dma_start3A_113 = tpu.memref_squeeze %dma_start3A_112 : memref<1x160x128xi32, #tpu.memory_space<hbm>> -> memref<160x128xi32, #tpu.memory_space<hbm>>
      tpu.enqueue_dma source(%dma_start3A_113 : memref<160x128xi32, #tpu.memory_space<hbm>>) target(%arg13 : memref<160x128xi32, #tpu.memory_space<vmem>>) target_semaphore(%run_scoped3A : memref<!tpu.dma_semaphore, #tpu.memory_space<semaphore_mem>>)
      %dma_wait3A_114 = arith.constant 0 : i32
      %dma_wait3A_115 = arith.constant 0 : i32
      %dma_wait3A_116 = tpu.memref_slice %arg5[%arg1, %dma_wait3A_114, %dma_wait3A_115] : memref<16x160x128xi32, #tpu.memory_space<hbm>> -> memref<1x160x128xi32, #tpu.memory_space<hbm>>
      %dma_wait3A_117 = tpu.memref_squeeze %dma_wait3A_116 : memref<1x160x128xi32, #tpu.memory_space<hbm>> -> memref<160x128xi32, #tpu.memory_space<hbm>>
      %dma_wait3A_118 = arith.constant 0 : i32
      %dma_wait3A_119 = arith.constant 0 : i32
      %dma_wait3A_120 = tpu.memref_slice %arg5[%arg1, %dma_wait3A_118, %dma_wait3A_119] : memref<16x160x128xi32, #tpu.memory_space<hbm>> -> memref<1x160x128xi32, #tpu.memory_space<hbm>>
      %dma_wait3A_121 = tpu.memref_squeeze %dma_wait3A_120 : memref<1x160x128xi32, #tpu.memory_space<hbm>> -> memref<160x128xi32, #tpu.memory_space<hbm>>
      tpu.wait_dma2 semaphore(%run_scoped3A : memref<!tpu.dma_semaphore, #tpu.memory_space<semaphore_mem>>) src(%dma_wait3A_121 : memref<160x128xi32, #tpu.memory_space<hbm>>) dst(%arg13 : memref<160x128xi32, #tpu.memory_space<vmem>>)
      tpu.yield
    }) : () -> ()
    %dma_start3A = arith.constant 0 : i32
    %dma_start3A_8 = arith.constant 0 : i32
    %dma_start3A_9 = tpu.memref_slice %arg12[%dma_start3A, %dma_start3A_8] : memref<160x128xi32, #tpu.memory_space<vmem>> -> memref<1x128xi32, #tpu.memory_space<vmem>>
    %dma_start3A_10 = tpu.memref_squeeze %dma_start3A_9 : memref<1x128xi32, #tpu.memory_space<vmem>> -> memref<128xi32, #tpu.memory_space<vmem>>
    %dma_start3A_11 = arith.constant 0 : i32
    %dma_start3A_12 = arith.constant 0 : i32
    %dma_start3A_13 = tpu.memref_slice %arg11[%dma_start3A_11, %dma_start3A_12] : memref<10240x48xf32, #tpu.memory_space<vmem_shared>> -> memref<10240x48xf32, #tpu.memory_space<vmem_shared>>
    tpu.enqueue_indirect_dma source(%dma_start3A_13 : memref<10240x48xf32, #tpu.memory_space<vmem_shared>>) target(%arg14 : memref<128x48xf32, #tpu.memory_space<vmem>>) offsets(%dma_start3A_10 : memref<128xi32, #tpu.memory_space<vmem>>) semaphore(%arg18 : memref<!tpu.dma_semaphore, #tpu.memory_space<semaphore_mem>>)
    %dma_start3A_14 = arith.constant 1 : i32
    %dma_start3A_15 = arith.constant 0 : i32
    %dma_start3A_16 = tpu.memref_slice %arg12[%dma_start3A_14, %dma_start3A_15] : memref<160x128xi32, #tpu.memory_space<vmem>> -> memref<1x128xi32, #tpu.memory_space<vmem>>
    %dma_start3A_17 = tpu.memref_squeeze %dma_start3A_16 : memref<1x128xi32, #tpu.memory_space<vmem>> -> memref<128xi32, #tpu.memory_space<vmem>>
    %dma_start3A_18 = arith.constant 0 : i32
    %dma_start3A_19 = arith.constant 0 : i32
    %dma_start3A_20 = tpu.memref_slice %arg11[%dma_start3A_18, %dma_start3A_19] : memref<10240x48xf32, #tpu.memory_space<vmem_shared>> -> memref<10240x48xf32, #tpu.memory_space<vmem_shared>>
    tpu.enqueue_indirect_dma source(%dma_start3A_20 : memref<10240x48xf32, #tpu.memory_space<vmem_shared>>) target(%arg15 : memref<128x48xf32, #tpu.memory_space<vmem>>) offsets(%dma_start3A_17 : memref<128xi32, #tpu.memory_space<vmem>>) semaphore(%arg19 : memref<!tpu.dma_semaphore, #tpu.memory_space<semaphore_mem>>)
    %dma_start3A_21 = arith.constant 2 : i32
    %dma_start3A_22 = arith.constant 0 : i32
    %dma_start3A_23 = tpu.memref_slice %arg12[%dma_start3A_21, %dma_start3A_22] : memref<160x128xi32, #tpu.memory_space<vmem>> -> memref<1x128xi32, #tpu.memory_space<vmem>>
    %dma_start3A_24 = tpu.memref_squeeze %dma_start3A_23 : memref<1x128xi32, #tpu.memory_space<vmem>> -> memref<128xi32, #tpu.memory_space<vmem>>
    %dma_start3A_25 = arith.constant 0 : i32
    %dma_start3A_26 = arith.constant 0 : i32
    %dma_start3A_27 = tpu.memref_slice %arg11[%dma_start3A_25, %dma_start3A_26] : memref<10240x48xf32, #tpu.memory_space<vmem_shared>> -> memref<10240x48xf32, #tpu.memory_space<vmem_shared>>
    tpu.enqueue_indirect_dma source(%dma_start3A_27 : memref<10240x48xf32, #tpu.memory_space<vmem_shared>>) target(%arg16 : memref<128x48xf32, #tpu.memory_space<vmem>>) offsets(%dma_start3A_24 : memref<128xi32, #tpu.memory_space<vmem>>) semaphore(%arg20 : memref<!tpu.dma_semaphore, #tpu.memory_space<semaphore_mem>>)
    %scan3A = arith.constant 0 : i32
    %scan3A_28 = arith.constant 40 : i32
    %scan3A_29 = arith.addi %scan3A, %scan3A_28 : i32
    %scan3A_30 = arith.constant 1 : i32
    scf.for %scan3A_106 = %scan3A to %scan3A_29 step %scan3A_30  : i32 {
      %mul3A_107 = arith.constant 4 : i32
      %mul3A_108 = arith.muli %scan3A_106, %mul3A_107 : i32
      %add3A = arith.constant 0 : i32
      %add3A_109 = arith.addi %add3A, %mul3A_108 : i32
      %add3A_110 = arith.constant 0 : i32
      %add3A_111 = arith.addi %add3A_109, %add3A_110 : i32
      %add3A_112 = arith.constant 3 : i32
      %add3A_113 = arith.addi %add3A_111, %add3A_112 : i32
      %dma_wait3A_114 = arith.constant 0 : i32
      %dma_wait3A_115 = tpu.memref_slice %arg12[%add3A_111, %dma_wait3A_114] : memref<160x128xi32, #tpu.memory_space<vmem>> -> memref<1x128xi32, #tpu.memory_space<vmem>>
      %dma_wait3A_116 = tpu.memref_squeeze %dma_wait3A_115 : memref<1x128xi32, #tpu.memory_space<vmem>> -> memref<128xi32, #tpu.memory_space<vmem>>
      %dma_wait3A_117 = arith.constant 0 : i32
      %dma_wait3A_118 = arith.constant 0 : i32
      %dma_wait3A_119 = tpu.memref_slice %arg11[%dma_wait3A_117, %dma_wait3A_118] : memref<10240x48xf32, #tpu.memory_space<vmem_shared>> -> memref<10240x48xf32, #tpu.memory_space<vmem_shared>>
      tpu.wait_indirect_dma semaphore(%arg18 : memref<!tpu.dma_semaphore, #tpu.memory_space<semaphore_mem>>) src(%dma_wait3A_119 : memref<10240x48xf32, #tpu.memory_space<vmem_shared>>) dst(%arg14 : memref<128x48xf32, #tpu.memory_space<vmem>>)
      %dma_start3A_120 = arith.constant 0 : i32
      %dma_start3A_121 = tpu.memref_slice %arg13[%add3A_111, %dma_start3A_120] : memref<160x128xi32, #tpu.memory_space<vmem>> -> memref<1x128xi32, #tpu.memory_space<vmem>>
      %dma_start3A_122 = tpu.memref_squeeze %dma_start3A_121 : memref<1x128xi32, #tpu.memory_space<vmem>> -> memref<128xi32, #tpu.memory_space<vmem>>
      %dma_start3A_123 = arith.constant 0 : i32
      %dma_start3A_124 = arith.constant 0 : i32
      %dma_start3A_125 = tpu.memref_slice %arg10[%dma_start3A_123, %dma_start3A_124] : memref<10240x48xf32, #tpu.memory_space<vmem_shared>> -> memref<10240x48xf32, #tpu.memory_space<vmem_shared>>
      tpu.enqueue_indirect_dma source(%arg14 : memref<128x48xf32, #tpu.memory_space<vmem>>) target(%dma_start3A_125 : memref<10240x48xf32, #tpu.memory_space<vmem_shared>>) offsets(%dma_start3A_122 : memref<128xi32, #tpu.memory_space<vmem>>) semaphore(%arg22 : memref<!tpu.dma_semaphore, #tpu.memory_space<semaphore_mem>>) {add = true}
      %lt3A = arith.constant 160 : i32
      %lt3A_126 = arith.cmpi slt, %add3A_113, %lt3A : i32
      %convert_element_type3A_127 = arith.extui %lt3A_126 : i1 to i32
      %cond3A_128 = arith.constant 0 : i32
      %cond3A_129 = arith.cmpi ne, %convert_element_type3A_127, %cond3A_128 : i32
      scf.if %cond3A_129 {
        %ge3A = arith.constant 4 : i32
        %ge3A_193 = arith.cmpi sge, %add3A_113, %ge3A : i32
        %convert_element_type3A_194 = arith.extui %ge3A_193 : i1 to i32
        %cond3A_195 = arith.constant 0 : i32
        %cond3A_196 = arith.cmpi ne, %convert_element_type3A_194, %cond3A_195 : i32
        scf.if %cond3A_196 {
          %dma_wait3A_203 = arith.constant 0 : i32
          %dma_wait3A_204 = arith.constant 0 : i32
          %dma_wait3A_205 = tpu.memref_slice %arg8[%dma_wait3A_203, %dma_wait3A_204] : memref<640x48xf32, #tpu.memory_space<hbm>> -> memref<128x48xf32, #tpu.memory_space<hbm>>
          %dma_wait3A_206 = arith.constant 0 : i32
          %dma_wait3A_207 = arith.constant 0 : i32
          %dma_wait3A_208 = tpu.memref_slice %arg8[%dma_wait3A_206, %dma_wait3A_207] : memref<640x48xf32, #tpu.memory_space<hbm>> -> memref<128x48xf32, #tpu.memory_space<hbm>>
          tpu.wait_dma2 semaphore(%arg25 : memref<!tpu.dma_semaphore, #tpu.memory_space<semaphore_mem>>) src(%dma_wait3A_208 : memref<128x48xf32, #tpu.memory_space<hbm>>) dst(%arg17 : memref<128x48xf32, #tpu.memory_space<vmem>>)
        } else {
        }
        %dma_start3A_197 = arith.constant 0 : i32
        %dma_start3A_198 = tpu.memref_slice %arg12[%add3A_113, %dma_start3A_197] : memref<160x128xi32, #tpu.memory_space<vmem>> -> memref<1x128xi32, #tpu.memory_space<vmem>>
        %dma_start3A_199 = tpu.memref_squeeze %dma_start3A_198 : memref<1x128xi32, #tpu.memory_space<vmem>> -> memref<128xi32, #tpu.memory_space<vmem>>
        %dma_start3A_200 = arith.constant 0 : i32
        %dma_start3A_201 = arith.constant 0 : i32
        %dma_start3A_202 = tpu.memref_slice %arg11[%dma_start3A_200, %dma_start3A_201] : memref<10240x48xf32, #tpu.memory_space<vmem_shared>> -> memref<10240x48xf32, #tpu.memory_space<vmem_shared>>
        tpu.enqueue_indirect_dma source(%dma_start3A_202 : memref<10240x48xf32, #tpu.memory_space<vmem_shared>>) target(%arg17 : memref<128x48xf32, #tpu.memory_space<vmem>>) offsets(%dma_start3A_199 : memref<128xi32, #tpu.memory_space<vmem>>) semaphore(%arg21 : memref<!tpu.dma_semaphore, #tpu.memory_space<semaphore_mem>>)
      } else {
      }
      %add3A_130 = arith.constant 1 : i32
      %add3A_131 = arith.addi %add3A_109, %add3A_130 : i32
      %add3A_132 = arith.constant 3 : i32
      %add3A_133 = arith.addi %add3A_131, %add3A_132 : i32
      %dma_wait3A_134 = arith.constant 0 : i32
      %dma_wait3A_135 = tpu.memref_slice %arg12[%add3A_131, %dma_wait3A_134] : memref<160x128xi32, #tpu.memory_space<vmem>> -> memref<1x128xi32, #tpu.memory_space<vmem>>
      %dma_wait3A_136 = tpu.memref_squeeze %dma_wait3A_135 : memref<1x128xi32, #tpu.memory_space<vmem>> -> memref<128xi32, #tpu.memory_space<vmem>>
      %dma_wait3A_137 = arith.constant 0 : i32
      %dma_wait3A_138 = arith.constant 0 : i32
      %dma_wait3A_139 = tpu.memref_slice %arg11[%dma_wait3A_137, %dma_wait3A_138] : memref<10240x48xf32, #tpu.memory_space<vmem_shared>> -> memref<10240x48xf32, #tpu.memory_space<vmem_shared>>
      tpu.wait_indirect_dma semaphore(%arg19 : memref<!tpu.dma_semaphore, #tpu.memory_space<semaphore_mem>>) src(%dma_wait3A_139 : memref<10240x48xf32, #tpu.memory_space<vmem_shared>>) dst(%arg15 : memref<128x48xf32, #tpu.memory_space<vmem>>)
      %dma_start3A_140 = arith.constant 0 : i32
      %dma_start3A_141 = tpu.memref_slice %arg13[%add3A_131, %dma_start3A_140] : memref<160x128xi32, #tpu.memory_space<vmem>> -> memref<1x128xi32, #tpu.memory_space<vmem>>
      %dma_start3A_142 = tpu.memref_squeeze %dma_start3A_141 : memref<1x128xi32, #tpu.memory_space<vmem>> -> memref<128xi32, #tpu.memory_space<vmem>>
      %dma_start3A_143 = arith.constant 0 : i32
      %dma_start3A_144 = arith.constant 0 : i32
      %dma_start3A_145 = tpu.memref_slice %arg10[%dma_start3A_143, %dma_start3A_144] : memref<10240x48xf32, #tpu.memory_space<vmem_shared>> -> memref<10240x48xf32, #tpu.memory_space<vmem_shared>>
      tpu.enqueue_indirect_dma source(%arg15 : memref<128x48xf32, #tpu.memory_space<vmem>>) target(%dma_start3A_145 : memref<10240x48xf32, #tpu.memory_space<vmem_shared>>) offsets(%dma_start3A_142 : memref<128xi32, #tpu.memory_space<vmem>>) semaphore(%arg23 : memref<!tpu.dma_semaphore, #tpu.memory_space<semaphore_mem>>) {add = true}
      %lt3A_146 = arith.constant 160 : i32
      %lt3A_147 = arith.cmpi slt, %add3A_133, %lt3A_146 : i32
      %convert_element_type3A_148 = arith.extui %lt3A_147 : i1 to i32
      %cond3A_149 = arith.constant 0 : i32
      %cond3A_150 = arith.cmpi ne, %convert_element_type3A_148, %cond3A_149 : i32
      scf.if %cond3A_150 {
        %ge3A = arith.constant 4 : i32
        %ge3A_193 = arith.cmpi sge, %add3A_133, %ge3A : i32
        %convert_element_type3A_194 = arith.extui %ge3A_193 : i1 to i32
        %cond3A_195 = arith.constant 0 : i32
        %cond3A_196 = arith.cmpi ne, %convert_element_type3A_194, %cond3A_195 : i32
        scf.if %cond3A_196 {
          %dma_wait3A_203 = arith.constant 0 : i32
          %dma_wait3A_204 = arith.constant 0 : i32
          %dma_wait3A_205 = tpu.memref_slice %arg8[%dma_wait3A_203, %dma_wait3A_204] : memref<640x48xf32, #tpu.memory_space<hbm>> -> memref<128x48xf32, #tpu.memory_space<hbm>>
          %dma_wait3A_206 = arith.constant 0 : i32
          %dma_wait3A_207 = arith.constant 0 : i32
          %dma_wait3A_208 = tpu.memref_slice %arg8[%dma_wait3A_206, %dma_wait3A_207] : memref<640x48xf32, #tpu.memory_space<hbm>> -> memref<128x48xf32, #tpu.memory_space<hbm>>
          tpu.wait_dma2 semaphore(%arg22 : memref<!tpu.dma_semaphore, #tpu.memory_space<semaphore_mem>>) src(%dma_wait3A_208 : memref<128x48xf32, #tpu.memory_space<hbm>>) dst(%arg14 : memref<128x48xf32, #tpu.memory_space<vmem>>)
        } else {
        }
        %dma_start3A_197 = arith.constant 0 : i32
        %dma_start3A_198 = tpu.memref_slice %arg12[%add3A_133, %dma_start3A_197] : memref<160x128xi32, #tpu.memory_space<vmem>> -> memref<1x128xi32, #tpu.memory_space<vmem>>
        %dma_start3A_199 = tpu.memref_squeeze %dma_start3A_198 : memref<1x128xi32, #tpu.memory_space<vmem>> -> memref<128xi32, #tpu.memory_space<vmem>>
        %dma_start3A_200 = arith.constant 0 : i32
        %dma_start3A_201 = arith.constant 0 : i32
        %dma_start3A_202 = tpu.memref_slice %arg11[%dma_start3A_200, %dma_start3A_201] : memref<10240x48xf32, #tpu.memory_space<vmem_shared>> -> memref<10240x48xf32, #tpu.memory_space<vmem_shared>>
        tpu.enqueue_indirect_dma source(%dma_start3A_202 : memref<10240x48xf32, #tpu.memory_space<vmem_shared>>) target(%arg14 : memref<128x48xf32, #tpu.memory_space<vmem>>) offsets(%dma_start3A_199 : memref<128xi32, #tpu.memory_space<vmem>>) semaphore(%arg18 : memref<!tpu.dma_semaphore, #tpu.memory_space<semaphore_mem>>)
      } else {
      }
      %add3A_151 = arith.constant 2 : i32
      %add3A_152 = arith.addi %add3A_109, %add3A_151 : i32
      %add3A_153 = arith.constant 3 : i32
      %add3A_154 = arith.addi %add3A_152, %add3A_153 : i32
      %dma_wait3A_155 = arith.constant 0 : i32
      %dma_wait3A_156 = tpu.memref_slice %arg12[%add3A_152, %dma_wait3A_155] : memref<160x128xi32, #tpu.memory_space<vmem>> -> memref<1x128xi32, #tpu.memory_space<vmem>>
      %dma_wait3A_157 = tpu.memref_squeeze %dma_wait3A_156 : memref<1x128xi32, #tpu.memory_space<vmem>> -> memref<128xi32, #tpu.memory_space<vmem>>
      %dma_wait3A_158 = arith.constant 0 : i32
      %dma_wait3A_159 = arith.constant 0 : i32
      %dma_wait3A_160 = tpu.memref_slice %arg11[%dma_wait3A_158, %dma_wait3A_159] : memref<10240x48xf32, #tpu.memory_space<vmem_shared>> -> memref<10240x48xf32, #tpu.memory_space<vmem_shared>>
      tpu.wait_indirect_dma semaphore(%arg20 : memref<!tpu.dma_semaphore, #tpu.memory_space<semaphore_mem>>) src(%dma_wait3A_160 : memref<10240x48xf32, #tpu.memory_space<vmem_shared>>) dst(%arg16 : memref<128x48xf32, #tpu.memory_space<vmem>>)
      %dma_start3A_161 = arith.constant 0 : i32
      %dma_start3A_162 = tpu.memref_slice %arg13[%add3A_152, %dma_start3A_161] : memref<160x128xi32, #tpu.memory_space<vmem>> -> memref<1x128xi32, #tpu.memory_space<vmem>>
      %dma_start3A_163 = tpu.memref_squeeze %dma_start3A_162 : memref<1x128xi32, #tpu.memory_space<vmem>> -> memref<128xi32, #tpu.memory_space<vmem>>
      %dma_start3A_164 = arith.constant 0 : i32
      %dma_start3A_165 = arith.constant 0 : i32
      %dma_start3A_166 = tpu.memref_slice %arg10[%dma_start3A_164, %dma_start3A_165] : memref<10240x48xf32, #tpu.memory_space<vmem_shared>> -> memref<10240x48xf32, #tpu.memory_space<vmem_shared>>
      tpu.enqueue_indirect_dma source(%arg16 : memref<128x48xf32, #tpu.memory_space<vmem>>) target(%dma_start3A_166 : memref<10240x48xf32, #tpu.memory_space<vmem_shared>>) offsets(%dma_start3A_163 : memref<128xi32, #tpu.memory_space<vmem>>) semaphore(%arg24 : memref<!tpu.dma_semaphore, #tpu.memory_space<semaphore_mem>>) {add = true}
      %lt3A_167 = arith.constant 160 : i32
      %lt3A_168 = arith.cmpi slt, %add3A_154, %lt3A_167 : i32
      %convert_element_type3A_169 = arith.extui %lt3A_168 : i1 to i32
      %cond3A_170 = arith.constant 0 : i32
      %cond3A_171 = arith.cmpi ne, %convert_element_type3A_169, %cond3A_170 : i32
      scf.if %cond3A_171 {
        %ge3A = arith.constant 4 : i32
        %ge3A_193 = arith.cmpi sge, %add3A_154, %ge3A : i32
        %convert_element_type3A_194 = arith.extui %ge3A_193 : i1 to i32
        %cond3A_195 = arith.constant 0 : i32
        %cond3A_196 = arith.cmpi ne, %convert_element_type3A_194, %cond3A_195 : i32
        scf.if %cond3A_196 {
          %dma_wait3A_203 = arith.constant 0 : i32
          %dma_wait3A_204 = arith.constant 0 : i32
          %dma_wait3A_205 = tpu.memref_slice %arg8[%dma_wait3A_203, %dma_wait3A_204] : memref<640x48xf32, #tpu.memory_space<hbm>> -> memref<128x48xf32, #tpu.memory_space<hbm>>
          %dma_wait3A_206 = arith.constant 0 : i32
          %dma_wait3A_207 = arith.constant 0 : i32
          %dma_wait3A_208 = tpu.memref_slice %arg8[%dma_wait3A_206, %dma_wait3A_207] : memref<640x48xf32, #tpu.memory_space<hbm>> -> memref<128x48xf32, #tpu.memory_space<hbm>>
          tpu.wait_dma2 semaphore(%arg23 : memref<!tpu.dma_semaphore, #tpu.memory_space<semaphore_mem>>) src(%dma_wait3A_208 : memref<128x48xf32, #tpu.memory_space<hbm>>) dst(%arg15 : memref<128x48xf32, #tpu.memory_space<vmem>>)
        } else {
        }
        %dma_start3A_197 = arith.constant 0 : i32
        %dma_start3A_198 = tpu.memref_slice %arg12[%add3A_154, %dma_start3A_197] : memref<160x128xi32, #tpu.memory_space<vmem>> -> memref<1x128xi32, #tpu.memory_space<vmem>>
        %dma_start3A_199 = tpu.memref_squeeze %dma_start3A_198 : memref<1x128xi32, #tpu.memory_space<vmem>> -> memref<128xi32, #tpu.memory_space<vmem>>
        %dma_start3A_200 = arith.constant 0 : i32
        %dma_start3A_201 = arith.constant 0 : i32
        %dma_start3A_202 = tpu.memref_slice %arg11[%dma_start3A_200, %dma_start3A_201] : memref<10240x48xf32, #tpu.memory_space<vmem_shared>> -> memref<10240x48xf32, #tpu.memory_space<vmem_shared>>
        tpu.enqueue_indirect_dma source(%dma_start3A_202 : memref<10240x48xf32, #tpu.memory_space<vmem_shared>>) target(%arg15 : memref<128x48xf32, #tpu.memory_space<vmem>>) offsets(%dma_start3A_199 : memref<128xi32, #tpu.memory_space<vmem>>) semaphore(%arg19 : memref<!tpu.dma_semaphore, #tpu.memory_space<semaphore_mem>>)
      } else {
      }
      %add3A_172 = arith.constant 3 : i32
      %add3A_173 = arith.addi %add3A_109, %add3A_172 : i32
      %add3A_174 = arith.constant 3 : i32
      %add3A_175 = arith.addi %add3A_173, %add3A_174 : i32
      %dma_wait3A_176 = arith.constant 0 : i32
      %dma_wait3A_177 = tpu.memref_slice %arg12[%add3A_173, %dma_wait3A_176] : memref<160x128xi32, #tpu.memory_space<vmem>> -> memref<1x128xi32, #tpu.memory_space<vmem>>
      %dma_wait3A_178 = tpu.memref_squeeze %dma_wait3A_177 : memref<1x128xi32, #tpu.memory_space<vmem>> -> memref<128xi32, #tpu.memory_space<vmem>>
      %dma_wait3A_179 = arith.constant 0 : i32
      %dma_wait3A_180 = arith.constant 0 : i32
      %dma_wait3A_181 = tpu.memref_slice %arg11[%dma_wait3A_179, %dma_wait3A_180] : memref<10240x48xf32, #tpu.memory_space<vmem_shared>> -> memref<10240x48xf32, #tpu.memory_space<vmem_shared>>
      tpu.wait_indirect_dma semaphore(%arg21 : memref<!tpu.dma_semaphore, #tpu.memory_space<semaphore_mem>>) src(%dma_wait3A_181 : memref<10240x48xf32, #tpu.memory_space<vmem_shared>>) dst(%arg17 : memref<128x48xf32, #tpu.memory_space<vmem>>)
      %dma_start3A_182 = arith.constant 0 : i32
      %dma_start3A_183 = tpu.memref_slice %arg13[%add3A_173, %dma_start3A_182] : memref<160x128xi32, #tpu.memory_space<vmem>> -> memref<1x128xi32, #tpu.memory_space<vmem>>
      %dma_start3A_184 = tpu.memref_squeeze %dma_start3A_183 : memref<1x128xi32, #tpu.memory_space<vmem>> -> memref<128xi32, #tpu.memory_space<vmem>>
      %dma_start3A_185 = arith.constant 0 : i32
      %dma_start3A_186 = arith.constant 0 : i32
      %dma_start3A_187 = tpu.memref_slice %arg10[%dma_start3A_185, %dma_start3A_186] : memref<10240x48xf32, #tpu.memory_space<vmem_shared>> -> memref<10240x48xf32, #tpu.memory_space<vmem_shared>>
      tpu.enqueue_indirect_dma source(%arg17 : memref<128x48xf32, #tpu.memory_space<vmem>>) target(%dma_start3A_187 : memref<10240x48xf32, #tpu.memory_space<vmem_shared>>) offsets(%dma_start3A_184 : memref<128xi32, #tpu.memory_space<vmem>>) semaphore(%arg25 : memref<!tpu.dma_semaphore, #tpu.memory_space<semaphore_mem>>) {add = true}
      %lt3A_188 = arith.constant 160 : i32
      %lt3A_189 = arith.cmpi slt, %add3A_175, %lt3A_188 : i32
      %convert_element_type3A_190 = arith.extui %lt3A_189 : i1 to i32
      %cond3A_191 = arith.constant 0 : i32
      %cond3A_192 = arith.cmpi ne, %convert_element_type3A_190, %cond3A_191 : i32
      scf.if %cond3A_192 {
        %ge3A = arith.constant 4 : i32
        %ge3A_193 = arith.cmpi sge, %add3A_175, %ge3A : i32
        %convert_element_type3A_194 = arith.extui %ge3A_193 : i1 to i32
        %cond3A_195 = arith.constant 0 : i32
        %cond3A_196 = arith.cmpi ne, %convert_element_type3A_194, %cond3A_195 : i32
        scf.if %cond3A_196 {
          %dma_wait3A_203 = arith.constant 0 : i32
          %dma_wait3A_204 = arith.constant 0 : i32
          %dma_wait3A_205 = tpu.memref_slice %arg8[%dma_wait3A_203, %dma_wait3A_204] : memref<640x48xf32, #tpu.memory_space<hbm>> -> memref<128x48xf32, #tpu.memory_space<hbm>>
          %dma_wait3A_206 = arith.constant 0 : i32
          %dma_wait3A_207 = arith.constant 0 : i32
          %dma_wait3A_208 = tpu.memref_slice %arg8[%dma_wait3A_206, %dma_wait3A_207] : memref<640x48xf32, #tpu.memory_space<hbm>> -> memref<128x48xf32, #tpu.memory_space<hbm>>
          tpu.wait_dma2 semaphore(%arg24 : memref<!tpu.dma_semaphore, #tpu.memory_space<semaphore_mem>>) src(%dma_wait3A_208 : memref<128x48xf32, #tpu.memory_space<hbm>>) dst(%arg16 : memref<128x48xf32, #tpu.memory_space<vmem>>)
        } else {
        }
        %dma_start3A_197 = arith.constant 0 : i32
        %dma_start3A_198 = tpu.memref_slice %arg12[%add3A_175, %dma_start3A_197] : memref<160x128xi32, #tpu.memory_space<vmem>> -> memref<1x128xi32, #tpu.memory_space<vmem>>
        %dma_start3A_199 = tpu.memref_squeeze %dma_start3A_198 : memref<1x128xi32, #tpu.memory_space<vmem>> -> memref<128xi32, #tpu.memory_space<vmem>>
        %dma_start3A_200 = arith.constant 0 : i32
        %dma_start3A_201 = arith.constant 0 : i32
        %dma_start3A_202 = tpu.memref_slice %arg11[%dma_start3A_200, %dma_start3A_201] : memref<10240x48xf32, #tpu.memory_space<vmem_shared>> -> memref<10240x48xf32, #tpu.memory_space<vmem_shared>>
        tpu.enqueue_indirect_dma source(%dma_start3A_202 : memref<10240x48xf32, #tpu.memory_space<vmem_shared>>) target(%arg16 : memref<128x48xf32, #tpu.memory_space<vmem>>) offsets(%dma_start3A_199 : memref<128xi32, #tpu.memory_space<vmem>>) semaphore(%arg20 : memref<!tpu.dma_semaphore, #tpu.memory_space<semaphore_mem>>)
      } else {
      }
    }
    %scan3A_31 = arith.constant 40 : i32
    %dma_wait3A = arith.constant 0 : i32
    %dma_wait3A_32 = arith.constant 0 : i32
    %dma_wait3A_33 = tpu.memref_slice %arg8[%dma_wait3A, %dma_wait3A_32] : memref<640x48xf32, #tpu.memory_space<hbm>> -> memref<128x48xf32, #tpu.memory_space<hbm>>
    %dma_wait3A_34 = arith.constant 0 : i32
    %dma_wait3A_35 = arith.constant 0 : i32
    %dma_wait3A_36 = tpu.memref_slice %arg8[%dma_wait3A_34, %dma_wait3A_35] : memref<640x48xf32, #tpu.memory_space<hbm>> -> memref<128x48xf32, #tpu.memory_space<hbm>>
    tpu.wait_dma2 semaphore(%arg22 : memref<!tpu.dma_semaphore, #tpu.memory_space<semaphore_mem>>) src(%dma_wait3A_36 : memref<128x48xf32, #tpu.memory_space<hbm>>) dst(%arg14 : memref<128x48xf32, #tpu.memory_space<vmem>>)
    %dma_wait3A_37 = arith.constant 0 : i32
    %dma_wait3A_38 = arith.constant 0 : i32
    %dma_wait3A_39 = tpu.memref_slice %arg8[%dma_wait3A_37, %dma_wait3A_38] : memref<640x48xf32, #tpu.memory_space<hbm>> -> memref<128x48xf32, #tpu.memory_space<hbm>>
    %dma_wait3A_40 = arith.constant 0 : i32
    %dma_wait3A_41 = arith.constant 0 : i32
    %dma_wait3A_42 = tpu.memref_slice %arg8[%dma_wait3A_40, %dma_wait3A_41] : memref<640x48xf32, #tpu.memory_space<hbm>> -> memref<128x48xf32, #tpu.memory_space<hbm>>
    tpu.wait_dma2 semaphore(%arg23 : memref<!tpu.dma_semaphore, #tpu.memory_space<semaphore_mem>>) src(%dma_wait3A_42 : memref<128x48xf32, #tpu.memory_space<hbm>>) dst(%arg15 : memref<128x48xf32, #tpu.memory_space<vmem>>)
    %dma_wait3A_43 = arith.constant 0 : i32
    %dma_wait3A_44 = arith.constant 0 : i32
    %dma_wait3A_45 = tpu.memref_slice %arg8[%dma_wait3A_43, %dma_wait3A_44] : memref<640x48xf32, #tpu.memory_space<hbm>> -> memref<128x48xf32, #tpu.memory_space<hbm>>
    %dma_wait3A_46 = arith.constant 0 : i32
    %dma_wait3A_47 = arith.constant 0 : i32
    %dma_wait3A_48 = tpu.memref_slice %arg8[%dma_wait3A_46, %dma_wait3A_47] : memref<640x48xf32, #tpu.memory_space<hbm>> -> memref<128x48xf32, #tpu.memory_space<hbm>>
    tpu.wait_dma2 semaphore(%arg24 : memref<!tpu.dma_semaphore, #tpu.memory_space<semaphore_mem>>) src(%dma_wait3A_48 : memref<128x48xf32, #tpu.memory_space<hbm>>) dst(%arg16 : memref<128x48xf32, #tpu.memory_space<vmem>>)
    %dma_wait3A_49 = arith.constant 0 : i32
    %dma_wait3A_50 = arith.constant 0 : i32
    %dma_wait3A_51 = tpu.memref_slice %arg8[%dma_wait3A_49, %dma_wait3A_50] : memref<640x48xf32, #tpu.memory_space<hbm>> -> memref<128x48xf32, #tpu.memory_space<hbm>>
    %dma_wait3A_52 = arith.constant 0 : i32
    %dma_wait3A_53 = arith.constant 0 : i32
    %dma_wait3A_54 = tpu.memref_slice %arg8[%dma_wait3A_52, %dma_wait3A_53] : memref<640x48xf32, #tpu.memory_space<hbm>> -> memref<128x48xf32, #tpu.memory_space<hbm>>
    tpu.wait_dma2 semaphore(%arg25 : memref<!tpu.dma_semaphore, #tpu.memory_space<semaphore_mem>>) src(%dma_wait3A_54 : memref<128x48xf32, #tpu.memory_space<hbm>>) dst(%arg17 : memref<128x48xf32, #tpu.memory_space<vmem>>)
    "tpu.region"() ({
      %run_scoped3A = tpu.sem_alloc : memref<!tpu.dma_semaphore, #tpu.memory_space<semaphore_mem>>
      %dma_start3A_106 = arith.constant 0 : i32
      %dma_start3A_107 = arith.constant 0 : i32
      %dma_start3A_108 = tpu.memref_slice %arg6[%arg1, %dma_start3A_106, %dma_start3A_107] : memref<16x160x128xi32, #tpu.memory_space<hbm>> -> memref<1x160x128xi32, #tpu.memory_space<hbm>>
      %dma_start3A_109 = tpu.memref_squeeze %dma_start3A_108 : memref<1x160x128xi32, #tpu.memory_space<hbm>> -> memref<160x128xi32, #tpu.memory_space<hbm>>
      %dma_start3A_110 = arith.constant 0 : i32
      %dma_start3A_111 = arith.constant 0 : i32
      %dma_start3A_112 = tpu.memref_slice %arg6[%arg1, %dma_start3A_110, %dma_start3A_111] : memref<16x160x128xi32, #tpu.memory_space<hbm>> -> memref<1x160x128xi32, #tpu.memory_space<hbm>>
      %dma_start3A_113 = tpu.memref_squeeze %dma_start3A_112 : memref<1x160x128xi32, #tpu.memory_space<hbm>> -> memref<160x128xi32, #tpu.memory_space<hbm>>
      tpu.enqueue_dma source(%dma_start3A_113 : memref<160x128xi32, #tpu.memory_space<hbm>>) target(%arg12 : memref<160x128xi32, #tpu.memory_space<vmem>>) target_semaphore(%run_scoped3A : memref<!tpu.dma_semaphore, #tpu.memory_space<semaphore_mem>>)
      %dma_wait3A_114 = arith.constant 0 : i32
      %dma_wait3A_115 = arith.constant 0 : i32
      %dma_wait3A_116 = tpu.memref_slice %arg6[%arg1, %dma_wait3A_114, %dma_wait3A_115] : memref<16x160x128xi32, #tpu.memory_space<hbm>> -> memref<1x160x128xi32, #tpu.memory_space<hbm>>
      %dma_wait3A_117 = tpu.memref_squeeze %dma_wait3A_116 : memref<1x160x128xi32, #tpu.memory_space<hbm>> -> memref<160x128xi32, #tpu.memory_space<hbm>>
      %dma_wait3A_118 = arith.constant 0 : i32
      %dma_wait3A_119 = arith.constant 0 : i32
      %dma_wait3A_120 = tpu.memref_slice %arg6[%arg1, %dma_wait3A_118, %dma_wait3A_119] : memref<16x160x128xi32, #tpu.memory_space<hbm>> -> memref<1x160x128xi32, #tpu.memory_space<hbm>>
      %dma_wait3A_121 = tpu.memref_squeeze %dma_wait3A_120 : memref<1x160x128xi32, #tpu.memory_space<hbm>> -> memref<160x128xi32, #tpu.memory_space<hbm>>
      tpu.wait_dma2 semaphore(%run_scoped3A : memref<!tpu.dma_semaphore, #tpu.memory_space<semaphore_mem>>) src(%dma_wait3A_121 : memref<160x128xi32, #tpu.memory_space<hbm>>) dst(%arg12 : memref<160x128xi32, #tpu.memory_space<vmem>>)
      tpu.yield
    }) : () -> ()
    "tpu.region"() ({
      %run_scoped3A = tpu.sem_alloc : memref<!tpu.dma_semaphore, #tpu.memory_space<semaphore_mem>>
      %dma_start3A_106 = arith.constant 0 : i32
      %dma_start3A_107 = arith.constant 0 : i32
      %dma_start3A_108 = tpu.memref_slice %arg7[%arg1, %dma_start3A_106, %dma_start3A_107] : memref<16x160x128xi32, #tpu.memory_space<hbm>> -> memref<1x160x128xi32, #tpu.memory_space<hbm>>
      %dma_start3A_109 = tpu.memref_squeeze %dma_start3A_108 : memref<1x160x128xi32, #tpu.memory_space<hbm>> -> memref<160x128xi32, #tpu.memory_space<hbm>>
      %dma_start3A_110 = arith.constant 0 : i32
      %dma_start3A_111 = arith.constant 0 : i32
      %dma_start3A_112 = tpu.memref_slice %arg7[%arg1, %dma_start3A_110, %dma_start3A_111] : memref<16x160x128xi32, #tpu.memory_space<hbm>> -> memref<1x160x128xi32, #tpu.memory_space<hbm>>
      %dma_start3A_113 = tpu.memref_squeeze %dma_start3A_112 : memref<1x160x128xi32, #tpu.memory_space<hbm>> -> memref<160x128xi32, #tpu.memory_space<hbm>>
      tpu.enqueue_dma source(%dma_start3A_113 : memref<160x128xi32, #tpu.memory_space<hbm>>) target(%arg13 : memref<160x128xi32, #tpu.memory_space<vmem>>) target_semaphore(%run_scoped3A : memref<!tpu.dma_semaphore, #tpu.memory_space<semaphore_mem>>)
      %dma_wait3A_114 = arith.constant 0 : i32
      %dma_wait3A_115 = arith.constant 0 : i32
      %dma_wait3A_116 = tpu.memref_slice %arg7[%arg1, %dma_wait3A_114, %dma_wait3A_115] : memref<16x160x128xi32, #tpu.memory_space<hbm>> -> memref<1x160x128xi32, #tpu.memory_space<hbm>>
      %dma_wait3A_117 = tpu.memref_squeeze %dma_wait3A_116 : memref<1x160x128xi32, #tpu.memory_space<hbm>> -> memref<160x128xi32, #tpu.memory_space<hbm>>
      %dma_wait3A_118 = arith.constant 0 : i32
      %dma_wait3A_119 = arith.constant 0 : i32
      %dma_wait3A_120 = tpu.memref_slice %arg7[%arg1, %dma_wait3A_118, %dma_wait3A_119] : memref<16x160x128xi32, #tpu.memory_space<hbm>> -> memref<1x160x128xi32, #tpu.memory_space<hbm>>
      %dma_wait3A_121 = tpu.memref_squeeze %dma_wait3A_120 : memref<1x160x128xi32, #tpu.memory_space<hbm>> -> memref<160x128xi32, #tpu.memory_space<hbm>>
      tpu.wait_dma2 semaphore(%run_scoped3A : memref<!tpu.dma_semaphore, #tpu.memory_space<semaphore_mem>>) src(%dma_wait3A_121 : memref<160x128xi32, #tpu.memory_space<hbm>>) dst(%arg13 : memref<160x128xi32, #tpu.memory_space<vmem>>)
      tpu.yield
    }) : () -> ()
    %dma_start3A_55 = arith.constant 0 : i32
    %dma_start3A_56 = arith.constant 0 : i32
    %dma_start3A_57 = tpu.memref_slice %arg12[%dma_start3A_55, %dma_start3A_56] : memref<160x128xi32, #tpu.memory_space<vmem>> -> memref<1x128xi32, #tpu.memory_space<vmem>>
    %dma_start3A_58 = tpu.memref_squeeze %dma_start3A_57 : memref<1x128xi32, #tpu.memory_space<vmem>> -> memref<128xi32, #tpu.memory_space<vmem>>
    %dma_start3A_59 = arith.constant 0 : i32
    %dma_start3A_60 = arith.constant 0 : i32
    %dma_start3A_61 = tpu.memref_slice %arg11[%dma_start3A_59, %dma_start3A_60] : memref<10240x48xf32, #tpu.memory_space<vmem_shared>> -> memref<10240x48xf32, #tpu.memory_space<vmem_shared>>
    tpu.enqueue_indirect_dma source(%dma_start3A_61 : memref<10240x48xf32, #tpu.memory_space<vmem_shared>>) target(%arg14 : memref<128x48xf32, #tpu.memory_space<vmem>>) offsets(%dma_start3A_58 : memref<128xi32, #tpu.memory_space<vmem>>) semaphore(%arg18 : memref<!tpu.dma_semaphore, #tpu.memory_space<semaphore_mem>>)
    %dma_start3A_62 = arith.constant 1 : i32
    %dma_start3A_63 = arith.constant 0 : i32
    %dma_start3A_64 = tpu.memref_slice %arg12[%dma_start3A_62, %dma_start3A_63] : memref<160x128xi32, #tpu.memory_space<vmem>> -> memref<1x128xi32, #tpu.memory_space<vmem>>
    %dma_start3A_65 = tpu.memref_squeeze %dma_start3A_64 : memref<1x128xi32, #tpu.memory_space<vmem>> -> memref<128xi32, #tpu.memory_space<vmem>>
    %dma_start3A_66 = arith.constant 0 : i32
    %dma_start3A_67 = arith.constant 0 : i32
    %dma_start3A_68 = tpu.memref_slice %arg11[%dma_start3A_66, %dma_start3A_67] : memref<10240x48xf32, #tpu.memory_space<vmem_shared>> -> memref<10240x48xf32, #tpu.memory_space<vmem_shared>>
    tpu.enqueue_indirect_dma source(%dma_start3A_68 : memref<10240x48xf32, #tpu.memory_space<vmem_shared>>) target(%arg15 : memref<128x48xf32, #tpu.memory_space<vmem>>) offsets(%dma_start3A_65 : memref<128xi32, #tpu.memory_space<vmem>>) semaphore(%arg19 : memref<!tpu.dma_semaphore, #tpu.memory_space<semaphore_mem>>)
    %dma_start3A_69 = arith.constant 2 : i32
    %dma_start3A_70 = arith.constant 0 : i32
    %dma_start3A_71 = tpu.memref_slice %arg12[%dma_start3A_69, %dma_start3A_70] : memref<160x128xi32, #tpu.memory_space<vmem>> -> memref<1x128xi32, #tpu.memory_space<vmem>>
    %dma_start3A_72 = tpu.memref_squeeze %dma_start3A_71 : memref<1x128xi32, #tpu.memory_space<vmem>> -> memref<128xi32, #tpu.memory_space<vmem>>
    %dma_start3A_73 = arith.constant 0 : i32
    %dma_start3A_74 = arith.constant 0 : i32
    %dma_start3A_75 = tpu.memref_slice %arg11[%dma_start3A_73, %dma_start3A_74] : memref<10240x48xf32, #tpu.memory_space<vmem_shared>> -> memref<10240x48xf32, #tpu.memory_space<vmem_shared>>
    tpu.enqueue_indirect_dma source(%dma_start3A_75 : memref<10240x48xf32, #tpu.memory_space<vmem_shared>>) target(%arg16 : memref<128x48xf32, #tpu.memory_space<vmem>>) offsets(%dma_start3A_72 : memref<128xi32, #tpu.memory_space<vmem>>) semaphore(%arg20 : memref<!tpu.dma_semaphore, #tpu.memory_space<semaphore_mem>>)
    %scan3A_76 = arith.constant 0 : i32
    %scan3A_77 = arith.constant 40 : i32
    %scan3A_78 = arith.addi %scan3A_76, %scan3A_77 : i32
    %scan3A_79 = arith.constant 1 : i32
    scf.for %scan3A_106 = %scan3A_76 to %scan3A_78 step %scan3A_79  : i32 {
      %mul3A_107 = arith.constant 4 : i32
      %mul3A_108 = arith.muli %scan3A_106, %mul3A_107 : i32
      %add3A = arith.constant 0 : i32
      %add3A_109 = arith.addi %add3A, %mul3A_108 : i32
      %add3A_110 = arith.constant 0 : i32
      %add3A_111 = arith.addi %add3A_109, %add3A_110 : i32
      %add3A_112 = arith.constant 3 : i32
      %add3A_113 = arith.addi %add3A_111, %add3A_112 : i32
      %dma_wait3A_114 = arith.constant 0 : i32
      %dma_wait3A_115 = tpu.memref_slice %arg12[%add3A_111, %dma_wait3A_114] : memref<160x128xi32, #tpu.memory_space<vmem>> -> memref<1x128xi32, #tpu.memory_space<vmem>>
      %dma_wait3A_116 = tpu.memref_squeeze %dma_wait3A_115 : memref<1x128xi32, #tpu.memory_space<vmem>> -> memref<128xi32, #tpu.memory_space<vmem>>
      %dma_wait3A_117 = arith.constant 0 : i32
      %dma_wait3A_118 = arith.constant 0 : i32
      %dma_wait3A_119 = tpu.memref_slice %arg11[%dma_wait3A_117, %dma_wait3A_118] : memref<10240x48xf32, #tpu.memory_space<vmem_shared>> -> memref<10240x48xf32, #tpu.memory_space<vmem_shared>>
      tpu.wait_indirect_dma semaphore(%arg18 : memref<!tpu.dma_semaphore, #tpu.memory_space<semaphore_mem>>) src(%dma_wait3A_119 : memref<10240x48xf32, #tpu.memory_space<vmem_shared>>) dst(%arg14 : memref<128x48xf32, #tpu.memory_space<vmem>>)
      %dma_start3A_120 = arith.constant 0 : i32
      %dma_start3A_121 = tpu.memref_slice %arg13[%add3A_111, %dma_start3A_120] : memref<160x128xi32, #tpu.memory_space<vmem>> -> memref<1x128xi32, #tpu.memory_space<vmem>>
      %dma_start3A_122 = tpu.memref_squeeze %dma_start3A_121 : memref<1x128xi32, #tpu.memory_space<vmem>> -> memref<128xi32, #tpu.memory_space<vmem>>
      %dma_start3A_123 = arith.constant 0 : i32
      %dma_start3A_124 = arith.constant 0 : i32
      %dma_start3A_125 = tpu.memref_slice %arg10[%dma_start3A_123, %dma_start3A_124] : memref<10240x48xf32, #tpu.memory_space<vmem_shared>> -> memref<10240x48xf32, #tpu.memory_space<vmem_shared>>
      tpu.enqueue_indirect_dma source(%arg14 : memref<128x48xf32, #tpu.memory_space<vmem>>) target(%dma_start3A_125 : memref<10240x48xf32, #tpu.memory_space<vmem_shared>>) offsets(%dma_start3A_122 : memref<128xi32, #tpu.memory_space<vmem>>) semaphore(%arg22 : memref<!tpu.dma_semaphore, #tpu.memory_space<semaphore_mem>>) {add = true}
      %lt3A = arith.constant 160 : i32
      %lt3A_126 = arith.cmpi slt, %add3A_113, %lt3A : i32
      %convert_element_type3A_127 = arith.extui %lt3A_126 : i1 to i32
      %cond3A_128 = arith.constant 0 : i32
      %cond3A_129 = arith.cmpi ne, %convert_element_type3A_127, %cond3A_128 : i32
      scf.if %cond3A_129 {
        %ge3A = arith.constant 4 : i32
        %ge3A_193 = arith.cmpi sge, %add3A_113, %ge3A : i32
        %convert_element_type3A_194 = arith.extui %ge3A_193 : i1 to i32
        %cond3A_195 = arith.constant 0 : i32
        %cond3A_196 = arith.cmpi ne, %convert_element_type3A_194, %cond3A_195 : i32
        scf.if %cond3A_196 {
          %dma_wait3A_203 = arith.constant 0 : i32
          %dma_wait3A_204 = arith.constant 0 : i32
          %dma_wait3A_205 = tpu.memref_slice %arg8[%dma_wait3A_203, %dma_wait3A_204] : memref<640x48xf32, #tpu.memory_space<hbm>> -> memref<128x48xf32, #tpu.memory_space<hbm>>
          %dma_wait3A_206 = arith.constant 0 : i32
          %dma_wait3A_207 = arith.constant 0 : i32
          %dma_wait3A_208 = tpu.memref_slice %arg8[%dma_wait3A_206, %dma_wait3A_207] : memref<640x48xf32, #tpu.memory_space<hbm>> -> memref<128x48xf32, #tpu.memory_space<hbm>>
          tpu.wait_dma2 semaphore(%arg25 : memref<!tpu.dma_semaphore, #tpu.memory_space<semaphore_mem>>) src(%dma_wait3A_208 : memref<128x48xf32, #tpu.memory_space<hbm>>) dst(%arg17 : memref<128x48xf32, #tpu.memory_space<vmem>>)
        } else {
        }
        %dma_start3A_197 = arith.constant 0 : i32
        %dma_start3A_198 = tpu.memref_slice %arg12[%add3A_113, %dma_start3A_197] : memref<160x128xi32, #tpu.memory_space<vmem>> -> memref<1x128xi32, #tpu.memory_space<vmem>>
        %dma_start3A_199 = tpu.memref_squeeze %dma_start3A_198 : memref<1x128xi32, #tpu.memory_space<vmem>> -> memref<128xi32, #tpu.memory_space<vmem>>
        %dma_start3A_200 = arith.constant 0 : i32
        %dma_start3A_201 = arith.constant 0 : i32
        %dma_start3A_202 = tpu.memref_slice %arg11[%dma_start3A_200, %dma_start3A_201] : memref<10240x48xf32, #tpu.memory_space<vmem_shared>> -> memref<10240x48xf32, #tpu.memory_space<vmem_shared>>
        tpu.enqueue_indirect_dma source(%dma_start3A_202 : memref<10240x48xf32, #tpu.memory_space<vmem_shared>>) target(%arg17 : memref<128x48xf32, #tpu.memory_space<vmem>>) offsets(%dma_start3A_199 : memref<128xi32, #tpu.memory_space<vmem>>) semaphore(%arg21 : memref<!tpu.dma_semaphore, #tpu.memory_space<semaphore_mem>>)
      } else {
      }
      %add3A_130 = arith.constant 1 : i32
      %add3A_131 = arith.addi %add3A_109, %add3A_130 : i32
      %add3A_132 = arith.constant 3 : i32
      %add3A_133 = arith.addi %add3A_131, %add3A_132 : i32
      %dma_wait3A_134 = arith.constant 0 : i32
      %dma_wait3A_135 = tpu.memref_slice %arg12[%add3A_131, %dma_wait3A_134] : memref<160x128xi32, #tpu.memory_space<vmem>> -> memref<1x128xi32, #tpu.memory_space<vmem>>
      %dma_wait3A_136 = tpu.memref_squeeze %dma_wait3A_135 : memref<1x128xi32, #tpu.memory_space<vmem>> -> memref<128xi32, #tpu.memory_space<vmem>>
      %dma_wait3A_137 = arith.constant 0 : i32
      %dma_wait3A_138 = arith.constant 0 : i32
      %dma_wait3A_139 = tpu.memref_slice %arg11[%dma_wait3A_137, %dma_wait3A_138] : memref<10240x48xf32, #tpu.memory_space<vmem_shared>> -> memref<10240x48xf32, #tpu.memory_space<vmem_shared>>
      tpu.wait_indirect_dma semaphore(%arg19 : memref<!tpu.dma_semaphore, #tpu.memory_space<semaphore_mem>>) src(%dma_wait3A_139 : memref<10240x48xf32, #tpu.memory_space<vmem_shared>>) dst(%arg15 : memref<128x48xf32, #tpu.memory_space<vmem>>)
      %dma_start3A_140 = arith.constant 0 : i32
      %dma_start3A_141 = tpu.memref_slice %arg13[%add3A_131, %dma_start3A_140] : memref<160x128xi32, #tpu.memory_space<vmem>> -> memref<1x128xi32, #tpu.memory_space<vmem>>
      %dma_start3A_142 = tpu.memref_squeeze %dma_start3A_141 : memref<1x128xi32, #tpu.memory_space<vmem>> -> memref<128xi32, #tpu.memory_space<vmem>>
      %dma_start3A_143 = arith.constant 0 : i32
      %dma_start3A_144 = arith.constant 0 : i32
      %dma_start3A_145 = tpu.memref_slice %arg10[%dma_start3A_143, %dma_start3A_144] : memref<10240x48xf32, #tpu.memory_space<vmem_shared>> -> memref<10240x48xf32, #tpu.memory_space<vmem_shared>>
      tpu.enqueue_indirect_dma source(%arg15 : memref<128x48xf32, #tpu.memory_space<vmem>>) target(%dma_start3A_145 : memref<10240x48xf32, #tpu.memory_space<vmem_shared>>) offsets(%dma_start3A_142 : memref<128xi32, #tpu.memory_space<vmem>>) semaphore(%arg23 : memref<!tpu.dma_semaphore, #tpu.memory_space<semaphore_mem>>) {add = true}
      %lt3A_146 = arith.constant 160 : i32
      %lt3A_147 = arith.cmpi slt, %add3A_133, %lt3A_146 : i32
      %convert_element_type3A_148 = arith.extui %lt3A_147 : i1 to i32
      %cond3A_149 = arith.constant 0 : i32
      %cond3A_150 = arith.cmpi ne, %convert_element_type3A_148, %cond3A_149 : i32
      scf.if %cond3A_150 {
        %ge3A = arith.constant 4 : i32
        %ge3A_193 = arith.cmpi sge, %add3A_133, %ge3A : i32
        %convert_element_type3A_194 = arith.extui %ge3A_193 : i1 to i32
        %cond3A_195 = arith.constant 0 : i32
        %cond3A_196 = arith.cmpi ne, %convert_element_type3A_194, %cond3A_195 : i32
        scf.if %cond3A_196 {
          %dma_wait3A_203 = arith.constant 0 : i32
          %dma_wait3A_204 = arith.constant 0 : i32
          %dma_wait3A_205 = tpu.memref_slice %arg8[%dma_wait3A_203, %dma_wait3A_204] : memref<640x48xf32, #tpu.memory_space<hbm>> -> memref<128x48xf32, #tpu.memory_space<hbm>>
          %dma_wait3A_206 = arith.constant 0 : i32
          %dma_wait3A_207 = arith.constant 0 : i32
          %dma_wait3A_208 = tpu.memref_slice %arg8[%dma_wait3A_206, %dma_wait3A_207] : memref<640x48xf32, #tpu.memory_space<hbm>> -> memref<128x48xf32, #tpu.memory_space<hbm>>
          tpu.wait_dma2 semaphore(%arg22 : memref<!tpu.dma_semaphore, #tpu.memory_space<semaphore_mem>>) src(%dma_wait3A_208 : memref<128x48xf32, #tpu.memory_space<hbm>>) dst(%arg14 : memref<128x48xf32, #tpu.memory_space<vmem>>)
        } else {
        }
        %dma_start3A_197 = arith.constant 0 : i32
        %dma_start3A_198 = tpu.memref_slice %arg12[%add3A_133, %dma_start3A_197] : memref<160x128xi32, #tpu.memory_space<vmem>> -> memref<1x128xi32, #tpu.memory_space<vmem>>
        %dma_start3A_199 = tpu.memref_squeeze %dma_start3A_198 : memref<1x128xi32, #tpu.memory_space<vmem>> -> memref<128xi32, #tpu.memory_space<vmem>>
        %dma_start3A_200 = arith.constant 0 : i32
        %dma_start3A_201 = arith.constant 0 : i32
        %dma_start3A_202 = tpu.memref_slice %arg11[%dma_start3A_200, %dma_start3A_201] : memref<10240x48xf32, #tpu.memory_space<vmem_shared>> -> memref<10240x48xf32, #tpu.memory_space<vmem_shared>>
        tpu.enqueue_indirect_dma source(%dma_start3A_202 : memref<10240x48xf32, #tpu.memory_space<vmem_shared>>) target(%arg14 : memref<128x48xf32, #tpu.memory_space<vmem>>) offsets(%dma_start3A_199 : memref<128xi32, #tpu.memory_space<vmem>>) semaphore(%arg18 : memref<!tpu.dma_semaphore, #tpu.memory_space<semaphore_mem>>)
      } else {
      }
      %add3A_151 = arith.constant 2 : i32
      %add3A_152 = arith.addi %add3A_109, %add3A_151 : i32
      %add3A_153 = arith.constant 3 : i32
      %add3A_154 = arith.addi %add3A_152, %add3A_153 : i32
      %dma_wait3A_155 = arith.constant 0 : i32
      %dma_wait3A_156 = tpu.memref_slice %arg12[%add3A_152, %dma_wait3A_155] : memref<160x128xi32, #tpu.memory_space<vmem>> -> memref<1x128xi32, #tpu.memory_space<vmem>>
      %dma_wait3A_157 = tpu.memref_squeeze %dma_wait3A_156 : memref<1x128xi32, #tpu.memory_space<vmem>> -> memref<128xi32, #tpu.memory_space<vmem>>
      %dma_wait3A_158 = arith.constant 0 : i32
      %dma_wait3A_159 = arith.constant 0 : i32
      %dma_wait3A_160 = tpu.memref_slice %arg11[%dma_wait3A_158, %dma_wait3A_159] : memref<10240x48xf32, #tpu.memory_space<vmem_shared>> -> memref<10240x48xf32, #tpu.memory_space<vmem_shared>>
      tpu.wait_indirect_dma semaphore(%arg20 : memref<!tpu.dma_semaphore, #tpu.memory_space<semaphore_mem>>) src(%dma_wait3A_160 : memref<10240x48xf32, #tpu.memory_space<vmem_shared>>) dst(%arg16 : memref<128x48xf32, #tpu.memory_space<vmem>>)
      %dma_start3A_161 = arith.constant 0 : i32
      %dma_start3A_162 = tpu.memref_slice %arg13[%add3A_152, %dma_start3A_161] : memref<160x128xi32, #tpu.memory_space<vmem>> -> memref<1x128xi32, #tpu.memory_space<vmem>>
      %dma_start3A_163 = tpu.memref_squeeze %dma_start3A_162 : memref<1x128xi32, #tpu.memory_space<vmem>> -> memref<128xi32, #tpu.memory_space<vmem>>
      %dma_start3A_164 = arith.constant 0 : i32
      %dma_start3A_165 = arith.constant 0 : i32
      %dma_start3A_166 = tpu.memref_slice %arg10[%dma_start3A_164, %dma_start3A_165] : memref<10240x48xf32, #tpu.memory_space<vmem_shared>> -> memref<10240x48xf32, #tpu.memory_space<vmem_shared>>
      tpu.enqueue_indirect_dma source(%arg16 : memref<128x48xf32, #tpu.memory_space<vmem>>) target(%dma_start3A_166 : memref<10240x48xf32, #tpu.memory_space<vmem_shared>>) offsets(%dma_start3A_163 : memref<128xi32, #tpu.memory_space<vmem>>) semaphore(%arg24 : memref<!tpu.dma_semaphore, #tpu.memory_space<semaphore_mem>>) {add = true}
      %lt3A_167 = arith.constant 160 : i32
      %lt3A_168 = arith.cmpi slt, %add3A_154, %lt3A_167 : i32
      %convert_element_type3A_169 = arith.extui %lt3A_168 : i1 to i32
      %cond3A_170 = arith.constant 0 : i32
      %cond3A_171 = arith.cmpi ne, %convert_element_type3A_169, %cond3A_170 : i32
      scf.if %cond3A_171 {
        %ge3A = arith.constant 4 : i32
        %ge3A_193 = arith.cmpi sge, %add3A_154, %ge3A : i32
        %convert_element_type3A_194 = arith.extui %ge3A_193 : i1 to i32
        %cond3A_195 = arith.constant 0 : i32
        %cond3A_196 = arith.cmpi ne, %convert_element_type3A_194, %cond3A_195 : i32
        scf.if %cond3A_196 {
          %dma_wait3A_203 = arith.constant 0 : i32
          %dma_wait3A_204 = arith.constant 0 : i32
          %dma_wait3A_205 = tpu.memref_slice %arg8[%dma_wait3A_203, %dma_wait3A_204] : memref<640x48xf32, #tpu.memory_space<hbm>> -> memref<128x48xf32, #tpu.memory_space<hbm>>
          %dma_wait3A_206 = arith.constant 0 : i32
          %dma_wait3A_207 = arith.constant 0 : i32
          %dma_wait3A_208 = tpu.memref_slice %arg8[%dma_wait3A_206, %dma_wait3A_207] : memref<640x48xf32, #tpu.memory_space<hbm>> -> memref<128x48xf32, #tpu.memory_space<hbm>>
          tpu.wait_dma2 semaphore(%arg23 : memref<!tpu.dma_semaphore, #tpu.memory_space<semaphore_mem>>) src(%dma_wait3A_208 : memref<128x48xf32, #tpu.memory_space<hbm>>) dst(%arg15 : memref<128x48xf32, #tpu.memory_space<vmem>>)
        } else {
        }
        %dma_start3A_197 = arith.constant 0 : i32
        %dma_start3A_198 = tpu.memref_slice %arg12[%add3A_154, %dma_start3A_197] : memref<160x128xi32, #tpu.memory_space<vmem>> -> memref<1x128xi32, #tpu.memory_space<vmem>>
        %dma_start3A_199 = tpu.memref_squeeze %dma_start3A_198 : memref<1x128xi32, #tpu.memory_space<vmem>> -> memref<128xi32, #tpu.memory_space<vmem>>
        %dma_start3A_200 = arith.constant 0 : i32
        %dma_start3A_201 = arith.constant 0 : i32
        %dma_start3A_202 = tpu.memref_slice %arg11[%dma_start3A_200, %dma_start3A_201] : memref<10240x48xf32, #tpu.memory_space<vmem_shared>> -> memref<10240x48xf32, #tpu.memory_space<vmem_shared>>
        tpu.enqueue_indirect_dma source(%dma_start3A_202 : memref<10240x48xf32, #tpu.memory_space<vmem_shared>>) target(%arg15 : memref<128x48xf32, #tpu.memory_space<vmem>>) offsets(%dma_start3A_199 : memref<128xi32, #tpu.memory_space<vmem>>) semaphore(%arg19 : memref<!tpu.dma_semaphore, #tpu.memory_space<semaphore_mem>>)
      } else {
      }
      %add3A_172 = arith.constant 3 : i32
      %add3A_173 = arith.addi %add3A_109, %add3A_172 : i32
      %add3A_174 = arith.constant 3 : i32
      %add3A_175 = arith.addi %add3A_173, %add3A_174 : i32
      %dma_wait3A_176 = arith.constant 0 : i32
      %dma_wait3A_177 = tpu.memref_slice %arg12[%add3A_173, %dma_wait3A_176] : memref<160x128xi32, #tpu.memory_space<vmem>> -> memref<1x128xi32, #tpu.memory_space<vmem>>
      %dma_wait3A_178 = tpu.memref_squeeze %dma_wait3A_177 : memref<1x128xi32, #tpu.memory_space<vmem>> -> memref<128xi32, #tpu.memory_space<vmem>>
      %dma_wait3A_179 = arith.constant 0 : i32
      %dma_wait3A_180 = arith.constant 0 : i32
      %dma_wait3A_181 = tpu.memref_slice %arg11[%dma_wait3A_179, %dma_wait3A_180] : memref<10240x48xf32, #tpu.memory_space<vmem_shared>> -> memref<10240x48xf32, #tpu.memory_space<vmem_shared>>
      tpu.wait_indirect_dma semaphore(%arg21 : memref<!tpu.dma_semaphore, #tpu.memory_space<semaphore_mem>>) src(%dma_wait3A_181 : memref<10240x48xf32, #tpu.memory_space<vmem_shared>>) dst(%arg17 : memref<128x48xf32, #tpu.memory_space<vmem>>)
      %dma_start3A_182 = arith.constant 0 : i32
      %dma_start3A_183 = tpu.memref_slice %arg13[%add3A_173, %dma_start3A_182] : memref<160x128xi32, #tpu.memory_space<vmem>> -> memref<1x128xi32, #tpu.memory_space<vmem>>
      %dma_start3A_184 = tpu.memref_squeeze %dma_start3A_183 : memref<1x128xi32, #tpu.memory_space<vmem>> -> memref<128xi32, #tpu.memory_space<vmem>>
      %dma_start3A_185 = arith.constant 0 : i32
      %dma_start3A_186 = arith.constant 0 : i32
      %dma_start3A_187 = tpu.memref_slice %arg10[%dma_start3A_185, %dma_start3A_186] : memref<10240x48xf32, #tpu.memory_space<vmem_shared>> -> memref<10240x48xf32, #tpu.memory_space<vmem_shared>>
      tpu.enqueue_indirect_dma source(%arg17 : memref<128x48xf32, #tpu.memory_space<vmem>>) target(%dma_start3A_187 : memref<10240x48xf32, #tpu.memory_space<vmem_shared>>) offsets(%dma_start3A_184 : memref<128xi32, #tpu.memory_space<vmem>>) semaphore(%arg25 : memref<!tpu.dma_semaphore, #tpu.memory_space<semaphore_mem>>) {add = true}
      %lt3A_188 = arith.constant 160 : i32
      %lt3A_189 = arith.cmpi slt, %add3A_175, %lt3A_188 : i32
      %convert_element_type3A_190 = arith.extui %lt3A_189 : i1 to i32
      %cond3A_191 = arith.constant 0 : i32
      %cond3A_192 = arith.cmpi ne, %convert_element_type3A_190, %cond3A_191 : i32
      scf.if %cond3A_192 {
        %ge3A = arith.constant 4 : i32
        %ge3A_193 = arith.cmpi sge, %add3A_175, %ge3A : i32
        %convert_element_type3A_194 = arith.extui %ge3A_193 : i1 to i32
        %cond3A_195 = arith.constant 0 : i32
        %cond3A_196 = arith.cmpi ne, %convert_element_type3A_194, %cond3A_195 : i32
        scf.if %cond3A_196 {
          %dma_wait3A_203 = arith.constant 0 : i32
          %dma_wait3A_204 = arith.constant 0 : i32
          %dma_wait3A_205 = tpu.memref_slice %arg8[%dma_wait3A_203, %dma_wait3A_204] : memref<640x48xf32, #tpu.memory_space<hbm>> -> memref<128x48xf32, #tpu.memory_space<hbm>>
          %dma_wait3A_206 = arith.constant 0 : i32
          %dma_wait3A_207 = arith.constant 0 : i32
          %dma_wait3A_208 = tpu.memref_slice %arg8[%dma_wait3A_206, %dma_wait3A_207] : memref<640x48xf32, #tpu.memory_space<hbm>> -> memref<128x48xf32, #tpu.memory_space<hbm>>
          tpu.wait_dma2 semaphore(%arg24 : memref<!tpu.dma_semaphore, #tpu.memory_space<semaphore_mem>>) src(%dma_wait3A_208 : memref<128x48xf32, #tpu.memory_space<hbm>>) dst(%arg16 : memref<128x48xf32, #tpu.memory_space<vmem>>)
        } else {
        }
        %dma_start3A_197 = arith.constant 0 : i32
        %dma_start3A_198 = tpu.memref_slice %arg12[%add3A_175, %dma_start3A_197] : memref<160x128xi32, #tpu.memory_space<vmem>> -> memref<1x128xi32, #tpu.memory_space<vmem>>
        %dma_start3A_199 = tpu.memref_squeeze %dma_start3A_198 : memref<1x128xi32, #tpu.memory_space<vmem>> -> memref<128xi32, #tpu.memory_space<vmem>>
        %dma_start3A_200 = arith.constant 0 : i32
        %dma_start3A_201 = arith.constant 0 : i32
        %dma_start3A_202 = tpu.memref_slice %arg11[%dma_start3A_200, %dma_start3A_201] : memref<10240x48xf32, #tpu.memory_space<vmem_shared>> -> memref<10240x48xf32, #tpu.memory_space<vmem_shared>>
        tpu.enqueue_indirect_dma source(%dma_start3A_202 : memref<10240x48xf32, #tpu.memory_space<vmem_shared>>) target(%arg16 : memref<128x48xf32, #tpu.memory_space<vmem>>) offsets(%dma_start3A_199 : memref<128xi32, #tpu.memory_space<vmem>>) semaphore(%arg20 : memref<!tpu.dma_semaphore, #tpu.memory_space<semaphore_mem>>)
      } else {
      }
    }
    %scan3A_80 = arith.constant 40 : i32
    %dma_wait3A_81 = arith.constant 0 : i32
    %dma_wait3A_82 = arith.constant 0 : i32
    %dma_wait3A_83 = tpu.memref_slice %arg8[%dma_wait3A_81, %dma_wait3A_82] : memref<640x48xf32, #tpu.memory_space<hbm>> -> memref<128x48xf32, #tpu.memory_space<hbm>>
    %dma_wait3A_84 = arith.constant 0 : i32
    %dma_wait3A_85 = arith.constant 0 : i32
    %dma_wait3A_86 = tpu.memref_slice %arg8[%dma_wait3A_84, %dma_wait3A_85] : memref<640x48xf32, #tpu.memory_space<hbm>> -> memref<128x48xf32, #tpu.memory_space<hbm>>
    tpu.wait_dma2 semaphore(%arg22 : memref<!tpu.dma_semaphore, #tpu.memory_space<semaphore_mem>>) src(%dma_wait3A_86 : memref<128x48xf32, #tpu.memory_space<hbm>>) dst(%arg14 : memref<128x48xf32, #tpu.memory_space<vmem>>)
    %dma_wait3A_87 = arith.constant 0 : i32
    %dma_wait3A_88 = arith.constant 0 : i32
    %dma_wait3A_89 = tpu.memref_slice %arg8[%dma_wait3A_87, %dma_wait3A_88] : memref<640x48xf32, #tpu.memory_space<hbm>> -> memref<128x48xf32, #tpu.memory_space<hbm>>
    %dma_wait3A_90 = arith.constant 0 : i32
    %dma_wait3A_91 = arith.constant 0 : i32
    %dma_wait3A_92 = tpu.memref_slice %arg8[%dma_wait3A_90, %dma_wait3A_91] : memref<640x48xf32, #tpu.memory_space<hbm>> -> memref<128x48xf32, #tpu.memory_space<hbm>>
    tpu.wait_dma2 semaphore(%arg23 : memref<!tpu.dma_semaphore, #tpu.memory_space<semaphore_mem>>) src(%dma_wait3A_92 : memref<128x48xf32, #tpu.memory_space<hbm>>) dst(%arg15 : memref<128x48xf32, #tpu.memory_space<vmem>>)
    %dma_wait3A_93 = arith.constant 0 : i32
    %dma_wait3A_94 = arith.constant 0 : i32
    %dma_wait3A_95 = tpu.memref_slice %arg8[%dma_wait3A_93, %dma_wait3A_94] : memref<640x48xf32, #tpu.memory_space<hbm>> -> memref<128x48xf32, #tpu.memory_space<hbm>>
    %dma_wait3A_96 = arith.constant 0 : i32
    %dma_wait3A_97 = arith.constant 0 : i32
    %dma_wait3A_98 = tpu.memref_slice %arg8[%dma_wait3A_96, %dma_wait3A_97] : memref<640x48xf32, #tpu.memory_space<hbm>> -> memref<128x48xf32, #tpu.memory_space<hbm>>
    tpu.wait_dma2 semaphore(%arg24 : memref<!tpu.dma_semaphore, #tpu.memory_space<semaphore_mem>>) src(%dma_wait3A_98 : memref<128x48xf32, #tpu.memory_space<hbm>>) dst(%arg16 : memref<128x48xf32, #tpu.memory_space<vmem>>)
    %dma_wait3A_99 = arith.constant 0 : i32
    %dma_wait3A_100 = arith.constant 0 : i32
    %dma_wait3A_101 = tpu.memref_slice %arg8[%dma_wait3A_99, %dma_wait3A_100] : memref<640x48xf32, #tpu.memory_space<hbm>> -> memref<128x48xf32, #tpu.memory_space<hbm>>
    %dma_wait3A_102 = arith.constant 0 : i32
    %dma_wait3A_103 = arith.constant 0 : i32
    %dma_wait3A_104 = tpu.memref_slice %arg8[%dma_wait3A_102, %dma_wait3A_103] : memref<640x48xf32, #tpu.memory_space<hbm>> -> memref<128x48xf32, #tpu.memory_space<hbm>>
    tpu.wait_dma2 semaphore(%arg25 : memref<!tpu.dma_semaphore, #tpu.memory_space<semaphore_mem>>) src(%dma_wait3A_104 : memref<128x48xf32, #tpu.memory_space<hbm>>) dst(%arg17 : memref<128x48xf32, #tpu.memory_space<vmem>>)
    %barrier3A_105 = arith.constant 0 : index
    tpu.barrier barrier_id(%barrier3A_105)
    "tpu.region"() ({
      %run_scoped3A = tpu.sem_alloc : memref<!tpu.dma_semaphore, #tpu.memory_space<semaphore_mem>>
      %dma_start3A_106 = arith.constant 0 : i32
      %dma_start3A_107 = tpu.memref_slice %arg9[%arg0, %mul3A_0, %dma_start3A_106] : memref<2x10240x128xf32, #tpu.memory_space<hbm>> -> memref<1x640x48xf32, #tpu.memory_space<hbm>>
      %dma_start3A_108 = tpu.memref_squeeze %dma_start3A_107 : memref<1x640x48xf32, #tpu.memory_space<hbm>> -> memref<640x48xf32, #tpu.memory_space<hbm>>
      %dma_start3A_109 = arith.constant 0 : i32
      %dma_start3A_110 = tpu.memref_slice %arg10[%mul3A_0, %dma_start3A_109] : memref<10240x48xf32, #tpu.memory_space<vmem_shared>> -> memref<640x48xf32, #tpu.memory_space<vmem_shared>>
      tpu.enqueue_dma source(%dma_start3A_110 : memref<640x48xf32, #tpu.memory_space<vmem_shared>>) target(%dma_start3A_108 : memref<640x48xf32, #tpu.memory_space<hbm>>) target_semaphore(%run_scoped3A : memref<!tpu.dma_semaphore, #tpu.memory_space<semaphore_mem>>)
      %dma_wait3A_111 = arith.constant 0 : i32
      %dma_wait3A_112 = tpu.memref_slice %arg9[%arg0, %mul3A_0, %dma_wait3A_111] : memref<2x10240x128xf32, #tpu.memory_space<hbm>> -> memref<1x640x48xf32, #tpu.memory_space<hbm>>
      %dma_wait3A_113 = tpu.memref_squeeze %dma_wait3A_112 : memref<1x640x48xf32, #tpu.memory_space<hbm>> -> memref<640x48xf32, #tpu.memory_space<hbm>>
      %dma_wait3A_114 = arith.constant 0 : i32
      %dma_wait3A_115 = tpu.memref_slice %arg10[%mul3A_0, %dma_wait3A_114] : memref<10240x48xf32, #tpu.memory_space<vmem_shared>> -> memref<640x48xf32, #tpu.memory_space<vmem_shared>>
      tpu.wait_dma2 semaphore(%run_scoped3A : memref<!tpu.dma_semaphore, #tpu.memory_space<semaphore_mem>>) src(%dma_wait3A_115 : memref<640x48xf32, #tpu.memory_space<vmem_shared>>) dst(%dma_wait3A_113 : memref<640x48xf32, #tpu.memory_space<hbm>>)
      tpu.yield
    }) : () -> ()
    return
  }
}

module attributes {stable_mosaic.version = 14 : i64} {
  func.func @_tc1_body(%arg0: i32, %arg1: memref<2x2x1280x128xf32, #tpu.memory_space<vmem>>, %arg2: memref<1280x128xf32, #tpu.memory_space<vmem>>, %arg3: memref<1280x128xf32, #tpu.memory_space<vmem>>, %arg4: memref<128x48xf32, #tpu.memory_space<vmem>>, %arg5: memref<128x48xf32, #tpu.memory_space<vmem>>, %arg6: memref<128x48xf32, #tpu.memory_space<vmem>>, %arg7: memref<1280x128xf32, #tpu.memory_space<vmem>>, %arg8: memref<1280x128xf32, #tpu.memory_space<vmem>>, %arg9: memref<1280x3xf32, #tpu.memory_space<vmem>>) attributes {dimension_semantics = [#tpu.dimension_semantics<arbitrary>], iteration_bounds = array<i64: 8>, scalar_prefetch = 0 : i64, scratch_operands = 0 : i64, tpu.core_type = #tpu.core_type<tc>, window_params = [{transform_indices = @transform_0, window_bounds = array<i64: 2, 2, 1280, 128>}, {transform_indices = @transform_1, window_bounds = array<i64: 1280, 128>}, {transform_indices = @transform_2, window_bounds = array<i64: 1280, 128>}, {pipeline_mode = #tpu.pipeline_mode<synchronous>, transform_indices = @transform_3, window_bounds = array<i64: 128, 48>}, {pipeline_mode = #tpu.pipeline_mode<synchronous>, transform_indices = @transform_4, window_bounds = array<i64: 128, 48>}, {pipeline_mode = #tpu.pipeline_mode<synchronous>, transform_indices = @transform_5, window_bounds = array<i64: 128, 48>}, {transform_indices = @transform_6, window_bounds = array<i64: 1280, 128>}, {transform_indices = @transform_7, window_bounds = array<i64: 1280, 128>}, {transform_indices = @transform_8, window_bounds = array<i64: 1280, 3>}]} {
    %get3A = arith.constant 0 : index
    %get3A_0 = arith.constant 0 : index
    %get3A_1 = arith.constant 0 : index
    %get3A_2 = arith.constant 0 : index
    %get3A_3 = vector.load %arg1[%get3A, %get3A_0, %get3A_1, %get3A_2] : memref<2x2x1280x128xf32, #tpu.memory_space<vmem>>, vector<2x2x1280x128xf32>
    %slice3A = vector.extract_strided_slice %get3A_3 {offsets = [0, 0, 0, 0], sizes = [1, 1, 1280, 1], strides = [1, 1, 1, 1]} : vector<2x2x1280x128xf32> to vector<1x1x1280x1xf32>
    %squeeze3A = vector.shape_cast %slice3A : vector<1x1x1280x1xf32> to vector<1280xf32>
    %slice3A_4 = vector.extract_strided_slice %get3A_3 {offsets = [1, 0, 0, 0], sizes = [1, 1, 1280, 1], strides = [1, 1, 1, 1]} : vector<2x2x1280x128xf32> to vector<1x1x1280x1xf32>
    %squeeze3A_5 = vector.shape_cast %slice3A_4 : vector<1x1x1280x1xf32> to vector<1280xf32>
    %add3A = arith.addf %squeeze3A, %squeeze3A_5 : vector<1280xf32>
    %slice3A_6 = vector.extract_strided_slice %get3A_3 {offsets = [0, 1, 0, 0], sizes = [1, 1, 1280, 1], strides = [1, 1, 1, 1]} : vector<2x2x1280x128xf32> to vector<1x1x1280x1xf32>
    %squeeze3A_7 = vector.shape_cast %slice3A_6 : vector<1x1x1280x1xf32> to vector<1280xf32>
    %slice3A_8 = vector.extract_strided_slice %get3A_3 {offsets = [1, 1, 0, 0], sizes = [1, 1, 1280, 1], strides = [1, 1, 1, 1]} : vector<2x2x1280x128xf32> to vector<1x1x1280x1xf32>
    %squeeze3A_9 = vector.shape_cast %slice3A_8 : vector<1x1x1280x1xf32> to vector<1280xf32>
    %add3A_10 = arith.addf %squeeze3A_7, %squeeze3A_9 : vector<1280xf32>
    %add3A_11 = arith.constant 1.000000e+00 : f32
    %add3A_12 = vector.broadcast %add3A_11 : f32 to vector<1280xf32>
    %add3A_13 = arith.addf %add3A, %add3A_12 : vector<1280xf32>
    %rsqrt3A = math.rsqrt %add3A_13 : vector<1280xf32>
    %add3A_14 = arith.constant 1.000000e+00 : f32
    %add3A_15 = vector.broadcast %add3A_14 : f32 to vector<1280xf32>
    %add3A_16 = arith.addf %add3A_10, %add3A_15 : vector<1280xf32>
    %rsqrt3A_17 = math.rsqrt %add3A_16 : vector<1280xf32>
    %add3A_18 = arith.addf %add3A, %add3A_10 : vector<1280xf32>
    %add3A_19 = arith.constant 1.000000e+00 : f32
    %add3A_20 = vector.broadcast %add3A_19 : f32 to vector<1280xf32>
    %add3A_21 = arith.addf %add3A_18, %add3A_20 : vector<1280xf32>
    %rsqrt3A_22 = math.rsqrt %add3A_21 : vector<1280xf32>
    %get3A_23 = arith.constant 0 : index
    %get3A_24 = arith.constant 0 : index
    %get3A_25 = vector.load %arg2[%get3A_23, %get3A_24] : memref<1280x128xf32, #tpu.memory_space<vmem>>, vector<1280x128xf32>
    %get3A_26 = arith.constant 0 : index
    %get3A_27 = arith.constant 0 : index
    %get3A_28 = vector.load %arg4[%get3A_26, %get3A_27] : memref<128x48xf32, #tpu.memory_space<vmem>>, vector<128x48xf32>
    %dot_general3A = arith.constant dense<0.000000e+00> : vector<1280x48xf32>
    %dot_general3A_29 = tpu.matmul %get3A_25, %get3A_28, %dot_general3A {dimension_numbers = #tpu.dot_dimension_numbers<[1], [0], [0], [1], [0, 0, 1, 1], [], []>, transpose_lhs_hint = false} : vector<1280x128xf32>, vector<128x48xf32>, vector<1280x48xf32> -> vector<1280x48xf32>
    %get3A_30 = arith.constant 0 : index
    %get3A_31 = arith.constant 0 : index
    %get3A_32 = vector.load %arg5[%get3A_30, %get3A_31] : memref<128x48xf32, #tpu.memory_space<vmem>>, vector<128x48xf32>
    %dot_general3A_33 = arith.constant dense<0.000000e+00> : vector<1280x48xf32>
    %dot_general3A_34 = tpu.matmul %get3A_25, %get3A_32, %dot_general3A_33 {dimension_numbers = #tpu.dot_dimension_numbers<[1], [0], [0], [1], [0, 0, 1, 1], [], []>, transpose_lhs_hint = false} : vector<1280x128xf32>, vector<128x48xf32>, vector<1280x48xf32> -> vector<1280x48xf32>
    %get3A_35 = arith.constant 0 : index
    %get3A_36 = arith.constant 0 : index
    %get3A_37 = vector.load %arg3[%get3A_35, %get3A_36] : memref<1280x128xf32, #tpu.memory_space<vmem>>, vector<1280x128xf32>
    %get3A_38 = arith.constant 0 : index
    %get3A_39 = arith.constant 0 : index
    %get3A_40 = vector.load %arg6[%get3A_38, %get3A_39] : memref<128x48xf32, #tpu.memory_space<vmem>>, vector<128x48xf32>
    %dot_general3A_41 = arith.constant dense<0.000000e+00> : vector<1280x48xf32>
    %dot_general3A_42 = tpu.matmul %get3A_37, %get3A_40, %dot_general3A_41 {dimension_numbers = #tpu.dot_dimension_numbers<[1], [0], [0], [1], [0, 0, 1, 1], [], []>, transpose_lhs_hint = false} : vector<1280x128xf32>, vector<128x48xf32>, vector<1280x48xf32> -> vector<1280x48xf32>
    %add3A_43 = arith.addf %dot_general3A_34, %dot_general3A_42 : vector<1280x48xf32>
    %mul3A = arith.constant 1280 : i32
    %mul3A_44 = arith.muli %mul3A, %arg0 : i32
    %iota3A = tpu.iota {dimensions = array<i32: 0>} : vector<1280x1xi32>
    %add3A_45 = vector.broadcast %mul3A_44 : i32 to vector<1280x1xi32>
    %add3A_46 = arith.addi %add3A_45, %iota3A : vector<1280x1xi32>
    %lt3A = arith.constant 10000 : i32
    %lt3A_47 = vector.broadcast %lt3A : i32 to vector<1280x1xi32>
    %lt3A_48 = arith.cmpi slt, %add3A_46, %lt3A_47 : vector<1280x1xi32>
    %broadcast_in_dim3A = arith.constant 0.000000e+00 : f32
    %broadcast_in_dim3A_49 = vector.broadcast %broadcast_in_dim3A : f32 to vector<1280x80xf32>
    %broadcast_in_dim3A_50 = vector.shape_cast %rsqrt3A : vector<1280xf32> to vector<1280x1xf32>
    %mul3A_51 = vector.broadcast %broadcast_in_dim3A_50 : vector<1280x1xf32> to vector<1280x48xf32>
    %mul3A_52 = arith.mulf %dot_general3A_29, %mul3A_51 : vector<1280x48xf32>
    %jit3A = arith.constant 0.000000e+00 : f32
    %broadcast_in_dim3A_53 = vector.shape_cast %lt3A_48 : vector<1280x1xi1> to vector<1280x1xi1>
    %broadcast_in_dim3A_54 = vector.broadcast %broadcast_in_dim3A_53 : vector<1280x1xi1> to vector<1280x48xi1>
    %broadcast_in_dim3A_55 = vector.broadcast %jit3A : f32 to vector<1280x48xf32>
    %select_n3A = arith.select %broadcast_in_dim3A_54, %mul3A_52, %broadcast_in_dim3A_55 : vector<1280x48xi1>, vector<1280x48xf32>
    %concatenate3A = tpu.concatenate %select_n3A, %broadcast_in_dim3A_49 in 1 : vector<1280x48xf32>, vector<1280x80xf32> -> vector<1280x128xf32>
    %swap3A = arith.constant 0 : index
    %swap3A_56 = arith.constant 0 : index
    %swap3A_57 = vector.load %arg7[%swap3A, %swap3A_56] : memref<1280x128xf32, #tpu.memory_space<vmem>>, vector<1280x128xf32>
    tpu.vector_store %arg7[%swap3A, %swap3A_56], %concatenate3A {strides = array<i32>} : memref<1280x128xf32, #tpu.memory_space<vmem>>, vector<1280x128xf32>,
    %broadcast_in_dim3A_58 = vector.shape_cast %rsqrt3A_17 : vector<1280xf32> to vector<1280x1xf32>
    %mul3A_59 = vector.broadcast %broadcast_in_dim3A_58 : vector<1280x1xf32> to vector<1280x48xf32>
    %mul3A_60 = arith.mulf %add3A_43, %mul3A_59 : vector<1280x48xf32>
    %jit3A_61 = arith.constant 0.000000e+00 : f32
    %broadcast_in_dim3A_62 = vector.shape_cast %lt3A_48 : vector<1280x1xi1> to vector<1280x1xi1>
    %broadcast_in_dim3A_63 = vector.broadcast %broadcast_in_dim3A_62 : vector<1280x1xi1> to vector<1280x48xi1>
    %broadcast_in_dim3A_64 = vector.broadcast %jit3A_61 : f32 to vector<1280x48xf32>
    %select_n3A_65 = arith.select %broadcast_in_dim3A_63, %mul3A_60, %broadcast_in_dim3A_64 : vector<1280x48xi1>, vector<1280x48xf32>
    %concatenate3A_66 = tpu.concatenate %select_n3A_65, %broadcast_in_dim3A_49 in 1 : vector<1280x48xf32>, vector<1280x80xf32> -> vector<1280x128xf32>
    %swap3A_67 = arith.constant 0 : index
    %swap3A_68 = arith.constant 0 : index
    %swap3A_69 = vector.load %arg8[%swap3A_67, %swap3A_68] : memref<1280x128xf32, #tpu.memory_space<vmem>>, vector<1280x128xf32>
    tpu.vector_store %arg8[%swap3A_67, %swap3A_68], %concatenate3A_66 {strides = array<i32>} : memref<1280x128xf32, #tpu.memory_space<vmem>>, vector<1280x128xf32>,
    %stack3A = vector.shape_cast %rsqrt3A : vector<1280xf32> to vector<1280x1xf32>
    %stack3A_70 = vector.shape_cast %rsqrt3A_17 : vector<1280xf32> to vector<1280x1xf32>
    %stack3A_71 = vector.shape_cast %rsqrt3A_22 : vector<1280xf32> to vector<1280x1xf32>
    %stack3A_72 = tpu.concatenate %stack3A, %stack3A_70, %stack3A_71 in 1 : vector<1280x1xf32>, vector<1280x1xf32>, vector<1280x1xf32> -> vector<1280x3xf32>
    %swap3A_73 = arith.constant 0 : index
    %swap3A_74 = arith.constant 0 : index
    %swap3A_75 = vector.load %arg9[%swap3A_73, %swap3A_74] : memref<1280x3xf32, #tpu.memory_space<vmem>>, vector<1280x3xf32>
    tpu.vector_store %arg9[%swap3A_73, %swap3A_74], %stack3A_72 {strides = array<i32>} : memref<1280x3xf32, #tpu.memory_space<vmem>>, vector<1280x3xf32>,
    return
  }
  func.func @transform_0(%arg0: i32) -> (i32, i32, i32, i32) {
    %c0_i32 = arith.constant 0 : i32
    %c0_i32_0 = arith.constant 0 : i32
    %c0_i32_1 = arith.constant 0 : i32
    %c0_i32_2 = arith.constant 0 : i32
    return %c0_i32, %c0_i32_0, %arg0, %c0_i32_1 : i32, i32, i32, i32
  }
  func.func @transform_1(%arg0: i32) -> (i32, i32) {
    %c0_i32 = arith.constant 0 : i32
    %c0_i32_0 = arith.constant 0 : i32
    return %arg0, %c0_i32 : i32, i32
  }
  func.func @transform_2(%arg0: i32) -> (i32, i32) {
    %c0_i32 = arith.constant 0 : i32
    %c0_i32_0 = arith.constant 0 : i32
    return %arg0, %c0_i32 : i32, i32
  }
  func.func @transform_3(%arg0: i32) -> (i32, i32) {
    %c0_i32 = arith.constant 0 : i32
    %c0_i32_0 = arith.constant 0 : i32
    %c0_i32_1 = arith.constant 0 : i32
    return %c0_i32, %c0_i32_0 : i32, i32
  }
  func.func @transform_4(%arg0: i32) -> (i32, i32) {
    %c0_i32 = arith.constant 0 : i32
    %c0_i32_0 = arith.constant 0 : i32
    %c0_i32_1 = arith.constant 0 : i32
    return %c0_i32, %c0_i32_0 : i32, i32
  }
  func.func @transform_5(%arg0: i32) -> (i32, i32) {
    %c0_i32 = arith.constant 0 : i32
    %c0_i32_0 = arith.constant 0 : i32
    %c0_i32_1 = arith.constant 0 : i32
    return %c0_i32, %c0_i32_0 : i32, i32
  }
  func.func @transform_6(%arg0: i32) -> (i32, i32) {
    %c0_i32 = arith.constant 0 : i32
    %c0_i32_0 = arith.constant 0 : i32
    return %arg0, %c0_i32 : i32, i32
  }
  func.func @transform_7(%arg0: i32) -> (i32, i32) {
    %c0_i32 = arith.constant 0 : i32
    %c0_i32_0 = arith.constant 0 : i32
    return %arg0, %c0_i32 : i32, i32
  }
  func.func @transform_8(%arg0: i32) -> (i32, i32) {
    %c0_i32 = arith.constant 0 : i32
    %c0_i32_0 = arith.constant 0 : i32
    return %arg0, %c0_i32 : i32, i32
  }
}

module attributes {stable_mosaic.version = 14 : i64} {
  func.func @_tc2_body(%arg0: i32, %arg1: memref<2x1280x128xf32, #tpu.memory_space<vmem>>, %arg2: memref<1280x128xf32, #tpu.memory_space<vmem>>, %arg3: memref<1280x128xf32, #tpu.memory_space<vmem>>, %arg4: memref<1280x3xf32, #tpu.memory_space<vmem>>, %arg5: memref<48x96xf32, #tpu.memory_space<vmem>>, %arg6: memref<48x96xf32, #tpu.memory_space<vmem>>, %arg7: memref<3x48xf32, #tpu.memory_space<vmem>>, %arg8: memref<3x48xf32, #tpu.memory_space<vmem>>, %arg9: memref<1280x128xf32, #tpu.memory_space<vmem>>, %arg10: memref<1280x128xf32, #tpu.memory_space<vmem>>) attributes {dimension_semantics = [#tpu.dimension_semantics<arbitrary>], iteration_bounds = array<i64: 8>, scalar_prefetch = 0 : i64, scratch_operands = 0 : i64, tpu.core_type = #tpu.core_type<tc>, window_params = [{transform_indices = @transform_0, window_bounds = array<i64: 2, 1280, 128>}, {transform_indices = @transform_1, window_bounds = array<i64: 1280, 128>}, {transform_indices = @transform_2, window_bounds = array<i64: 1280, 128>}, {transform_indices = @transform_3, window_bounds = array<i64: 1280, 3>}, {pipeline_mode = #tpu.pipeline_mode<synchronous>, transform_indices = @transform_4, window_bounds = array<i64: 48, 96>}, {pipeline_mode = #tpu.pipeline_mode<synchronous>, transform_indices = @transform_5, window_bounds = array<i64: 48, 96>}, {pipeline_mode = #tpu.pipeline_mode<synchronous>, transform_indices = @transform_6, window_bounds = array<i64: 3, 48>}, {pipeline_mode = #tpu.pipeline_mode<synchronous>, transform_indices = @transform_7, window_bounds = array<i64: 3, 48>}, {transform_indices = @transform_8, window_bounds = array<i64: 1280, 128>}, {transform_indices = @transform_9, window_bounds = array<i64: 1280, 128>}]} {
    %get3A = arith.constant 0 : index
    %get3A_0 = arith.constant 0 : index
    %get3A_1 = vector.load %arg4[%get3A, %get3A_0] : memref<1280x3xf32, #tpu.memory_space<vmem>>, vector<1280x3xf32>
    %slice3A = vector.extract_strided_slice %get3A_1 {offsets = [0, 0], sizes = [1280, 1], strides = [1, 1]} : vector<1280x3xf32> to vector<1280x1xf32>
    %squeeze3A = vector.shape_cast %slice3A : vector<1280x1xf32> to vector<1280xf32>
    %slice3A_2 = vector.extract_strided_slice %get3A_1 {offsets = [0, 1], sizes = [1280, 1], strides = [1, 1]} : vector<1280x3xf32> to vector<1280x1xf32>
    %squeeze3A_3 = vector.shape_cast %slice3A_2 : vector<1280x1xf32> to vector<1280xf32>
    %slice3A_4 = vector.extract_strided_slice %get3A_1 {offsets = [0, 2], sizes = [1280, 1], strides = [1, 1]} : vector<1280x3xf32> to vector<1280x1xf32>
    %squeeze3A_5 = vector.shape_cast %slice3A_4 : vector<1280x1xf32> to vector<1280xf32>
    %get3A_6 = arith.constant 0 : index
    %get3A_7 = arith.constant 0 : index
    %get3A_8 = vector.load %arg7[%get3A_6, %get3A_7] : memref<3x48xf32, #tpu.memory_space<vmem>>, vector<3x48xf32>
    %get3A_9 = arith.constant 0 : index
    %get3A_10 = arith.constant 0 : index
    %get3A_11 = vector.load %arg8[%get3A_9, %get3A_10] : memref<3x48xf32, #tpu.memory_space<vmem>>, vector<3x48xf32>
    %broadcast_in_dim3A = vector.shape_cast %squeeze3A : vector<1280xf32> to vector<1280x1xf32>
    %get3A_12 = arith.constant 0 : index
    %get3A_13 = arith.constant 0 : index
    %get3A_14 = arith.constant 0 : index
    %get3A_15 = vector.load %arg1[%get3A_12, %get3A_13, %get3A_14] : memref<2x1280x128xf32, #tpu.memory_space<vmem>>, vector<1x1280x48xf32>
    %get3A_16 = vector.shape_cast %get3A_15 : vector<1x1280x48xf32> to vector<1280x48xf32>
    %get3A_17 = arith.constant 0 : index
    %get3A_18 = arith.constant 0 : index
    %get3A_19 = vector.load %arg2[%get3A_17, %get3A_18] : memref<1280x128xf32, #tpu.memory_space<vmem>>, vector<1280x48xf32>
    %add3A = arith.addf %get3A_16, %get3A_19 : vector<1280x48xf32>
    %mul3A = vector.broadcast %broadcast_in_dim3A : vector<1280x1xf32> to vector<1280x48xf32>
    %mul3A_20 = arith.mulf %mul3A, %add3A : vector<1280x48xf32>
    %slice3A_21 = vector.extract_strided_slice %get3A_8 {offsets = [0, 0], sizes = [1, 48], strides = [1, 1]} : vector<3x48xf32> to vector<1x48xf32>
    %squeeze3A_22 = vector.shape_cast %slice3A_21 : vector<1x48xf32> to vector<48xf32>
    %broadcast_in_dim3A_23 = vector.shape_cast %squeeze3A_22 : vector<48xf32> to vector<1x48xf32>
    %add3A_24 = vector.broadcast %broadcast_in_dim3A_23 : vector<1x48xf32> to vector<1280x48xf32>
    %add3A_25 = arith.addf %mul3A_20, %add3A_24 : vector<1280x48xf32>
    %broadcast_in_dim3A_26 = vector.shape_cast %squeeze3A_3 : vector<1280xf32> to vector<1280x1xf32>
    %get3A_27 = arith.constant 1 : index
    %get3A_28 = arith.constant 0 : index
    %get3A_29 = arith.constant 0 : index
    %get3A_30 = vector.load %arg1[%get3A_27, %get3A_28, %get3A_29] : memref<2x1280x128xf32, #tpu.memory_space<vmem>>, vector<1x1280x48xf32>
    %get3A_31 = vector.shape_cast %get3A_30 : vector<1x1280x48xf32> to vector<1280x48xf32>
    %get3A_32 = arith.constant 0 : index
    %get3A_33 = arith.constant 0 : index
    %get3A_34 = vector.load %arg3[%get3A_32, %get3A_33] : memref<1280x128xf32, #tpu.memory_space<vmem>>, vector<1280x48xf32>
    %add3A_35 = arith.addf %get3A_31, %get3A_34 : vector<1280x48xf32>
    %mul3A_36 = vector.broadcast %broadcast_in_dim3A_26 : vector<1280x1xf32> to vector<1280x48xf32>
    %mul3A_37 = arith.mulf %mul3A_36, %add3A_35 : vector<1280x48xf32>
    %slice3A_38 = vector.extract_strided_slice %get3A_11 {offsets = [0, 0], sizes = [1, 48], strides = [1, 1]} : vector<3x48xf32> to vector<1x48xf32>
    %squeeze3A_39 = vector.shape_cast %slice3A_38 : vector<1x48xf32> to vector<48xf32>
    %broadcast_in_dim3A_40 = vector.shape_cast %squeeze3A_39 : vector<48xf32> to vector<1x48xf32>
    %add3A_41 = vector.broadcast %broadcast_in_dim3A_40 : vector<1x48xf32> to vector<1280x48xf32>
    %add3A_42 = arith.addf %mul3A_37, %add3A_41 : vector<1280x48xf32>
    %slice3A_43 = vector.extract_strided_slice %get3A_8 {offsets = [1, 0], sizes = [1, 48], strides = [1, 1]} : vector<3x48xf32> to vector<1x48xf32>
    %squeeze3A_44 = vector.shape_cast %slice3A_43 : vector<1x48xf32> to vector<48xf32>
    %slice3A_45 = vector.extract_strided_slice %get3A_8 {offsets = [2, 0], sizes = [1, 48], strides = [1, 1]} : vector<3x48xf32> to vector<1x48xf32>
    %squeeze3A_46 = vector.shape_cast %slice3A_45 : vector<1x48xf32> to vector<48xf32>
    %reduce_sum3A = arith.constant dense<0.000000e+00> : vector<1280xf32>
    %reduce_sum3A_47 = vector.multi_reduction <add>, %add3A_25, %reduce_sum3A [1] : vector<1280x48xf32> to vector<1280xf32>
    %broadcast_in_dim3A_48 = vector.shape_cast %reduce_sum3A_47 : vector<1280xf32> to vector<1280x1xf32>
    %div3A = arith.constant 4.800000e+01 : f32
    %div3A_49 = vector.broadcast %div3A : f32 to vector<1280x1xf32>
    %div3A_50 = arith.divf %broadcast_in_dim3A_48, %div3A_49 : vector<1280x1xf32>
    %sub3A = vector.broadcast %div3A_50 : vector<1280x1xf32> to vector<1280x48xf32>
    %sub3A_51 = arith.subf %add3A_25, %sub3A : vector<1280x48xf32>
    %integer_pow3A = arith.mulf %sub3A_51, %sub3A_51 : vector<1280x48xf32>
    %reduce_sum3A_52 = arith.constant dense<0.000000e+00> : vector<1280xf32>
    %reduce_sum3A_53 = vector.multi_reduction <add>, %integer_pow3A, %reduce_sum3A_52 [1] : vector<1280x48xf32> to vector<1280xf32>
    %broadcast_in_dim3A_54 = vector.shape_cast %reduce_sum3A_53 : vector<1280xf32> to vector<1280x1xf32>
    %div3A_55 = arith.constant 4.800000e+01 : f32
    %div3A_56 = vector.broadcast %div3A_55 : f32 to vector<1280x1xf32>
    %div3A_57 = arith.divf %broadcast_in_dim3A_54, %div3A_56 : vector<1280x1xf32>
    %sub3A_58 = vector.broadcast %div3A_50 : vector<1280x1xf32> to vector<1280x48xf32>
    %sub3A_59 = arith.subf %add3A_25, %sub3A_58 : vector<1280x48xf32>
    %add3A_60 = arith.constant 9.99999974E-6 : f32
    %add3A_61 = vector.broadcast %add3A_60 : f32 to vector<1280x1xf32>
    %add3A_62 = arith.addf %div3A_57, %add3A_61 : vector<1280x1xf32>
    %sqrt3A = math.sqrt %add3A_62 : vector<1280x1xf32>
    %div3A_63 = vector.broadcast %sqrt3A : vector<1280x1xf32> to vector<1280x48xf32>
    %div3A_64 = arith.divf %sub3A_59, %div3A_63 : vector<1280x48xf32>
    %broadcast_in_dim3A_65 = vector.shape_cast %squeeze3A_44 : vector<48xf32> to vector<1x48xf32>
    %mul3A_66 = vector.broadcast %broadcast_in_dim3A_65 : vector<1x48xf32> to vector<1280x48xf32>
    %mul3A_67 = arith.mulf %div3A_64, %mul3A_66 : vector<1280x48xf32>
    %broadcast_in_dim3A_68 = vector.shape_cast %squeeze3A_46 : vector<48xf32> to vector<1x48xf32>
    %add3A_69 = vector.broadcast %broadcast_in_dim3A_68 : vector<1x48xf32> to vector<1280x48xf32>
    %add3A_70 = arith.addf %mul3A_67, %add3A_69 : vector<1280x48xf32>
    %gt3A = arith.constant 0.000000e+00 : f32
    %gt3A_71 = vector.broadcast %gt3A : f32 to vector<1280x48xf32>
    %gt3A_72 = arith.cmpf ogt, %add3A_70, %gt3A_71 : vector<1280x48xf32>
    %min3A = arith.constant 0.000000e+00 : f32
    %min3A_73 = vector.broadcast %min3A : f32 to vector<1280x48xf32>
    %min3A_74 = arith.minimumf %add3A_70, %min3A_73 : vector<1280x48xf32>
    %exp3A = math.exp %min3A_74 : vector<1280x48xf32>
    %sub3A_75 = arith.constant 1.000000e+00 : f32
    %sub3A_76 = vector.broadcast %sub3A_75 : f32 to vector<1280x48xf32>
    %sub3A_77 = arith.subf %exp3A, %sub3A_76 : vector<1280x48xf32>
    %select_n3A = arith.select %gt3A_72, %add3A_70, %sub3A_77 : vector<1280x48xi1>, vector<1280x48xf32>
    %slice3A_78 = vector.extract_strided_slice %get3A_11 {offsets = [1, 0], sizes = [1, 48], strides = [1, 1]} : vector<3x48xf32> to vector<1x48xf32>
    %squeeze3A_79 = vector.shape_cast %slice3A_78 : vector<1x48xf32> to vector<48xf32>
    %slice3A_80 = vector.extract_strided_slice %get3A_11 {offsets = [2, 0], sizes = [1, 48], strides = [1, 1]} : vector<3x48xf32> to vector<1x48xf32>
    %squeeze3A_81 = vector.shape_cast %slice3A_80 : vector<1x48xf32> to vector<48xf32>
    %reduce_sum3A_82 = arith.constant dense<0.000000e+00> : vector<1280xf32>
    %reduce_sum3A_83 = vector.multi_reduction <add>, %add3A_42, %reduce_sum3A_82 [1] : vector<1280x48xf32> to vector<1280xf32>
    %broadcast_in_dim3A_84 = vector.shape_cast %reduce_sum3A_83 : vector<1280xf32> to vector<1280x1xf32>
    %div3A_85 = arith.constant 4.800000e+01 : f32
    %div3A_86 = vector.broadcast %div3A_85 : f32 to vector<1280x1xf32>
    %div3A_87 = arith.divf %broadcast_in_dim3A_84, %div3A_86 : vector<1280x1xf32>
    %sub3A_88 = vector.broadcast %div3A_87 : vector<1280x1xf32> to vector<1280x48xf32>
    %sub3A_89 = arith.subf %add3A_42, %sub3A_88 : vector<1280x48xf32>
    %integer_pow3A_90 = arith.mulf %sub3A_89, %sub3A_89 : vector<1280x48xf32>
    %reduce_sum3A_91 = arith.constant dense<0.000000e+00> : vector<1280xf32>
    %reduce_sum3A_92 = vector.multi_reduction <add>, %integer_pow3A_90, %reduce_sum3A_91 [1] : vector<1280x48xf32> to vector<1280xf32>
    %broadcast_in_dim3A_93 = vector.shape_cast %reduce_sum3A_92 : vector<1280xf32> to vector<1280x1xf32>
    %div3A_94 = arith.constant 4.800000e+01 : f32
    %div3A_95 = vector.broadcast %div3A_94 : f32 to vector<1280x1xf32>
    %div3A_96 = arith.divf %broadcast_in_dim3A_93, %div3A_95 : vector<1280x1xf32>
    %sub3A_97 = vector.broadcast %div3A_87 : vector<1280x1xf32> to vector<1280x48xf32>
    %sub3A_98 = arith.subf %add3A_42, %sub3A_97 : vector<1280x48xf32>
    %add3A_99 = arith.constant 9.99999974E-6 : f32
    %add3A_100 = vector.broadcast %add3A_99 : f32 to vector<1280x1xf32>
    %add3A_101 = arith.addf %div3A_96, %add3A_100 : vector<1280x1xf32>
    %sqrt3A_102 = math.sqrt %add3A_101 : vector<1280x1xf32>
    %div3A_103 = vector.broadcast %sqrt3A_102 : vector<1280x1xf32> to vector<1280x48xf32>
    %div3A_104 = arith.divf %sub3A_98, %div3A_103 : vector<1280x48xf32>
    %broadcast_in_dim3A_105 = vector.shape_cast %squeeze3A_79 : vector<48xf32> to vector<1x48xf32>
    %mul3A_106 = vector.broadcast %broadcast_in_dim3A_105 : vector<1x48xf32> to vector<1280x48xf32>
    %mul3A_107 = arith.mulf %div3A_104, %mul3A_106 : vector<1280x48xf32>
    %broadcast_in_dim3A_108 = vector.shape_cast %squeeze3A_81 : vector<48xf32> to vector<1x48xf32>
    %add3A_109 = vector.broadcast %broadcast_in_dim3A_108 : vector<1x48xf32> to vector<1280x48xf32>
    %add3A_110 = arith.addf %mul3A_107, %add3A_109 : vector<1280x48xf32>
    %gt3A_111 = arith.constant 0.000000e+00 : f32
    %gt3A_112 = vector.broadcast %gt3A_111 : f32 to vector<1280x48xf32>
    %gt3A_113 = arith.cmpf ogt, %add3A_110, %gt3A_112 : vector<1280x48xf32>
    %min3A_114 = arith.constant 0.000000e+00 : f32
    %min3A_115 = vector.broadcast %min3A_114 : f32 to vector<1280x48xf32>
    %min3A_116 = arith.minimumf %add3A_110, %min3A_115 : vector<1280x48xf32>
    %exp3A_117 = math.exp %min3A_116 : vector<1280x48xf32>
    %sub3A_118 = arith.constant 1.000000e+00 : f32
    %sub3A_119 = vector.broadcast %sub3A_118 : f32 to vector<1280x48xf32>
    %sub3A_120 = arith.subf %exp3A_117, %sub3A_119 : vector<1280x48xf32>
    %select_n3A_121 = arith.select %gt3A_113, %add3A_110, %sub3A_120 : vector<1280x48xi1>, vector<1280x48xf32>
    %get3A_122 = arith.constant 0 : index
    %get3A_123 = arith.constant 0 : index
    %get3A_124 = vector.load %arg5[%get3A_122, %get3A_123] : memref<48x96xf32, #tpu.memory_space<vmem>>, vector<48x96xf32>
    %dot_general3A = arith.constant dense<0.000000e+00> : vector<1280x96xf32>
    %dot_general3A_125 = tpu.matmul %select_n3A, %get3A_124, %dot_general3A {dimension_numbers = #tpu.dot_dimension_numbers<[1], [0], [0], [1], [0, 0, 1, 1], [], []>, transpose_lhs_hint = false} : vector<1280x48xf32>, vector<48x96xf32>, vector<1280x96xf32> -> vector<1280x96xf32>
    %get3A_126 = arith.constant 0 : index
    %get3A_127 = arith.constant 0 : index
    %get3A_128 = vector.load %arg6[%get3A_126, %get3A_127] : memref<48x96xf32, #tpu.memory_space<vmem>>, vector<48x96xf32>
    %dot_general3A_129 = arith.constant dense<0.000000e+00> : vector<1280x96xf32>
    %dot_general3A_130 = tpu.matmul %select_n3A_121, %get3A_128, %dot_general3A_129 {dimension_numbers = #tpu.dot_dimension_numbers<[1], [0], [0], [1], [0, 0, 1, 1], [], []>, transpose_lhs_hint = false} : vector<1280x48xf32>, vector<48x96xf32>, vector<1280x96xf32> -> vector<1280x96xf32>
    %add3A_131 = arith.addf %dot_general3A_125, %dot_general3A_130 : vector<1280x96xf32>
    %broadcast_in_dim3A_132 = vector.shape_cast %squeeze3A_5 : vector<1280xf32> to vector<1280x1xf32>
    %mul3A_133 = vector.broadcast %broadcast_in_dim3A_132 : vector<1280x1xf32> to vector<1280x96xf32>
    %mul3A_134 = arith.mulf %add3A_131, %mul3A_133 : vector<1280x96xf32>
    %broadcast_in_dim3A_135 = arith.constant 0.000000e+00 : f32
    %broadcast_in_dim3A_136 = vector.broadcast %broadcast_in_dim3A_135 : f32 to vector<1280x80xf32>
    %slice3A_137 = vector.extract_strided_slice %mul3A_134 {offsets = [0, 0], sizes = [1280, 48], strides = [1, 1]} : vector<1280x96xf32> to vector<1280x48xf32>
    %concatenate3A = tpu.concatenate %slice3A_137, %broadcast_in_dim3A_136 in 1 : vector<1280x48xf32>, vector<1280x80xf32> -> vector<1280x128xf32>
    %swap3A = arith.constant 0 : index
    %swap3A_138 = arith.constant 0 : index
    %swap3A_139 = vector.load %arg9[%swap3A, %swap3A_138] : memref<1280x128xf32, #tpu.memory_space<vmem>>, vector<1280x128xf32>
    tpu.vector_store %arg9[%swap3A, %swap3A_138], %concatenate3A {strides = array<i32>} : memref<1280x128xf32, #tpu.memory_space<vmem>>, vector<1280x128xf32>,
    %slice3A_140 = vector.extract_strided_slice %mul3A_134 {offsets = [0, 48], sizes = [1280, 48], strides = [1, 1]} : vector<1280x96xf32> to vector<1280x48xf32>
    %concatenate3A_141 = tpu.concatenate %slice3A_140, %broadcast_in_dim3A_136 in 1 : vector<1280x48xf32>, vector<1280x80xf32> -> vector<1280x128xf32>
    %swap3A_142 = arith.constant 0 : index
    %swap3A_143 = arith.constant 0 : index
    %swap3A_144 = vector.load %arg10[%swap3A_142, %swap3A_143] : memref<1280x128xf32, #tpu.memory_space<vmem>>, vector<1280x128xf32>
    tpu.vector_store %arg10[%swap3A_142, %swap3A_143], %concatenate3A_141 {strides = array<i32>} : memref<1280x128xf32, #tpu.memory_space<vmem>>, vector<1280x128xf32>,
    return
  }
  func.func @transform_0(%arg0: i32) -> (i32, i32, i32) {
    %c0_i32 = arith.constant 0 : i32
    %c0_i32_0 = arith.constant 0 : i32
    %c0_i32_1 = arith.constant 0 : i32
    return %c0_i32, %arg0, %c0_i32_0 : i32, i32, i32
  }
  func.func @transform_1(%arg0: i32) -> (i32, i32) {
    %c0_i32 = arith.constant 0 : i32
    %c0_i32_0 = arith.constant 0 : i32
    return %arg0, %c0_i32 : i32, i32
  }
  func.func @transform_2(%arg0: i32) -> (i32, i32) {
    %c0_i32 = arith.constant 0 : i32
    %c0_i32_0 = arith.constant 0 : i32
    return %arg0, %c0_i32 : i32, i32
  }
  func.func @transform_3(%arg0: i32) -> (i32, i32) {
    %c0_i32 = arith.constant 0 : i32
    %c0_i32_0 = arith.constant 0 : i32
    return %arg0, %c0_i32 : i32, i32
  }
  func.func @transform_4(%arg0: i32) -> (i32, i32) {
    %c0_i32 = arith.constant 0 : i32
    %c0_i32_0 = arith.constant 0 : i32
    %c0_i32_1 = arith.constant 0 : i32
    return %c0_i32, %c0_i32_0 : i32, i32
  }
  func.func @transform_5(%arg0: i32) -> (i32, i32) {
    %c0_i32 = arith.constant 0 : i32
    %c0_i32_0 = arith.constant 0 : i32
    %c0_i32_1 = arith.constant 0 : i32
    return %c0_i32, %c0_i32_0 : i32, i32
  }
  func.func @transform_6(%arg0: i32) -> (i32, i32) {
    %c0_i32 = arith.constant 0 : i32
    %c0_i32_0 = arith.constant 0 : i32
    %c0_i32_1 = arith.constant 0 : i32
    return %c0_i32, %c0_i32_0 : i32, i32
  }
  func.func @transform_7(%arg0: i32) -> (i32, i32) {
    %c0_i32 = arith.constant 0 : i32
    %c0_i32_0 = arith.constant 0 : i32
    %c0_i32_1 = arith.constant 0 : i32
    return %c0_i32, %c0_i32_0 : i32, i32
  }
  func.func @transform_8(%arg0: i32) -> (i32, i32) {
    %c0_i32 = arith.constant 0 : i32
    %c0_i32_0 = arith.constant 0 : i32
    return %arg0, %c0_i32 : i32, i32
  }
  func.func @transform_9(%arg0: i32) -> (i32, i32) {
    %c0_i32 = arith.constant 0 : i32
    %c0_i32_0 = arith.constant 0 : i32
    return %arg0, %c0_i32 : i32, i32
  }
}

module attributes {stable_mosaic.version = 14 : i64} {
  func.func @_tc3_body(%arg0: i32, %arg1: memref<2x1280x128xf32, #tpu.memory_space<vmem>>, %arg2: memref<1280x128xf32, #tpu.memory_space<vmem>>, %arg3: memref<1280x128xf32, #tpu.memory_space<vmem>>, %arg4: memref<1280x3xf32, #tpu.memory_space<vmem>>, %arg5: memref<3x96xf32, #tpu.memory_space<vmem>>, %arg6: memref<1x128xf32, #tpu.memory_space<vmem>>, %arg7: memref<1280x1xf32, #tpu.memory_space<vmem>>) attributes {dimension_semantics = [#tpu.dimension_semantics<arbitrary>], iteration_bounds = array<i64: 8>, scalar_prefetch = 0 : i64, scratch_operands = 0 : i64, tpu.core_type = #tpu.core_type<tc>, window_params = [{transform_indices = @transform_0, window_bounds = array<i64: 2, 1280, 128>}, {transform_indices = @transform_1, window_bounds = array<i64: 1280, 128>}, {transform_indices = @transform_2, window_bounds = array<i64: 1280, 128>}, {transform_indices = @transform_3, window_bounds = array<i64: 1280, 3>}, {pipeline_mode = #tpu.pipeline_mode<synchronous>, transform_indices = @transform_4, window_bounds = array<i64: 3, 96>}, {pipeline_mode = #tpu.pipeline_mode<synchronous>, transform_indices = @transform_5, window_bounds = array<i64: 1, 128>}, {transform_indices = @transform_6, window_bounds = array<i64: 1280, 1>}]} {
    %get3A = arith.constant 0 : index
    %get3A_0 = arith.constant 0 : index
    %get3A_1 = vector.load %arg4[%get3A, %get3A_0] : memref<1280x3xf32, #tpu.memory_space<vmem>>, vector<1280x3xf32>
    %slice3A = vector.extract_strided_slice %get3A_1 {offsets = [0, 2], sizes = [1280, 1], strides = [1, 1]} : vector<1280x3xf32> to vector<1280x1xf32>
    %squeeze3A = vector.shape_cast %slice3A : vector<1280x1xf32> to vector<1280xf32>
    %get3A_2 = arith.constant 0 : index
    %get3A_3 = arith.constant 0 : index
    %get3A_4 = vector.load %arg5[%get3A_2, %get3A_3] : memref<3x96xf32, #tpu.memory_space<vmem>>, vector<3x96xf32>
    %get3A_5 = arith.constant 0 : index
    %get3A_6 = arith.constant 0 : index
    %get3A_7 = arith.constant 0 : index
    %get3A_8 = vector.load %arg1[%get3A_5, %get3A_6, %get3A_7] : memref<2x1280x128xf32, #tpu.memory_space<vmem>>, vector<1x1280x48xf32>
    %get3A_9 = vector.shape_cast %get3A_8 : vector<1x1280x48xf32> to vector<1280x48xf32>
    %get3A_10 = arith.constant 1 : index
    %get3A_11 = arith.constant 0 : index
    %get3A_12 = arith.constant 0 : index
    %get3A_13 = vector.load %arg1[%get3A_10, %get3A_11, %get3A_12] : memref<2x1280x128xf32, #tpu.memory_space<vmem>>, vector<1x1280x48xf32>
    %get3A_14 = vector.shape_cast %get3A_13 : vector<1x1280x48xf32> to vector<1280x48xf32>
    %concatenate3A = tpu.concatenate %get3A_9, %get3A_14 in 1 : vector<1280x48xf32>, vector<1280x48xf32> -> vector<1280x96xf32>
    %get3A_15 = arith.constant 0 : index
    %get3A_16 = arith.constant 0 : index
    %get3A_17 = vector.load %arg2[%get3A_15, %get3A_16] : memref<1280x128xf32, #tpu.memory_space<vmem>>, vector<1280x48xf32>
    %get3A_18 = arith.constant 0 : index
    %get3A_19 = arith.constant 0 : index
    %get3A_20 = vector.load %arg3[%get3A_18, %get3A_19] : memref<1280x128xf32, #tpu.memory_space<vmem>>, vector<1280x48xf32>
    %concatenate3A_21 = tpu.concatenate %get3A_17, %get3A_20 in 1 : vector<1280x48xf32>, vector<1280x48xf32> -> vector<1280x96xf32>
    %broadcast_in_dim3A = vector.shape_cast %squeeze3A : vector<1280xf32> to vector<1280x1xf32>
    %add3A = arith.addf %concatenate3A, %concatenate3A_21 : vector<1280x96xf32>
    %mul3A = vector.broadcast %broadcast_in_dim3A : vector<1280x1xf32> to vector<1280x96xf32>
    %mul3A_22 = arith.mulf %mul3A, %add3A : vector<1280x96xf32>
    %slice3A_23 = vector.extract_strided_slice %get3A_4 {offsets = [0, 0], sizes = [1, 96], strides = [1, 1]} : vector<3x96xf32> to vector<1x96xf32>
    %squeeze3A_24 = vector.shape_cast %slice3A_23 : vector<1x96xf32> to vector<96xf32>
    %broadcast_in_dim3A_25 = vector.shape_cast %squeeze3A_24 : vector<96xf32> to vector<1x96xf32>
    %add3A_26 = vector.broadcast %broadcast_in_dim3A_25 : vector<1x96xf32> to vector<1280x96xf32>
    %add3A_27 = arith.addf %mul3A_22, %add3A_26 : vector<1280x96xf32>
    %slice3A_28 = vector.extract_strided_slice %get3A_4 {offsets = [1, 0], sizes = [1, 96], strides = [1, 1]} : vector<3x96xf32> to vector<1x96xf32>
    %squeeze3A_29 = vector.shape_cast %slice3A_28 : vector<1x96xf32> to vector<96xf32>
    %slice3A_30 = vector.extract_strided_slice %get3A_4 {offsets = [2, 0], sizes = [1, 96], strides = [1, 1]} : vector<3x96xf32> to vector<1x96xf32>
    %squeeze3A_31 = vector.shape_cast %slice3A_30 : vector<1x96xf32> to vector<96xf32>
    %reduce_sum3A = arith.constant dense<0.000000e+00> : vector<1280xf32>
    %reduce_sum3A_32 = vector.multi_reduction <add>, %add3A_27, %reduce_sum3A [1] : vector<1280x96xf32> to vector<1280xf32>
    %broadcast_in_dim3A_33 = vector.shape_cast %reduce_sum3A_32 : vector<1280xf32> to vector<1280x1xf32>
    %div3A = arith.constant 9.600000e+01 : f32
    %div3A_34 = vector.broadcast %div3A : f32 to vector<1280x1xf32>
    %div3A_35 = arith.divf %broadcast_in_dim3A_33, %div3A_34 : vector<1280x1xf32>
    %sub3A = vector.broadcast %div3A_35 : vector<1280x1xf32> to vector<1280x96xf32>
    %sub3A_36 = arith.subf %add3A_27, %sub3A : vector<1280x96xf32>
    %integer_pow3A = arith.mulf %sub3A_36, %sub3A_36 : vector<1280x96xf32>
    %reduce_sum3A_37 = arith.constant dense<0.000000e+00> : vector<1280xf32>
    %reduce_sum3A_38 = vector.multi_reduction <add>, %integer_pow3A, %reduce_sum3A_37 [1] : vector<1280x96xf32> to vector<1280xf32>
    %broadcast_in_dim3A_39 = vector.shape_cast %reduce_sum3A_38 : vector<1280xf32> to vector<1280x1xf32>
    %div3A_40 = arith.constant 9.600000e+01 : f32
    %div3A_41 = vector.broadcast %div3A_40 : f32 to vector<1280x1xf32>
    %div3A_42 = arith.divf %broadcast_in_dim3A_39, %div3A_41 : vector<1280x1xf32>
    %sub3A_43 = vector.broadcast %div3A_35 : vector<1280x1xf32> to vector<1280x96xf32>
    %sub3A_44 = arith.subf %add3A_27, %sub3A_43 : vector<1280x96xf32>
    %add3A_45 = arith.constant 9.99999974E-6 : f32
    %add3A_46 = vector.broadcast %add3A_45 : f32 to vector<1280x1xf32>
    %add3A_47 = arith.addf %div3A_42, %add3A_46 : vector<1280x1xf32>
    %sqrt3A = math.sqrt %add3A_47 : vector<1280x1xf32>
    %div3A_48 = vector.broadcast %sqrt3A : vector<1280x1xf32> to vector<1280x96xf32>
    %div3A_49 = arith.divf %sub3A_44, %div3A_48 : vector<1280x96xf32>
    %broadcast_in_dim3A_50 = vector.shape_cast %squeeze3A_29 : vector<96xf32> to vector<1x96xf32>
    %mul3A_51 = vector.broadcast %broadcast_in_dim3A_50 : vector<1x96xf32> to vector<1280x96xf32>
    %mul3A_52 = arith.mulf %div3A_49, %mul3A_51 : vector<1280x96xf32>
    %broadcast_in_dim3A_53 = vector.shape_cast %squeeze3A_31 : vector<96xf32> to vector<1x96xf32>
    %add3A_54 = vector.broadcast %broadcast_in_dim3A_53 : vector<1x96xf32> to vector<1280x96xf32>
    %add3A_55 = arith.addf %mul3A_52, %add3A_54 : vector<1280x96xf32>
    %gt3A = arith.constant 0.000000e+00 : f32
    %gt3A_56 = vector.broadcast %gt3A : f32 to vector<1280x96xf32>
    %gt3A_57 = arith.cmpf ogt, %add3A_55, %gt3A_56 : vector<1280x96xf32>
    %min3A = arith.constant 0.000000e+00 : f32
    %min3A_58 = vector.broadcast %min3A : f32 to vector<1280x96xf32>
    %min3A_59 = arith.minimumf %add3A_55, %min3A_58 : vector<1280x96xf32>
    %exp3A = math.exp %min3A_59 : vector<1280x96xf32>
    %sub3A_60 = arith.constant 1.000000e+00 : f32
    %sub3A_61 = vector.broadcast %sub3A_60 : f32 to vector<1280x96xf32>
    %sub3A_62 = arith.subf %exp3A, %sub3A_61 : vector<1280x96xf32>
    %select_n3A = arith.select %gt3A_57, %add3A_55, %sub3A_62 : vector<1280x96xi1>, vector<1280x96xf32>
    %get3A_63 = arith.constant 0 : index
    %get3A_64 = arith.constant 0 : index
    %get3A_65 = vector.load %arg6[%get3A_63, %get3A_64] : memref<1x128xf32, #tpu.memory_space<vmem>>, vector<1x128xf32>
    %slice3A_66 = vector.extract_strided_slice %get3A_65 {offsets = [0, 0], sizes = [1, 96], strides = [1, 1]} : vector<1x128xf32> to vector<1x96xf32>
    %squeeze3A_67 = vector.shape_cast %slice3A_66 : vector<1x96xf32> to vector<96xf32>
    %slice3A_68 = vector.extract_strided_slice %get3A_65 {offsets = [0, 96], sizes = [1, 1], strides = [1, 1]} : vector<1x128xf32> to vector<1x1xf32>
    %squeeze3A_69 = vector.extract %slice3A_68[0, 0] : f32 from vector<1x1xf32>
    %broadcast_in_dim3A_70 = vector.shape_cast %squeeze3A_67 : vector<96xf32> to vector<1x96xf32>
    %mul3A_71 = vector.broadcast %broadcast_in_dim3A_70 : vector<1x96xf32> to vector<1280x96xf32>
    %mul3A_72 = arith.mulf %select_n3A, %mul3A_71 : vector<1280x96xf32>
    %reduce_sum3A_73 = arith.constant dense<0.000000e+00> : vector<1280xf32>
    %reduce_sum3A_74 = vector.multi_reduction <add>, %mul3A_72, %reduce_sum3A_73 [1] : vector<1280x96xf32> to vector<1280xf32>
    %add3A_75 = vector.broadcast %squeeze3A_69 : f32 to vector<1280xf32>
    %add3A_76 = arith.addf %reduce_sum3A_74, %add3A_75 : vector<1280xf32>
    %broadcast_in_dim3A_77 = vector.shape_cast %add3A_76 : vector<1280xf32> to vector<1280x1xf32>
    %swap3A = arith.constant 0 : index
    %swap3A_78 = arith.constant 0 : index
    %swap3A_79 = vector.load %arg7[%swap3A, %swap3A_78] : memref<1280x1xf32, #tpu.memory_space<vmem>>, vector<1280x1xf32>
    tpu.vector_store %arg7[%swap3A, %swap3A_78], %broadcast_in_dim3A_77 {strides = array<i32>} : memref<1280x1xf32, #tpu.memory_space<vmem>>, vector<1280x1xf32>,
    return
  }
  func.func @transform_0(%arg0: i32) -> (i32, i32, i32) {
    %c0_i32 = arith.constant 0 : i32
    %c0_i32_0 = arith.constant 0 : i32
    %c0_i32_1 = arith.constant 0 : i32
    return %c0_i32, %arg0, %c0_i32_0 : i32, i32, i32
  }
  func.func @transform_1(%arg0: i32) -> (i32, i32) {
    %c0_i32 = arith.constant 0 : i32
    %c0_i32_0 = arith.constant 0 : i32
    return %arg0, %c0_i32 : i32, i32
  }
  func.func @transform_2(%arg0: i32) -> (i32, i32) {
    %c0_i32 = arith.constant 0 : i32
    %c0_i32_0 = arith.constant 0 : i32
    return %arg0, %c0_i32 : i32, i32
  }
  func.func @transform_3(%arg0: i32) -> (i32, i32) {
    %c0_i32 = arith.constant 0 : i32
    %c0_i32_0 = arith.constant 0 : i32
    return %arg0, %c0_i32 : i32, i32
  }
  func.func @transform_4(%arg0: i32) -> (i32, i32) {
    %c0_i32 = arith.constant 0 : i32
    %c0_i32_0 = arith.constant 0 : i32
    %c0_i32_1 = arith.constant 0 : i32
    return %c0_i32, %c0_i32_0 : i32, i32
  }
  func.func @transform_5(%arg0: i32) -> (i32, i32) {
    %c0_i32 = arith.constant 0 : i32
    %c0_i32_0 = arith.constant 0 : i32
    %c0_i32_1 = arith.constant 0 : i32
    return %c0_i32, %c0_i32_0 : i32, i32
  }
  func.func @transform_6(%arg0: i32) -> (i32, i32) {
    %c0_i32 = arith.constant 0 : i32
    %c0_i32_0 = arith.constant 0 : i32
    return %arg0, %c0_i32 : i32, i32
  }
}

</mosaic_0001>

<sc_bundles>
// kernel: kernel.11.cloned.1.call-start
scs
__scs_entry_jumppad:
0x0: {  	(pc) =	sbr.rel $0x88, $3  }
0x1: {  	(tag) =	ssettag $0x0;
	lr =	simm.s32 $0x1  }
0x2: {  	[smem:$0x3F8F] =	sst lr;
	_ =	strace $0xD0000000  }
0x3: {  	_ = 	snop  }
0x4: {  	_ = 	snop  }
0x5: {  	_ = 	snop  }
0x6: {  	_ = 	snop  }
0x7: {  	_ = 	snop  }
__scs_overlays_trampoline_lowered:
0x8: {  	[smem:$0x3F9E] =	sst s0  }
0x9: {  	[smem:$0x3F9F] =	sst s1  }
0xa: {  	[smem:$0x3FA0] =	sst s2  }
0xb: {  	[smem:$0x3FA1] =	sst s3  }
0xc: {  	[smem:$0x3FA2] =	sst s4  }
0xd: {  	[smem:$0x3FA3] =	sst s5  }
0xe: {  	[smem:$0x3FA4] =	sst s6  }
0xf: {  	[smem:$0x3FA5] =	sst s7  }
0x10: {  	[smem:$0x3FA6] =	sst s8  }
0x11: {  	[smem:$0x3FA7] =	sst s9;
	s0 =	simm.s32 @!p0 $0x0  }
0x12: {  	s1 =	sld [smem:$0x3F8D];
	s0 =	simm.s32 @p0 $0x1  }
0x13: {  	[smem:$0x3FA8] =	sst s0;
	s0 =	simm.s32 @!p1 $0x0  }
0x14: {  	s2 =	sld [smem:$0x3F8C];
	s0 =	simm.s32 @p1 $0x1  }
0x15: {  	[smem:$0x3FA9] =	sst s0;
	s0 =	simm.s32 @!p2 $0x0  }
0x16: {  	s3 =	sld [smem:$0x3FDB];
	s0 =	simm.s32 @p2 $0x1  }
0x17: {  	s4 =	simm.s32 $0x1BF5;
	[smem:$0x3FAB] =	sst s0  }
0x18: {  	s0 =	sld [smem:$0x3F8E];
	_ =	swait.ge [sflag:s4], $0x0  }
0x19: {  	s7 =	sld [smem:$0x3F8F]  }
0x1a: {  	s8 =	sadd.s32 $0xFFFFE003, lr  }
0x1b: {  	s9 =	sadd.s32 $0xFFFFFEF7, lr;
	s5 =	simm.s32 $0xFFFFFFFF;
	p2 =	slt.u32 s8, $0xFFFFF086  }
0x1c: {  	p1 =	slt.u32 s9, $0xF7A;
	s5 =	simm.s32 @!p2 $0x0  }
0x1d: {  	s5 =	simm.s32 @p1 $0x1;
	p0 =	seq.s32 s7, s2  }
0x1e: {  	s7 =	smul.u32 @!p0 $0xF7A, s2;
	p2 =	seq.s32 @!p0 s5, $0x0  }
0x1f: {  	s9 =	smul.u32 $0xF7A, s1;
	s8 =	simm.s32 @!p0 $0x1BF5;
	p2 =	por !p2, p0  }
0x20: {  	[sflag:s8] =	ssyncset.s32 @!p0 $0xFFFFF086;
	s6 =	sadd.s32 @!p0 s3, s7;
	s7 =	simm.s32 @!p0 $0x108  }
0x21: {  	s3 =	sadd.s32 s3, s9;
	s6 =	sadd.s32 @!p0 $0x88, s6;
	s7 =	simm.s32 @p2 $0x1082  }
0x22: {  	[simem:s7], [sflag:s8] =	dma.local @!p0 [hbm:s6], $0xF7A  }
0x23: {  	s9 =	sor.u32 $0xD0000000, s2;
	s6 =	simm.s32 $0x108;
	_ =	swait.ge @!p0 [sflag:s8], $0x0  }
0x24: {  	s3 =	sadd.s32 $0x88, s3;
	s6 =	simm.s32 @!p1 $0x1082;
	[sflag:s4] =	ssyncset.s32 $0xFFFFF086  }
0x25: {  	[simem:s6], [sflag:s4] =	dma.local [hbm:s3], $0xF7A  }
0x26: {  	[smem:$0x3F8F] =	sst s1;
	(tag) =	ssettag s2;
	_ =	strace s9  }
0x27: {  	s1 =	sld [smem:$0x3F9F]  }
0x28: {  	s2 =	sld [smem:$0x3FA0]  }
0x29: {  	s4 =	sld [smem:$0x3FA2]  }
0x2a: {  	p0 =	seq.s32 s5, $0x0;
	s5 =	sld [smem:$0x3FA3]  }
0x2b: {  	s6 =	sld [smem:$0x3FA4]  }
0x2c: {  	s7 =	sld [smem:$0x3FA5]  }
0x2d: {  	s3 =	simm.s32 $0x108;
	s8 =	sld [smem:$0x3FA6]  }
0x2e: {  	s3 =	simm.s32 @!p0 $0x1082;
	s9 =	sld [smem:$0x3FA7]  }
0x2f: {  	lr =	sadd.s32 s0, s3;
	s0 =	sld [smem:$0x3F9E]  }
0x30: {  	s3 =	sld [smem:$0x3FA1]  }
0x31: {  	[smem:$0x3FAA] =	sst s10  }
0x32: {  	s10 =	sld [smem:$0x3FA8];
	_ =	sdelay $0x3  }
0x33: {  	p0 =	seq.s32 s10, $0x1;
	s10 =	sld [smem:$0x3FAA];
	_ =	sdelay $0x3  }
0x34: {  	[smem:$0x3FAA] =	sst s10  }
0x35: {  	s10 =	sld [smem:$0x3FA9];
	_ =	sdelay $0x3  }
0x36: {  	p1 =	seq.s32 s10, $0x1;
	s10 =	sld [smem:$0x3FAA];
	_ =	sdelay $0x3  }
0x37: {  	[smem:$0x3FAA] =	sst s10  }
0x38: {  	s10 =	sld [smem:$0x3FAB]  }
0x39: {  	_ = 	snop;
	(pc) =	sbr.ind lr, $3  }
0x3a: {  	_ = 	snop  }
0x3b: {  	_ = 	snop  }
0x3c: {  	p2 =	seq.s32 s10, $0x1;
	s10 =	sld [smem:$0x3FAA]  }
0x3d: {  	_ =	shalt  }
0x3e: {  	_ =	shalt  }
0x3f: {  	_ =	shalt  }
0x40: {  	_ =	shalt  }
0x41: {  	_ =	shalt  }
0x42: {  	_ =	shalt  }
0x43: {  	_ =	shalt  }
0x44: {  	_ =	shalt  }
0x45: {  	_ =	shalt  }
0x46: {  	_ =	shalt  }
0x47: {  	_ =	shalt  }
0x48: {  	_ =	shalt  }
0x49: {  	_ =	shalt  }
0x4a: {  	_ =	shalt  }
0x4b: {  	_ =	shalt  }
0x4c: {  	_ =	shalt  }
0x4d: {  	_ =	shalt  }
0x4e: {  	_ =	shalt  }
0x4f: {  	_ =	shalt  }
0x50: {  	_ =	shalt  }
0x51: {  	_ =	shalt  }
0x52: {  	_ =	shalt  }
0x53: {  	_ =	shalt  }
0x54: {  	_ =	shalt  }
0x55: {  	_ =	shalt  }
0x56: {  	_ =	shalt  }
0x57: {  	_ =	shalt  }
0x58: {  	_ =	shalt  }
0x59: {  	_ =	shalt  }
0x5a: {  	_ =	shalt  }
0x5b: {  	_ =	shalt  }
0x5c: {  	_ =	shalt  }
0x5d: {  	_ =	shalt  }
0x5e: {  	_ =	shalt  }
0x5f: {  	_ =	shalt  }
0x60: {  	_ =	shalt  }
0x61: {  	_ =	shalt  }
0x62: {  	_ =	shalt  }
0x63: {  	_ =	shalt  }
0x64: {  	_ =	shalt  }
0x65: {  	_ =	shalt  }
0x66: {  	_ =	shalt  }
0x67: {  	_ =	shalt  }
0x68: {  	_ =	shalt  }
0x69: {  	_ =	shalt  }
0x6a: {  	_ =	shalt  }
0x6b: {  	_ =	shalt  }
0x6c: {  	_ =	shalt  }
0x6d: {  	_ =	shalt  }
0x6e: {  	_ =	shalt  }
0x6f: {  	_ =	shalt  }
0x70: {  	_ =	shalt  }
0x71: {  	_ =	shalt  }
0x72: {  	_ =	shalt  }
0x73: {  	_ =	shalt  }
0x74: {  	_ =	shalt  }
0x75: {  	_ =	shalt  }
0x76: {  	_ =	shalt  }
0x77: {  	_ =	shalt  }
0x78: {  	_ =	shalt  }
0x79: {  	_ =	shalt  }
0x7a: {  	_ =	shalt  }
0x7b: {  	_ =	shalt  }
0x7c: {  	_ =	shalt  }
0x7d: {  	_ =	shalt  }
0x7e: {  	_ =	shalt  }
0x7f: {  	_ =	shalt  }
0x80: {  	_ =	shalt  }
0x81: {  	_ =	shalt  }
0x82: {  	_ =	shalt  }
0x83: {  	_ =	shalt  }
0x84: {  	_ =	shalt  }
0x85: {  	_ =	shalt  }
0x86: {  	_ =	shalt  }
0x87: {  	_ =	shalt  }
.Lfunc_end0:
.L_simem_size_0:
called_computation.1_lowered:
.L_overlay_start_0:
0x88: {  	s2 =	sld [smem:$0x3FD9]  }
0x89: {  	s3 =	sld [smem:$0x3FFE];
	_ =	sdelay $0x1  }
0x8a: {  	s1 =	srdreg.scid  }
0x8b: {  	s0 =	sand.u32 $0x1, s1  }
0x8c: {  	s16 =	sshll.u32 s0, $0xA;
	s2 =	sadd.s32 s3, s2  }
0x8d: {  	s2 =	sadd.s32 s2, s16  }
0x8e: {  	[smem:$0x3FB6] =	sst s2  }
0x8f: {  	_ = 	snop  }
0x90: {  	(tm) =	ssettm $0x1  }
0x91: {  	s17 =	sld [smem:$0x3FFB];
	_ =	sdelay $0x3  }
0x92: {  	_ =	strace s17  }
0x93: {  	s2 =	sld [smem:$0x3FFC];
	_ =	sdelay $0x3  }
0x94: {  	_ =	strace s2  }
0x95: {  	s2 =	sld [smem:$0x3FFD];
	_ =	sdelay $0x3  }
0x96: {  	_ =	strace s2  }
0x97: {  	_ =	strace $0x8FFFFFFF  }
0x98: {  	s18 =	sld [smem:$0x3FDB];
	_ =	sdelay $0x1  }
0x99: {  	s19 =	simm.s32 $_scs_section_size  }
0x9a: {  	s4 =	simm.s32 $_size__tile_overlayer_lowered;
	s5 =	simm.s32 $_tile_overlayer_lowered  }
0x9b: {  	s22 =	simm.s32 $0x1BFF;
	s21 =	sshll.u32 s5, $0x1;
	s2 =	sadd.s32 s19, s18  }
0x9c: {  	s6 =	simm.s32 $0x0;
	s20 =	sshll.u32 s4, $0x1;
	s4 =	sadd.s32 s21, s2  }
0x9d: {  	[timem:s6], [sflag:s22] =	dma.local [hbm:s4], s20  }
0x9e: {  	_ =	swait.ge [sflag:s22], s20  }
0x9f: {  	s3 =	ssub.s32 $0x0, s20;
	[sflag:s22] =	ssyncset.done $0x0  }
0xa0: {  	[sflag:s22] =	ssyncadd.s32 s3;
	_ =	sdelay $0x1  }
0xa1: {  	s23 =	simm.s32 $0x1B8B  }
0xa2: {  	_ =	swait.ge [sflag:s23], $0x1  }
0xa3: {  	[sflag:s23] =	ssyncset.done $0x0  }
0xa4: {  	s25 =	simm.s32 $0x1B8E;
	s24 =	sld [smem:$0x3FFE];
	[sflag:s23] =	ssyncadd.s32 $0xFFFFFFFF  }
0xa5: {  	s26 =	simm.s32 $execute0_lowered;
	[smem:$0x3FD2] =	sst s25  }
0xa6: {  	s4 =	sshll.u32 s26, $0x1;
	_ =	strace $0x80000049;
	[dreg:$0x1] =	wrdreg $0xFFFFFFFF  }
0xa7: {  	s28 =	simm.s32 $_size_execute0_lowered;
	s2 =	sadd.s32 s2, s4;
	[dreg:$0x0] =	wrdreg $0x0  }
0xa8: {  	s4 =	sshll.u32 s28, $0x1;
	[dreg:$0x2] =	wrdreg s2  }
0xa9: {  	[dreg:$0x3] =	wrdreg s4  }
0xaa: {  	[dreg:$0x4] =	wrdreg $0xC0  }
0xab: {  	_ =	task [dreg:s6], $0x5FFFF  }
0xac: {  	[dreg:$0x1] =	wrdreg $0xFFFFFFFF  }
0xad: {  	[dreg:$0x0] =	wrdreg $0x60  }
0xae: {  	[dreg:$0x2] =	wrdreg s24  }
0xaf: {  	[dreg:$0x3] =	wrdreg $0x0  }
0xb0: {  	[dreg:$0x4] =	wrdreg $0x78000  }
0xb1: {  	[dreg:$0x5] =	wrdreg $0x9  }
0xb2: {  	_ =	task.clear_ibuf [dreg:s6], $0x6FFFF;
	_ =	strace $0x90000049  }
0xb3: {  	s29 =	simm.s32 $0x9;
	_ =	strace $0x8000004B  }
0xb4: {  	_ =	swait.ge [sflag:s29], $0x1  }
0xb5: {  	[sflag:s29] =	ssyncadd.s32 $0xFFFFFFFF  }
0xb6: {  	_ =	strace $0x9000004B  }
0xb7: {  	_ =	sfence  }
0xb8: {  	s30 =	sld [smem:$0x0];
	_ =	sdelay $0x2  }
0xb9: {  	s31 =	sshll.u32 s1, $0xD;
	s1 =	sshrl.u32 s1, $0x2  }
0xba: {  	s3 =	sand.u32 $0x4000, s31;
	s1 =	sadd.s32 s1, s30  }
0xbb: {  	s0 =	sor.u32 s3, s0;
	s1 =	sshll.u32 s1, $0x11  }
0xbc: {  	s0 =	sor.u32 s1, s0  }
0xbd: {  	s0 =	sadd.s32 $0x8F2B, s0  }
0xbe: {  	[sflag:s0] =	ssyncadd.remote.s32 $0x1  }
0xbf: {  	_ =	sfence.sel $0xFFFF  }
0xc0: {  	[dreg:$0x0] =	wrdreg $0xFFFFFFFF;
	(pc) =	sbr.abs _section_cstart, $3  }
0xc1: {  	[dreg:$0x1] =	wrdreg $0xFFFFFFFF  }
0xc2: {  	_ =	task.clear_ibuf [dreg:s6], $0x2FFFF;
	_ =	strace $0x9FFFFFFF  }
0xc3: {  	(tm) =	ssettm $0x7FFFFFFF  }
tec
execute0_lowered:
.L_overlay_start_1:
0x0: {  	(tag) =	ssettag $0x1  }
0x1: {  	s0 =	rddreg [dreg:$0x0]  }
0x2: {  	s1 =	rddreg [dreg:$0x1]  }
0x3: {  	s2 =	rddreg [dreg:$0x2];
	s4 =	simm.s32 $0x0;
	s3 =	srdreg.scid  }
0x4: {  	s8 =	stileid.u32;
	s18 =	simm.s32 $0xF000;
	s19 =	simm.s32 $0x14000  }
0x5: {  	s28 =	simm.s32 $0x1D800;
	s29 =	simm.s32 $0x2;
	s31 =	simm.s32 $0x5  }
0x6: {  	s30 =	simm.s32 $0x0;
	[smem:$0x7FF] =	sst s4;
	s3 =	sand.u32 $0x1, s3  }
0x7: {  	s9 =	sadd.s32 $0x18E00, s0;
	s5 =	smul.u32 $0x14000, s8;
	s10 =	sadd.s32 $0x40E00, s0  }
0x8: {  	s11 =	sadd.s32 $0xC3000, s0;
	s12 =	sadd.s32 $0xEE00, s0;
	s7 =	smul.u32 $0x7800, s8  }
0x9: {  	s13 =	sadd.s32 $0xB9000, s0;
	s14 =	sadd.s32 $0x4E00, s0;
	s24 =	smul.u32 $0x2800, s8  }
0xa: {  	s21 =	sadd.s32 $0x68E00, s0;
	s23 =	sshll.u32 s8, $0x6;
	s17 =	smul.u32 $0xA00, s8  }
0xb: {  	s20 =	smul.u32 $0x140000, s3;
	_ =	strace $0x8000004A;
	s6 =	ssub.s32 $0x2, s3  }
0xc: {  	[dreg:$0x4] =	wrdreg s21;
	p0 =	seq.s32 s3, $0x1;
	s21 =	simm.s32 $0x19000  }
0xd: {  	s3 =	simm.s32 $0x3;
	s22 =	sshrl.u32 s6, $0x1;
	s15 =	sadd.s32 s7, s1  }
0xe: {  	s16 =	sadd.s32 s7, s2;
	s9 =	smov.u32 @p0 s10;
	s11 =	smov.u32 @p0 s13  }
0xf: {  	s12 =	smov.u32 @p0 s14;
	s13 =	simm.s32 $0x9;
	s4 =	sadd.s32 s5, s20  }
0x10: {  	s26 =	sadd.s32 s9, s24;
	s10 =	sadd.s32 s11, s17;
	s11 =	sadd.s32 s12, s17  }
0x11: {  	s12 =	sshrl.u32 s15, $0x3;
	s14 =	sshrl.u32 s16, $0x3;
	s15 =	simm.s32 $0x1  }
0x12: {  	s16 =	simm.s32 $0x6;
	s17 =	simm.s32 $0x10;
	s20 =	simm.s32 $0x80  }
.Ltmp0:
0x13: {  	s24 =	simm.s32 $0x8;
	s4 =	sshrl.u32 s4, $0x3;
	(pc) =	sbr.rel .LBB2_1-.Ltmp0, $4  }
0x14: {  	[dreg:$0x7] =	wrdreg s26;
	s26 =	simm.s32 $0x4;
	s0 =	sadd.s32 s4, s0  }
0x15: {  	s4 =	ssub.s32 s6, s22;
	s6 =	sor.u32 $0x1C09, s23;
	s0 =	sadd.s32 $0xF5000, s0  }
0x16: {  	s23 =	simm.s32 $0x1A800;
	s25 =	smax.u32 s4, $0x1;
	[dreg:$0x5] =	wrdreg s0  }
0x17: {  	[dreg:$0x6] =	wrdreg s25;
	s25 =	simm.s32 $0x1C000;
	s0 =	simm.s32 $0x7  }
.LBB2_4:
0x18: {  	_ =	swait.ge [sflag:s31], $0x1800  }
0x19: {  	[sflag:s31] =	ssyncset.done $0x0  }
0x1a: {  	[sflag:s31] =	ssyncadd.s32 $0xFFFFE800  }
0x1b: {  	_ =	swait.ge [sflag:s16], $0x1800  }
0x1c: {  	[sflag:s16] =	ssyncset.done $0x0  }
0x1d: {  	[sflag:s16] =	ssyncadd.s32 $0xFFFFE800  }
0x1e: {  	_ =	swait.ge [sflag:s0], $0x1800  }
0x1f: {  	[sflag:s0] =	ssyncset.done $0x0  }
0x20: {  	[sflag:s0] =	ssyncadd.s32 $0xFFFFE800  }
0x21: {  	_ =	swait.ge [sflag:s24], $0x1800  }
0x22: {  	[sflag:s24] =	ssyncset.done $0x0  }
0x23: {  	[sflag:s24] =	ssyncadd.s32 $0xFFFFE800  }
0x24: {  	[bflag:$0x0] =	sbarrier.arrive $0xFFFF  }
0x25: {  	s4 =	rddreg [dreg:$0x5]  }
0x26: {  	[hbm:s4@s17], [sflag:s6] =	dma.strided [spmem:s12@s16], $0xF00, s15, $0x6   }
0x27: {  	_ =	swait.ge [sflag:s13], $0xF00  }
0x28: {  	s30 =	sadd.s32 $0x1, s30;
	s22 =	rddreg [dreg:$0x6]  }
0x29: {  	p0 =	sne.s32 s30, s22  }
.Ltmp1:
0x2a: {  	_ = 	snop;
	(pc) =	sbr.rel @!p0 .LBB2_5-.Ltmp1, $3  }
0x2b: {  	_ =	sdelay $0x1  }
0x2c: {  	[sflag:s13] =	ssyncset.done $0x0  }
0x2d: {  	[sflag:s13] =	ssyncadd.s32 $0xFFFFF100  }
.LBB2_1:
0x2e: {  	s4 =	rddreg [dreg:$0x4]  }
0x2f: {  	[spmem:s12], [sflag:s6] =	dma.local [hbm:s4], $0xF00  }
0x30: {  	_ =	swait.ge [sflag:s13], $0xF00  }
0x31: {  	[sflag:s13] =	ssyncset.done $0x0  }
0x32: {  	s22 =	rddreg [dreg:$0x7];
	[sflag:s13] =	ssyncadd.s32 $0xFFFFF100  }
0x33: {  	[spmem:s14@s16], [sflag:s6] =	dma.strided [hbm:s22@s17], $0xF00, s15, $0x6   }
0x34: {  	_ =	swait.ge [sflag:s13], $0xF00  }
0x35: {  	[sflag:s13] =	ssyncset.done $0x0  }
0x36: {  	s5 =	simm.s32 $0x0;
	[sflag:s13] =	ssyncadd.s32 $0xFFFFF100  }
0x37: {  	[tilespmem:s18], [sflag:$0x9] =	stream.linear.gather [hbm4b:s10+s5], $0x5000, $0x38;
	[tilespmem:$0x1F000] =	vst v63  }
0x38: {  	_ =	swait.ge [sflag:s13], $0x5000  }
0x39: {  	[sflag:s13] =	ssyncset.done $0x0  }
0x3a: {  	[sflag:s13] =	ssyncadd.s32 $0xFFFFB000  }
0x3b: {  	[tilespmem:s19], [sflag:$0x9] =	stream.linear.gather [hbm4b:s11+s5], $0x5000, $0x38;
	[tilespmem:$0x1F000] =	vst v63  }
0x3c: {  	_ =	swait.ge [sflag:s13], $0x5000  }
0x3d: {  	[sflag:s13] =	ssyncset.done $0x0  }
0x3e: {  	[sflag:s13] =	ssyncadd.s32 $0xFFFFB000  }
0x3f: {  	[bflag:$0x0] =	sbarrier.arrive $0xFFFF  }
0x40: {  	[tilespmem:s21], [sflag:$0x1] =	stream.indirect.gather [spmem:s2], $0x30, s18, s20, $0xb8;
	[tilespmem:$0x1F000] =	vst v63  }
0x41: {  	s7 =	simm.s32 $0xF080  }
0x42: {  	[tilespmem:s23], [sflag:$0x2] =	stream.indirect.gather [spmem:s2], $0x30, s7, s20, $0xb8;
	[tilespmem:$0x1F000] =	vst v63  }
0x43: {  	s8 =	simm.s32 $0xF100  }
0x44: {  	[tilespmem:s25], [sflag:$0x3] =	stream.indirect.gather [spmem:s2], $0x30, s8, s20, $0xb8;
	[tilespmem:$0x1F000] =	vst v63  }
0x45: {  	_ =	swait.ge [sflag:s15], $0x1800  }
0x46: {  	[sflag:s15] =	ssyncset.done $0x0  }
0x47: {  	[sflag:s15] =	ssyncadd.s32 $0xFFFFE800  }
0x48: {  	[spmem:s1] =	stream.indirect.scatter.add.f32 [tilespmem:s21], [sflag:$0x5], $0x30, s19, s20, $0xb8;
	[tilespmem:$0x1F000] =	vst v63  }
0x49: {  	s9 =	simm.s32 $0xF180  }
0x4a: {  	[tilespmem:s28], [sflag:$0x4] =	stream.indirect.gather [spmem:s2], $0x30, s9, s20, $0xb8;
	[tilespmem:$0x1F000] =	vst v63  }
0x4b: {  	_ =	swait.ge [sflag:s29], $0x1800  }
0x4c: {  	[sflag:s29] =	ssyncset.done $0x0  }
0x4d: {  	s22 =	simm.s32 $0x14080;
	[sflag:s29] =	ssyncadd.s32 $0xFFFFE800  }
0x4e: {  	[spmem:s1] =	stream.indirect.scatter.add.f32 [tilespmem:s23], [sflag:$0x6], $0x30, s22, s20, $0xb8;
	[tilespmem:$0x1F000] =	vst v63  }
0x4f: {  	_ =	swait.ge [sflag:s31], $0x1800  }
0x50: {  	[sflag:s31] =	ssyncset.done $0x0  }
0x51: {  	s5 =	simm.s32 $0xF200;
	[sflag:s31] =	ssyncadd.s32 $0xFFFFE800  }
0x52: {  	[tilespmem:s21], [sflag:$0x1] =	stream.indirect.gather [spmem:s2], $0x30, s5, s20, $0xb8;
	[tilespmem:$0x1F000] =	vst v63  }
0x53: {  	_ =	swait.ge [sflag:s3], $0x1800  }
0x54: {  	[sflag:s3] =	ssyncset.done $0x0  }
0x55: {  	s7 =	simm.s32 $0x14100;
	[sflag:s3] =	ssyncadd.s32 $0xFFFFE800  }
0x56: {  	[spmem:s1] =	stream.indirect.scatter.add.f32 [tilespmem:s25], [sflag:$0x7], $0x30, s7, s20, $0xb8;
	[tilespmem:$0x1F000] =	vst v63  }
0x57: {  	_ =	swait.ge [sflag:s16], $0x1800  }
0x58: {  	[sflag:s16] =	ssyncset.done $0x0  }
0x59: {  	s8 =	simm.s32 $0xF280;
	[sflag:s16] =	ssyncadd.s32 $0xFFFFE800  }
0x5a: {  	[tilespmem:s23], [sflag:$0x2] =	stream.indirect.gather [spmem:s2], $0x30, s8, s20, $0xb8;
	[tilespmem:$0x1F000] =	vst v63  }
0x5b: {  	_ =	swait.ge [sflag:s26], $0x1800  }
0x5c: {  	[sflag:s26] =	ssyncset.done $0x0  }
0x5d: {  	s9 =	simm.s32 $0x14180;
	[sflag:s26] =	ssyncadd.s32 $0xFFFFE800  }
0x5e: {  	[spmem:s1] =	stream.indirect.scatter.add.f32 [tilespmem:s28], [sflag:$0x8], $0x30, s9, s20, $0xb8;
	[tilespmem:$0x1F000] =	vst v63  }
0x5f: {  	_ =	swait.ge [sflag:s0], $0x1800  }
0x60: {  	[sflag:s0] =	ssyncset.done $0x0  }
0x61: {  	s22 =	simm.s32 $0xF300;
	[sflag:s0] =	ssyncadd.s32 $0xFFFFE800  }
0x62: {  	[tilespmem:s25], [sflag:$0x3] =	stream.indirect.gather [spmem:s2], $0x30, s22, s20, $0xb8;
	[tilespmem:$0x1F000] =	vst v63  }
0x63: {  	s22 =	simm.s32 $0x0  }
.LBB2_2:
0x64: {  	_ =	swait.ge [sflag:s15], $0x1800  }
0x65: {  	s4 =	sshra.s32 s22, $0x2;
	[sflag:s15] =	ssyncset.done $0x0  }
0x66: {  	s5 =	sadd.s32 $0x14200, s4;
	[sflag:s15] =	ssyncadd.s32 $0xFFFFE800  }
0x67: {  	[spmem:s1] =	stream.indirect.scatter.add.f32 [tilespmem:s21], [sflag:$0x5], $0x30, s5, s20, $0xb8;
	[tilespmem:$0x1F000] =	vst v63  }
0x68: {  	_ =	swait.ge [sflag:s24], $0x1800  }
0x69: {  	[sflag:s24] =	ssyncset.done $0x0  }
0x6a: {  	s7 =	sadd.s32 $0xF380, s4;
	[sflag:s24] =	ssyncadd.s32 $0xFFFFE800  }
0x6b: {  	[tilespmem:s28], [sflag:$0x4] =	stream.indirect.gather [spmem:s2], $0x30, s7, s20, $0xb8;
	[tilespmem:$0x1F000] =	vst v63  }
0x6c: {  	_ =	swait.ge [sflag:s29], $0x1800  }
0x6d: {  	p0 =	seq.s32 s22, $0x13000;
	[sflag:s29] =	ssyncset.done $0x0  }
0x6e: {  	s8 =	sadd.s32 $0x14280, s4;
	s5 =	simm.s32 @p0 $0x3;
	[sflag:s29] =	ssyncadd.s32 $0xFFFFE800  }
0x6f: {  	[spmem:s1] =	stream.indirect.scatter.add.f32 [tilespmem:s23], [sflag:$0x6], $0x30, s8, s20, $0xb8;
	[tilespmem:$0x1F000] =	vst v63  }
0x70: {  	_ =	swait.ge @p0 [sflag:s5], $0x1800  }
0x71: {  	[sflag:s5] =	ssyncset.done @p0 $0x0  }
0x72: {  	[sflag:s5] =	ssyncadd.s32 @p0 $0xFFFFE800;
	s5 =	sshra.s32 @p0 s22, $0x2  }
0x73: {  	s7 =	simm.s32 @p0 $0x80;
	s8 =	simm.s32 @p0 $0x1C000;
	s5 =	sadd.s32 @p0 $0x14300, s5  }
0x74: {  	[spmem:s1] =	stream.indirect.scatter.add.f32 @p0 [tilespmem:s8], [sflag:$0x7], $0x30, s5, s7, $0xb8;
	[tilespmem:$0x1F000] =	vst v63  }
0x75: {  	s5 =	simm.s32 @!p0 $0x5  }
0x76: {  	_ =	swait.ge @!p0 [sflag:s5], $0x1800  }
0x77: {  	[sflag:s5] =	ssyncset.done @!p0 $0x0  }
0x78: {  	[sflag:s5] =	ssyncadd.s32 @!p0 $0xFFFFE800;
	s5 =	sshra.s32 @!p0 s22, $0x2  }
0x79: {  	s9 =	simm.s32 @!p0 $0x19000;
	s8 =	simm.s32 @!p0 $0x80;
	s7 =	sadd.s32 @!p0 $0xF400, s5  }
0x7a: {  	[tilespmem:s9], [sflag:$0x1] =	stream.indirect.gather @!p0 [spmem:s2], $0x30, s7, s8, $0xb8;
	[tilespmem:$0x1F000] =	vst v63  }
0x7b: {  	s7 =	simm.s32 @!p0 $0x3  }
0x7c: {  	_ =	swait.ge @!p0 [sflag:s7], $0x1800  }
0x7d: {  	[sflag:s7] =	ssyncset.done @!p0 $0x0  }
0x7e: {  	s9 =	simm.s32 @!p0 $0x1C000;
	[sflag:s7] =	ssyncadd.s32 @!p0 $0xFFFFE800;
	s7 =	sadd.s32 @!p0 $0x14300, s5  }
0x7f: {  	[spmem:s1] =	stream.indirect.scatter.add.f32 @!p0 [tilespmem:s9], [sflag:$0x7], $0x30, s7, s8, $0xb8;
	[tilespmem:$0x1F000] =	vst v63  }
0x80: {  	s7 =	simm.s32 @!p0 $0x6  }
0x81: {  	_ =	swait.ge @!p0 [sflag:s7], $0x1800  }
0x82: {  	[sflag:s7] =	ssyncset.done @!p0 $0x0  }
0x83: {  	s5 =	sadd.s32 @!p0 $0xF480, s5;
	[sflag:s7] =	ssyncadd.s32 @!p0 $0xFFFFE800;
	s7 =	simm.s32 @!p0 $0x1A800  }
0x84: {  	[tilespmem:s7], [sflag:$0x2] =	stream.indirect.gather @!p0 [spmem:s2], $0x30, s5, s8, $0xb8;
	[tilespmem:$0x1F000] =	vst v63  }
.Ltmp2:
0x85: {  	_ = 	snop;
	(pc) =	sbr.rel @p0 .LBB2_4-.Ltmp2, $4  }
0x86: {  	_ =	swait.ge [sflag:s26], $0x1800  }
0x87: {  	[sflag:s26] =	ssyncset.done $0x0  }
0x88: {  	s9 =	sadd.s32 $0x14380, s4;
	[sflag:s26] =	ssyncadd.s32 $0xFFFFE800  }
0x89: {  	[spmem:s1] =	stream.indirect.scatter.add.f32 [tilespmem:s28], [sflag:$0x8], $0x30, s9, s20, $0xb8;
	[tilespmem:$0x1F000] =	vst v63  }
.Ltmp3:
0x8a: {  	(pc) =	sbr.rel .LBB2_2-.Ltmp3, $4  }
0x8b: {  	_ =	swait.ge [sflag:s0], $0x1800  }
0x8c: {  	[sflag:s0] =	ssyncset.done $0x0  }
0x8d: {  	s4 =	sadd.s32 $0xF500, s4;
	s22 =	sadd.s32 $0x800, s22;
	[sflag:s0] =	ssyncadd.s32 $0xFFFFE800  }
0x8e: {  	[tilespmem:s25], [sflag:$0x3] =	stream.indirect.gather [spmem:s2], $0x30, s4, s20, $0xb8;
	[tilespmem:$0x1F000] =	vst v63  }
.LBB2_5:
0x8f: {  	_ =	sfence.sel $0x180000  }
0x90: {  	[bflag:$0x0] =	sbarrier.arrive $0xFFFF  }
0x91: {  	_ =	strace $0x9000004A  }
0x92: {  	s0 =	stileid.u32;
	[bflag:$0x2] =	sbarrier.arrive $0xFFFF  }
0x93: {  	p0 =	sne.s32 s0, $0x0;
	s0 =	rddreg [dreg:$0x3]  }
0x94: {  	s0 =	sadd.s32 @!p0 $0x100000, s0  }
0x95: {  	[sflag:s0] =	ssyncadd.tile.s32 @!p0 $0x1;
	_ =	shalt  }
.Lfunc_end2:
_tile_overlayer_lowered:
.L_overlay_start_2:
0x96: {  	(tag) =	ssettag $0x2  }
0x97: {  	s0 =	rddreg [dreg:$0x0];
	s2 =	stileid.u32  }
0x98: {  	s1 =	rddreg [dreg:$0x1];
	p0 =	sne.s32 s2, $0x0  }
0x99: {  	s3 =	rddreg [dreg:$0x2];
	[bflag:$0x3] =	sbarrier.arrive $0xFFFF;
	s2 =	simm.s32 @!p0 $0x1C09  }
0x9a: {  	[timem:s3], [sflag:s2] =	dma.local @!p0 [hbm:s0], s1  }
0x9b: {  	s0 =	simm.s32 @!p0 $0x9  }
0x9c: {  	_ =	swait.ge @!p0 [sflag:s0], s1  }
0x9d: {  	s1 =	ssub.s32 @!p0 $0x0, s1;
	[sflag:s0] =	ssyncset.done @!p0 $0x0  }
0x9e: {  	[sflag:s0] =	ssyncadd.s32 @!p0 s1  }
0x9f: {  	[bflag:$0x3] =	sbarrier.arrive $0xFFFF  }
0xa0: {  	_ =	shalt  }

// kernel: kernel.14.cloned.1.call-start
scs
__scs_entry_jumppad:
0x0: {  	(pc) =	sbr.rel $0x88, $3  }
0x1: {  	(tag) =	ssettag $0x0;
	lr =	simm.s32 $0x1  }
0x2: {  	[smem:$0x3F8F] =	sst lr;
	_ =	strace $0xD0000000  }
0x3: {  	_ = 	snop  }
0x4: {  	_ = 	snop  }
0x5: {  	_ = 	snop  }
0x6: {  	_ = 	snop  }
0x7: {  	_ = 	snop  }
__scs_overlays_trampoline_lowered:
0x8: {  	[smem:$0x3F9E] =	sst s0  }
0x9: {  	[smem:$0x3F9F] =	sst s1  }
0xa: {  	[smem:$0x3FA0] =	sst s2  }
0xb: {  	[smem:$0x3FA1] =	sst s3  }
0xc: {  	[smem:$0x3FA2] =	sst s4  }
0xd: {  	[smem:$0x3FA3] =	sst s5  }
0xe: {  	[smem:$0x3FA4] =	sst s6  }
0xf: {  	[smem:$0x3FA5] =	sst s7  }
0x10: {  	[smem:$0x3FA6] =	sst s8  }
0x11: {  	[smem:$0x3FA7] =	sst s9;
	s0 =	simm.s32 @!p0 $0x0  }
0x12: {  	s1 =	sld [smem:$0x3F8D];
	s0 =	simm.s32 @p0 $0x1  }
0x13: {  	[smem:$0x3FA8] =	sst s0;
	s0 =	simm.s32 @!p1 $0x0  }
0x14: {  	s2 =	sld [smem:$0x3F8C];
	s0 =	simm.s32 @p1 $0x1  }
0x15: {  	[smem:$0x3FA9] =	sst s0;
	s0 =	simm.s32 @!p2 $0x0  }
0x16: {  	s3 =	sld [smem:$0x3FDB];
	s0 =	simm.s32 @p2 $0x1  }
0x17: {  	s4 =	simm.s32 $0x1BF5;
	[smem:$0x3FAB] =	sst s0  }
0x18: {  	s0 =	sld [smem:$0x3F8E];
	_ =	swait.ge [sflag:s4], $0x0  }
0x19: {  	s7 =	sld [smem:$0x3F8F]  }
0x1a: {  	s8 =	sadd.s32 $0xFFFFE003, lr  }
0x1b: {  	s9 =	sadd.s32 $0xFFFFFEF7, lr;
	s5 =	simm.s32 $0xFFFFFFFF;
	p2 =	slt.u32 s8, $0xFFFFF086  }
0x1c: {  	p1 =	slt.u32 s9, $0xF7A;
	s5 =	simm.s32 @!p2 $0x0  }
0x1d: {  	s5 =	simm.s32 @p1 $0x1;
	p0 =	seq.s32 s7, s2  }
0x1e: {  	s7 =	smul.u32 @!p0 $0xF7A, s2;
	p2 =	seq.s32 @!p0 s5, $0x0  }
0x1f: {  	s9 =	smul.u32 $0xF7A, s1;
	s8 =	simm.s32 @!p0 $0x1BF5;
	p2 =	por !p2, p0  }
0x20: {  	[sflag:s8] =	ssyncset.s32 @!p0 $0xFFFFF086;
	s6 =	sadd.s32 @!p0 s3, s7;
	s7 =	simm.s32 @!p0 $0x108  }
0x21: {  	s3 =	sadd.s32 s3, s9;
	s6 =	sadd.s32 @!p0 $0x88, s6;
	s7 =	simm.s32 @p2 $0x1082  }
0x22: {  	[simem:s7], [sflag:s8] =	dma.local @!p0 [hbm:s6], $0xF7A  }
0x23: {  	s9 =	sor.u32 $0xD0000000, s2;
	s6 =	simm.s32 $0x108;
	_ =	swait.ge @!p0 [sflag:s8], $0x0  }
0x24: {  	s3 =	sadd.s32 $0x88, s3;
	s6 =	simm.s32 @!p1 $0x1082;
	[sflag:s4] =	ssyncset.s32 $0xFFFFF086  }
0x25: {  	[simem:s6], [sflag:s4] =	dma.local [hbm:s3], $0xF7A  }
0x26: {  	[smem:$0x3F8F] =	sst s1;
	(tag) =	ssettag s2;
	_ =	strace s9  }
0x27: {  	s1 =	sld [smem:$0x3F9F]  }
0x28: {  	s2 =	sld [smem:$0x3FA0]  }
0x29: {  	s4 =	sld [smem:$0x3FA2]  }
0x2a: {  	p0 =	seq.s32 s5, $0x0;
	s5 =	sld [smem:$0x3FA3]  }
0x2b: {  	s6 =	sld [smem:$0x3FA4]  }
0x2c: {  	s7 =	sld [smem:$0x3FA5]  }
0x2d: {  	s3 =	simm.s32 $0x108;
	s8 =	sld [smem:$0x3FA6]  }
0x2e: {  	s3 =	simm.s32 @!p0 $0x1082;
	s9 =	sld [smem:$0x3FA7]  }
0x2f: {  	lr =	sadd.s32 s0, s3;
	s0 =	sld [smem:$0x3F9E]  }
0x30: {  	s3 =	sld [smem:$0x3FA1]  }
0x31: {  	[smem:$0x3FAA] =	sst s10  }
0x32: {  	s10 =	sld [smem:$0x3FA8];
	_ =	sdelay $0x3  }
0x33: {  	p0 =	seq.s32 s10, $0x1;
	s10 =	sld [smem:$0x3FAA];
	_ =	sdelay $0x3  }
0x34: {  	[smem:$0x3FAA] =	sst s10  }
0x35: {  	s10 =	sld [smem:$0x3FA9];
	_ =	sdelay $0x3  }
0x36: {  	p1 =	seq.s32 s10, $0x1;
	s10 =	sld [smem:$0x3FAA];
	_ =	sdelay $0x3  }
0x37: {  	[smem:$0x3FAA] =	sst s10  }
0x38: {  	s10 =	sld [smem:$0x3FAB]  }
0x39: {  	_ = 	snop;
	(pc) =	sbr.ind lr, $3  }
0x3a: {  	_ = 	snop  }
0x3b: {  	_ = 	snop  }
0x3c: {  	p2 =	seq.s32 s10, $0x1;
	s10 =	sld [smem:$0x3FAA]  }
0x3d: {  	_ =	shalt  }
0x3e: {  	_ =	shalt  }
0x3f: {  	_ =	shalt  }
0x40: {  	_ =	shalt  }
0x41: {  	_ =	shalt  }
0x42: {  	_ =	shalt  }
0x43: {  	_ =	shalt  }
0x44: {  	_ =	shalt  }
0x45: {  	_ =	shalt  }
0x46: {  	_ =	shalt  }
0x47: {  	_ =	shalt  }
0x48: {  	_ =	shalt  }
0x49: {  	_ =	shalt  }
0x4a: {  	_ =	shalt  }
0x4b: {  	_ =	shalt  }
0x4c: {  	_ =	shalt  }
0x4d: {  	_ =	shalt  }
0x4e: {  	_ =	shalt  }
0x4f: {  	_ =	shalt  }
0x50: {  	_ =	shalt  }
0x51: {  	_ =	shalt  }
0x52: {  	_ =	shalt  }
0x53: {  	_ =	shalt  }
0x54: {  	_ =	shalt  }
0x55: {  	_ =	shalt  }
0x56: {  	_ =	shalt  }
0x57: {  	_ =	shalt  }
0x58: {  	_ =	shalt  }
0x59: {  	_ =	shalt  }
0x5a: {  	_ =	shalt  }
0x5b: {  	_ =	shalt  }
0x5c: {  	_ =	shalt  }
0x5d: {  	_ =	shalt  }
0x5e: {  	_ =	shalt  }
0x5f: {  	_ =	shalt  }
0x60: {  	_ =	shalt  }
0x61: {  	_ =	shalt  }
0x62: {  	_ =	shalt  }
0x63: {  	_ =	shalt  }
0x64: {  	_ =	shalt  }
0x65: {  	_ =	shalt  }
0x66: {  	_ =	shalt  }
0x67: {  	_ =	shalt  }
0x68: {  	_ =	shalt  }
0x69: {  	_ =	shalt  }
0x6a: {  	_ =	shalt  }
0x6b: {  	_ =	shalt  }
0x6c: {  	_ =	shalt  }
0x6d: {  	_ =	shalt  }
0x6e: {  	_ =	shalt  }
0x6f: {  	_ =	shalt  }
0x70: {  	_ =	shalt  }
0x71: {  	_ =	shalt  }
0x72: {  	_ =	shalt  }
0x73: {  	_ =	shalt  }
0x74: {  	_ =	shalt  }
0x75: {  	_ =	shalt  }
0x76: {  	_ =	shalt  }
0x77: {  	_ =	shalt  }
0x78: {  	_ =	shalt  }
0x79: {  	_ =	shalt  }
0x7a: {  	_ =	shalt  }
0x7b: {  	_ =	shalt  }
0x7c: {  	_ =	shalt  }
0x7d: {  	_ =	shalt  }
0x7e: {  	_ =	shalt  }
0x7f: {  	_ =	shalt  }
0x80: {  	_ =	shalt  }
0x81: {  	_ =	shalt  }
0x82: {  	_ =	shalt  }
0x83: {  	_ =	shalt  }
0x84: {  	_ =	shalt  }
0x85: {  	_ =	shalt  }
0x86: {  	_ =	shalt  }
0x87: {  	_ =	shalt  }
.Lfunc_end0:
.L_simem_size_0:
called_computation.2_lowered:
.L_overlay_start_0:
0x88: {  	s2 =	sld [smem:$0x3FD9]  }
0x89: {  	s3 =	sld [smem:$0x3FFE];
	_ =	sdelay $0x1  }
0x8a: {  	s1 =	srdreg.scid  }
0x8b: {  	s0 =	sand.u32 $0x1, s1  }
0x8c: {  	s16 =	sshll.u32 s0, $0xA;
	s2 =	sadd.s32 s3, s2  }
0x8d: {  	s2 =	sadd.s32 s2, s16  }
0x8e: {  	[smem:$0x3FB6] =	sst s2  }
0x8f: {  	_ = 	snop  }
0x90: {  	(tm) =	ssettm $0x1  }
0x91: {  	s17 =	sld [smem:$0x3FFB];
	_ =	sdelay $0x3  }
0x92: {  	_ =	strace s17  }
0x93: {  	s2 =	sld [smem:$0x3FFC];
	_ =	sdelay $0x3  }
0x94: {  	_ =	strace s2  }
0x95: {  	s2 =	sld [smem:$0x3FFD];
	_ =	sdelay $0x3  }
0x96: {  	_ =	strace s2  }
0x97: {  	_ =	strace $0x8FFFFFFF  }
0x98: {  	s18 =	sld [smem:$0x3FDB];
	_ =	sdelay $0x1  }
0x99: {  	s19 =	simm.s32 $_scs_section_size  }
0x9a: {  	s4 =	simm.s32 $_size__tile_overlayer_lowered;
	s5 =	simm.s32 $_tile_overlayer_lowered  }
0x9b: {  	s22 =	simm.s32 $0x1BFF;
	s21 =	sshll.u32 s5, $0x1;
	s2 =	sadd.s32 s19, s18  }
0x9c: {  	s6 =	simm.s32 $0x0;
	s20 =	sshll.u32 s4, $0x1;
	s4 =	sadd.s32 s21, s2  }
0x9d: {  	[timem:s6], [sflag:s22] =	dma.local [hbm:s4], s20  }
0x9e: {  	_ =	swait.ge [sflag:s22], s20  }
0x9f: {  	s3 =	ssub.s32 $0x0, s20;
	[sflag:s22] =	ssyncset.done $0x0  }
0xa0: {  	[sflag:s22] =	ssyncadd.s32 s3;
	_ =	sdelay $0x1  }
0xa1: {  	s23 =	simm.s32 $0x1B8B  }
0xa2: {  	_ =	swait.ge [sflag:s23], $0x1  }
0xa3: {  	[sflag:s23] =	ssyncset.done $0x0  }
0xa4: {  	s25 =	simm.s32 $0x1B8E;
	s24 =	sld [smem:$0x3FFE];
	[sflag:s23] =	ssyncadd.s32 $0xFFFFFFFF  }
0xa5: {  	s26 =	simm.s32 $execute0_lowered;
	[smem:$0x3FD2] =	sst s25  }
0xa6: {  	s4 =	sshll.u32 s26, $0x1;
	_ =	strace $0x8000004C;
	[dreg:$0x1] =	wrdreg $0xFFFFFFFF  }
0xa7: {  	s28 =	simm.s32 $_size_execute0_lowered;
	s2 =	sadd.s32 s2, s4;
	[dreg:$0x0] =	wrdreg $0x0  }
0xa8: {  	s4 =	sshll.u32 s28, $0x1;
	[dreg:$0x2] =	wrdreg s2  }
0xa9: {  	[dreg:$0x3] =	wrdreg s4  }
0xaa: {  	[dreg:$0x4] =	wrdreg $0xC0  }
0xab: {  	_ =	task [dreg:s6], $0x5FFFF  }
0xac: {  	[dreg:$0x1] =	wrdreg $0xFFFFFFFF  }
0xad: {  	[dreg:$0x0] =	wrdreg $0x60  }
0xae: {  	[dreg:$0x2] =	wrdreg s24  }
0xaf: {  	[dreg:$0x3] =	wrdreg $0x0  }
0xb0: {  	[dreg:$0x4] =	wrdreg $0x78000  }
0xb1: {  	[dreg:$0x5] =	wrdreg $0x9  }
0xb2: {  	_ =	task.clear_ibuf [dreg:s6], $0x6FFFF;
	_ =	strace $0x9000004C  }
0xb3: {  	s29 =	simm.s32 $0x9;
	_ =	strace $0x8000004E  }
0xb4: {  	_ =	swait.ge [sflag:s29], $0x1  }
0xb5: {  	[sflag:s29] =	ssyncadd.s32 $0xFFFFFFFF  }
0xb6: {  	_ =	strace $0x9000004E  }
0xb7: {  	_ =	sfence  }
0xb8: {  	s30 =	sld [smem:$0x0];
	_ =	sdelay $0x2  }
0xb9: {  	s31 =	sshll.u32 s1, $0xD;
	s1 =	sshrl.u32 s1, $0x2  }
0xba: {  	s3 =	sand.u32 $0x4000, s31;
	s1 =	sadd.s32 s1, s30  }
0xbb: {  	s0 =	sor.u32 s3, s0;
	s1 =	sshll.u32 s1, $0x11  }
0xbc: {  	s0 =	sor.u32 s1, s0  }
0xbd: {  	s0 =	sadd.s32 $0x8F2B, s0  }
0xbe: {  	[sflag:s0] =	ssyncadd.remote.s32 $0x1  }
0xbf: {  	_ =	sfence.sel $0xFFFF  }
0xc0: {  	[dreg:$0x0] =	wrdreg $0xFFFFFFFF;
	(pc) =	sbr.abs _section_cstart, $3  }
0xc1: {  	[dreg:$0x1] =	wrdreg $0xFFFFFFFF  }
0xc2: {  	_ =	task.clear_ibuf [dreg:s6], $0x2FFFF;
	_ =	strace $0x9FFFFFFF  }
0xc3: {  	(tm) =	ssettm $0x7FFFFFFF  }
tec
execute0_lowered:
.L_overlay_start_1:
0x0: {  	(tag) =	ssettag $0x1  }
0x1: {  	s0 =	rddreg [dreg:$0x0]  }
0x2: {  	s2 =	rddreg [dreg:$0x1];
	s11 =	stileid.u32  }
0x3: {  	s1 =	srdreg.scid;
	s3 =	rddreg [dreg:$0x2]  }
0x4: {  	s6 =	simm.s32 $0x0;
	s15 =	simm.s32 $0x9;
	s16 =	simm.s32 $0x10  }
0x5: {  	s28 =	simm.s32 $0x1C000;
	s30 =	simm.s32 $0x1D800;
	s4 =	smul.u32 $0xA00, s11  }
0x6: {  	s31 =	simm.s32 $0x2;
	s12 =	simm.s32 $0xF300;
	s17 =	smul.u32 $0x14000, s11  }
0x7: {  	s13 =	simm.s32 $0x8;
	s1 =	sand.u32 $0x1, s1;
	s19 =	smul.u32 $0x7800, s11  }
0x8: {  	[smem:$0x7FF] =	sst s6;
	s7 =	sadd.s32 $0x68E00, s0;
	s21 =	smul.u32 $0x2800, s11  }
0x9: {  	s9 =	sshll.u32 s11, $0x6;
	s11 =	simm.s32 $0x7;
	s5 =	smul.u32 $0x140000, s1  }
0xa: {  	_ =	strace $0x8000004D;
	[dreg:$0x4] =	wrdreg s7;
	s18 =	ssub.s32 $0x2, s1  }
0xb: {  	s6 =	sor.u32 $0x1C09, s9;
	p0 =	seq.s32 s1, $0x1;
	s9 =	simm.s32 $0x18E00  }
0xc: {  	s7 =	simm.s32 $0x14100;
	s4 =	sadd.s32 s4, s0;
	s8 =	sshrl.u32 s18, $0x1  }
0xd: {  	s10 =	sadd.s32 s19, s2;
	s20 =	sadd.s32 s19, s3;
	s9 =	simm.s32 @!p0 $0x69E00  }
0xe: {  	s19 =	simm.s32 $0x0;
	s5 =	sadd.s32 s17, s5;
	s8 =	ssub.s32 s18, s8  }
0xf: {  	s22 =	sadd.s32 $0xC3000, s4;
	s23 =	sadd.s32 $0xEE00, s4;
	s24 =	sadd.s32 $0xB9000, s4  }
0x10: {  	s4 =	sadd.s32 $0x4E00, s4;
	s14 =	sshrl.u32 s10, $0x3;
	[dreg:$0x5] =	wrdreg s22  }
0x11: {  	s29 =	sshrl.u32 s20, $0x3;
	s17 =	simm.s32 $0x1;
	[dreg:$0x6] =	wrdreg s23  }
0x12: {  	s18 =	simm.s32 $0x6;
	s20 =	simm.s32 $0xF000;
	[dreg:$0x7] =	wrdreg s24  }
0x13: {  	s10 =	simm.s32 $0x14180;
	s5 =	sshrl.u32 s5, $0x3;
	[dreg:$0x8] =	wrdreg s4  }
0x14: {  	s26 =	smax.u32 s8, $0x1;
	[dreg:$0xc] =	wrdreg s29;
	s22 =	simm.s32 $0x80  }
.Ltmp0:
0x15: {  	s23 =	simm.s32 $0x19000;
	s8 =	simm.s32 $0xF280;
	(pc) =	sbr.rel .LBB2_1-.Ltmp0, $4  }
0x16: {  	s5 =	sadd.s32 s5, s0;
	[dreg:$0xa] =	wrdreg s26;
	s0 =	sadd.s32 s9, s0  }
0x17: {  	s9 =	simm.s32 $0x4;
	s25 =	sadd.s32 $0xF5000, s5;
	s0 =	sadd.s32 s0, s21  }
0x18: {  	s21 =	simm.s32 $0x14000;
	s5 =	simm.s32 $0x3;
	[dreg:$0x9] =	wrdreg s25  }
0x19: {  	[dreg:$0xb] =	wrdreg s0;
	s25 =	simm.s32 $0x1A800;
	s0 =	simm.s32 $0x5  }
.LBB2_7:
0x1a: {  	_ =	swait.ge [sflag:s0], $0x1800  }
0x1b: {  	[sflag:s0] =	ssyncset.done $0x0  }
0x1c: {  	[sflag:s0] =	ssyncadd.s32 $0xFFFFE800  }
0x1d: {  	_ =	swait.ge [sflag:s18], $0x1800  }
0x1e: {  	[sflag:s18] =	ssyncset.done $0x0  }
0x1f: {  	[sflag:s18] =	ssyncadd.s32 $0xFFFFE800  }
0x20: {  	_ =	swait.ge [sflag:s11], $0x1800  }
0x21: {  	[sflag:s11] =	ssyncset.done $0x0  }
0x22: {  	[sflag:s11] =	ssyncadd.s32 $0xFFFFE800  }
0x23: {  	_ =	swait.ge [sflag:s13], $0x1800  }
0x24: {  	[sflag:s13] =	ssyncset.done $0x0  }
0x25: {  	[sflag:s13] =	ssyncadd.s32 $0xFFFFE800  }
0x26: {  	[bflag:$0x0] =	sbarrier.arrive $0xFFFF  }
0x27: {  	s16 =	simm.s32 $0x10;
	s1 =	rddreg [dreg:$0x9]  }
0x28: {  	[hbm:s1@s16], [sflag:s6] =	dma.strided [spmem:s14@s18], $0xF00, s17, $0x6   }
0x29: {  	_ =	swait.ge [sflag:s15], $0xF00  }
0x2a: {  	s19 =	sadd.s32 $0x1, s19;
	s29 =	rddreg [dreg:$0xa]  }
0x2b: {  	p0 =	sne.s32 s19, s29  }
.Ltmp1:
0x2c: {  	_ = 	snop;
	(pc) =	sbr.rel @!p0 .LBB2_8-.Ltmp1, $3  }
0x2d: {  	_ =	sdelay $0x1  }
0x2e: {  	[sflag:s15] =	ssyncset.done $0x0  }
0x2f: {  	[sflag:s15] =	ssyncadd.s32 $0xFFFFF100  }
.LBB2_1:
0x30: {  	s1 =	rddreg [dreg:$0x4]  }
0x31: {  	[spmem:s14], [sflag:s6] =	dma.local [hbm:s1], $0xF00  }
0x32: {  	_ =	swait.ge [sflag:s15], $0xF00  }
0x33: {  	[sflag:s15] =	ssyncset.done $0x0;
	s29 =	rddreg [dreg:$0xb]  }
0x34: {  	s4 =	rddreg [dreg:$0xc];
	[sflag:s15] =	ssyncadd.s32 $0xFFFFF100  }
0x35: {  	[spmem:s4@s18], [sflag:s6] =	dma.strided [hbm:s29@s16], $0xF00, s17, $0x6   }
0x36: {  	_ =	swait.ge [sflag:s15], $0xF00  }
0x37: {  	[sflag:s15] =	ssyncset.done $0x0  }
0x38: {  	[sflag:s15] =	ssyncadd.s32 $0xFFFFF100  }
0x39: {  	[bflag:$0x0] =	sbarrier.arrive $0xFFFF  }
0x3a: {  	s24 =	simm.s32 $0x0;
	s26 =	rddreg [dreg:$0x5]  }
0x3b: {  	[tilespmem:s20], [sflag:$0x9] =	stream.linear.gather [hbm4b:s26+s24], $0x5000, $0x38;
	[tilespmem:$0x1F000] =	vst v63  }
0x3c: {  	_ =	swait.ge [sflag:s15], $0x5000  }
0x3d: {  	[sflag:s15] =	ssyncset.done $0x0  }
0x3e: {  	s29 =	rddreg [dreg:$0x6];
	[sflag:s15] =	ssyncadd.s32 $0xFFFFB000  }
0x3f: {  	[tilespmem:s21], [sflag:$0x9] =	stream.linear.gather [hbm4b:s29+s24], $0x5000, $0x38;
	[tilespmem:$0x1F000] =	vst v63  }
0x40: {  	_ =	swait.ge [sflag:s15], $0x5000  }
0x41: {  	[sflag:s15] =	ssyncset.done $0x0  }
0x42: {  	[sflag:s15] =	ssyncadd.s32 $0xFFFFB000  }
0x43: {  	[tilespmem:s23], [sflag:$0x1] =	stream.indirect.gather [spmem:s3], $0x30, s20, s22, $0xb8;
	[tilespmem:$0x1F000] =	vst v63  }
0x44: {  	s4 =	simm.s32 $0xF080  }
0x45: {  	[tilespmem:s25], [sflag:$0x2] =	stream.indirect.gather [spmem:s3], $0x30, s4, s22, $0xb8;
	[tilespmem:$0x1F000] =	vst v63  }
0x46: {  	s16 =	simm.s32 $0xF100  }
0x47: {  	[tilespmem:s28], [sflag:$0x3] =	stream.indirect.gather [spmem:s3], $0x30, s16, s22, $0xb8;
	[tilespmem:$0x1F000] =	vst v63  }
0x48: {  	_ =	swait.ge [sflag:s17], $0x1800  }
0x49: {  	[sflag:s17] =	ssyncset.done $0x0  }
0x4a: {  	[sflag:s17] =	ssyncadd.s32 $0xFFFFE800  }
0x4b: {  	[spmem:s2] =	stream.indirect.scatter.add.f32 [tilespmem:s23], [sflag:$0x5], $0x30, s21, s22, $0xb8;
	[tilespmem:$0x1F000] =	vst v63  }
0x4c: {  	s24 =	simm.s32 $0xF180  }
0x4d: {  	[tilespmem:s30], [sflag:$0x4] =	stream.indirect.gather [spmem:s3], $0x30, s24, s22, $0xb8;
	[tilespmem:$0x1F000] =	vst v63  }
0x4e: {  	_ =	swait.ge [sflag:s31], $0x1800  }
0x4f: {  	[sflag:s31] =	ssyncset.done $0x0  }
0x50: {  	s26 =	simm.s32 $0x14080;
	[sflag:s31] =	ssyncadd.s32 $0xFFFFE800  }
0x51: {  	[spmem:s2] =	stream.indirect.scatter.add.f32 [tilespmem:s25], [sflag:$0x6], $0x30, s26, s22, $0xb8;
	[tilespmem:$0x1F000] =	vst v63  }
0x52: {  	_ =	swait.ge [sflag:s0], $0x1800  }
0x53: {  	[sflag:s0] =	ssyncset.done $0x0  }
0x54: {  	s29 =	simm.s32 $0xF200;
	[sflag:s0] =	ssyncadd.s32 $0xFFFFE800  }
0x55: {  	[tilespmem:s23], [sflag:$0x1] =	stream.indirect.gather [spmem:s3], $0x30, s29, s22, $0xb8;
	[tilespmem:$0x1F000] =	vst v63  }
0x56: {  	_ =	swait.ge [sflag:s5], $0x1800  }
0x57: {  	[sflag:s5] =	ssyncset.done $0x0  }
0x58: {  	[sflag:s5] =	ssyncadd.s32 $0xFFFFE800  }
0x59: {  	[spmem:s2] =	stream.indirect.scatter.add.f32 [tilespmem:s28], [sflag:$0x7], $0x30, s7, s22, $0xb8;
	[tilespmem:$0x1F000] =	vst v63  }
0x5a: {  	_ =	swait.ge [sflag:s18], $0x1800  }
0x5b: {  	[sflag:s18] =	ssyncset.done $0x0  }
0x5c: {  	[sflag:s18] =	ssyncadd.s32 $0xFFFFE800  }
0x5d: {  	[tilespmem:s25], [sflag:$0x2] =	stream.indirect.gather [spmem:s3], $0x30, s8, s22, $0xb8;
	[tilespmem:$0x1F000] =	vst v63  }
0x5e: {  	_ =	swait.ge [sflag:s9], $0x1800  }
0x5f: {  	[sflag:s9] =	ssyncset.done $0x0  }
0x60: {  	[sflag:s9] =	ssyncadd.s32 $0xFFFFE800  }
0x61: {  	[spmem:s2] =	stream.indirect.scatter.add.f32 [tilespmem:s30], [sflag:$0x8], $0x30, s10, s22, $0xb8;
	[tilespmem:$0x1F000] =	vst v63  }
0x62: {  	_ =	swait.ge [sflag:s11], $0x1800  }
0x63: {  	[sflag:s11] =	ssyncset.done $0x0  }
0x64: {  	s16 =	simm.s32 $0x0;
	[sflag:s11] =	ssyncadd.s32 $0xFFFFE800  }
0x65: {  	[tilespmem:s28], [sflag:$0x3] =	stream.indirect.gather [spmem:s3], $0x30, s12, s22, $0xb8;
	[tilespmem:$0x1F000] =	vst v63  }
.LBB2_2:
0x66: {  	_ =	swait.ge [sflag:s17], $0x1800  }
0x67: {  	s24 =	sshra.s32 s16, $0x2;
	[sflag:s17] =	ssyncset.done $0x0  }
0x68: {  	s26 =	sadd.s32 $0x14200, s24;
	[sflag:s17] =	ssyncadd.s32 $0xFFFFE800  }
0x69: {  	[spmem:s2] =	stream.indirect.scatter.add.f32 [tilespmem:s23], [sflag:$0x5], $0x30, s26, s22, $0xb8;
	[tilespmem:$0x1F000] =	vst v63  }
0x6a: {  	_ =	swait.ge [sflag:s13], $0x1800  }
0x6b: {  	[sflag:s13] =	ssyncset.done $0x0  }
0x6c: {  	s1 =	sadd.s32 $0xF380, s24;
	[sflag:s13] =	ssyncadd.s32 $0xFFFFE800  }
0x6d: {  	[tilespmem:s30], [sflag:$0x4] =	stream.indirect.gather [spmem:s3], $0x30, s1, s22, $0xb8;
	[tilespmem:$0x1F000] =	vst v63  }
0x6e: {  	_ =	swait.ge [sflag:s31], $0x1800  }
0x6f: {  	p0 =	seq.s32 s16, $0x13000;
	[sflag:s31] =	ssyncset.done $0x0  }
0x70: {  	s4 =	sadd.s32 $0x14280, s24;
	s26 =	simm.s32 @p0 $0x3;
	[sflag:s31] =	ssyncadd.s32 $0xFFFFE800  }
0x71: {  	[spmem:s2] =	stream.indirect.scatter.add.f32 [tilespmem:s25], [sflag:$0x6], $0x30, s4, s22, $0xb8;
	[tilespmem:$0x1F000] =	vst v63  }
0x72: {  	_ =	swait.ge @p0 [sflag:s26], $0x1800  }
0x73: {  	[sflag:s26] =	ssyncset.done @p0 $0x0  }
0x74: {  	[sflag:s26] =	ssyncadd.s32 @p0 $0xFFFFE800;
	s26 =	sshra.s32 @p0 s16, $0x2  }
0x75: {  	s29 =	simm.s32 @p0 $0x80;
	s1 =	simm.s32 @p0 $0x1C000;
	s26 =	sadd.s32 @p0 $0x14300, s26  }
0x76: {  	[spmem:s2] =	stream.indirect.scatter.add.f32 @p0 [tilespmem:s1], [sflag:$0x7], $0x30, s26, s29, $0xb8;
	[tilespmem:$0x1F000] =	vst v63  }
0x77: {  	s1 =	simm.s32 @!p0 $0x5  }
0x78: {  	_ =	swait.ge @!p0 [sflag:s1], $0x1800  }
0x79: {  	[sflag:s1] =	ssyncset.done @!p0 $0x0  }
0x7a: {  	[sflag:s1] =	ssyncadd.s32 @!p0 $0xFFFFE800;
	s1 =	sshra.s32 @!p0 s16, $0x2  }
0x7b: {  	s4 =	simm.s32 @!p0 $0x19000;
	s29 =	simm.s32 @!p0 $0x80;
	s26 =	sadd.s32 @!p0 $0xF400, s1  }
0x7c: {  	[tilespmem:s4], [sflag:$0x1] =	stream.indirect.gather @!p0 [spmem:s3], $0x30, s26, s29, $0xb8;
	[tilespmem:$0x1F000] =	vst v63  }
0x7d: {  	s4 =	simm.s32 @!p0 $0x3  }
0x7e: {  	_ =	swait.ge @!p0 [sflag:s4], $0x1800  }
0x7f: {  	[sflag:s4] =	ssyncset.done @!p0 $0x0  }
0x80: {  	s26 =	simm.s32 @!p0 $0x1C000;
	[sflag:s4] =	ssyncadd.s32 @!p0 $0xFFFFE800;
	s4 =	sadd.s32 @!p0 $0x14300, s1  }
0x81: {  	[spmem:s2] =	stream.indirect.scatter.add.f32 @!p0 [tilespmem:s26], [sflag:$0x7], $0x30, s4, s29, $0xb8;
	[tilespmem:$0x1F000] =	vst v63  }
0x82: {  	s4 =	simm.s32 @!p0 $0x6  }
0x83: {  	_ =	swait.ge @!p0 [sflag:s4], $0x1800  }
0x84: {  	[sflag:s4] =	ssyncset.done @!p0 $0x0  }
0x85: {  	s1 =	sadd.s32 @!p0 $0xF480, s1;
	[sflag:s4] =	ssyncadd.s32 @!p0 $0xFFFFE800;
	s4 =	simm.s32 @!p0 $0x1A800  }
0x86: {  	[tilespmem:s4], [sflag:$0x2] =	stream.indirect.gather @!p0 [spmem:s3], $0x30, s1, s29, $0xb8;
	[tilespmem:$0x1F000] =	vst v63  }
.Ltmp2:
0x87: {  	_ = 	snop;
	(pc) =	sbr.rel @p0 .LBB2_4-.Ltmp2, $4  }
0x88: {  	_ =	swait.ge [sflag:s9], $0x1800  }
0x89: {  	[sflag:s9] =	ssyncset.done $0x0  }
0x8a: {  	s29 =	sadd.s32 $0x14380, s24;
	[sflag:s9] =	ssyncadd.s32 $0xFFFFE800  }
0x8b: {  	[spmem:s2] =	stream.indirect.scatter.add.f32 [tilespmem:s30], [sflag:$0x8], $0x30, s29, s22, $0xb8;
	[tilespmem:$0x1F000] =	vst v63  }
.Ltmp3:
0x8c: {  	(pc) =	sbr.rel .LBB2_2-.Ltmp3, $4  }
0x8d: {  	_ =	swait.ge [sflag:s11], $0x1800  }
0x8e: {  	[sflag:s11] =	ssyncset.done $0x0  }
0x8f: {  	s1 =	sadd.s32 $0xF500, s24;
	s16 =	sadd.s32 $0x800, s16;
	[sflag:s11] =	ssyncadd.s32 $0xFFFFE800  }
0x90: {  	[tilespmem:s28], [sflag:$0x3] =	stream.indirect.gather [spmem:s3], $0x30, s1, s22, $0xb8;
	[tilespmem:$0x1F000] =	vst v63  }
.LBB2_4:
0x91: {  	_ =	swait.ge [sflag:s0], $0x1800  }
0x92: {  	[sflag:s0] =	ssyncset.done $0x0  }
0x93: {  	[sflag:s0] =	ssyncadd.s32 $0xFFFFE800  }
0x94: {  	_ =	swait.ge [sflag:s18], $0x1800  }
0x95: {  	[sflag:s18] =	ssyncset.done $0x0  }
0x96: {  	[sflag:s18] =	ssyncadd.s32 $0xFFFFE800  }
0x97: {  	_ =	swait.ge [sflag:s11], $0x1800  }
0x98: {  	[sflag:s11] =	ssyncset.done $0x0  }
0x99: {  	[sflag:s11] =	ssyncadd.s32 $0xFFFFE800  }
0x9a: {  	_ =	swait.ge [sflag:s13], $0x1800  }
0x9b: {  	[sflag:s13] =	ssyncset.done $0x0  }
0x9c: {  	s16 =	simm.s32 $0x0;
	s1 =	rddreg [dreg:$0x7];
	[sflag:s13] =	ssyncadd.s32 $0xFFFFE800  }
0x9d: {  	[tilespmem:s20], [sflag:$0x9] =	stream.linear.gather [hbm4b:s1+s16], $0x5000, $0x38;
	[tilespmem:$0x1F000] =	vst v63  }
0x9e: {  	_ =	swait.ge [sflag:s15], $0x5000  }
0x9f: {  	[sflag:s15] =	ssyncset.done $0x0  }
0xa0: {  	s26 =	rddreg [dreg:$0x8];
	[sflag:s15] =	ssyncadd.s32 $0xFFFFB000  }
0xa1: {  	[tilespmem:s21], [sflag:$0x9] =	stream.linear.gather [hbm4b:s26+s16], $0x5000, $0x38;
	[tilespmem:$0x1F000] =	vst v63  }
0xa2: {  	_ =	swait.ge [sflag:s15], $0x5000  }
0xa3: {  	[sflag:s15] =	ssyncset.done $0x0  }
0xa4: {  	[sflag:s15] =	ssyncadd.s32 $0xFFFFB000  }
0xa5: {  	[tilespmem:s23], [sflag:$0x1] =	stream.indirect.gather [spmem:s3], $0x30, s20, s22, $0xb8;
	[tilespmem:$0x1F000] =	vst v63  }
0xa6: {  	s29 =	simm.s32 $0xF080  }
0xa7: {  	[tilespmem:s25], [sflag:$0x2] =	stream.indirect.gather [spmem:s3], $0x30, s29, s22, $0xb8;
	[tilespmem:$0x1F000] =	vst v63  }
0xa8: {  	s4 =	simm.s32 $0xF100  }
0xa9: {  	[tilespmem:s28], [sflag:$0x3] =	stream.indirect.gather [spmem:s3], $0x30, s4, s22, $0xb8;
	[tilespmem:$0x1F000] =	vst v63  }
0xaa: {  	_ =	swait.ge [sflag:s17], $0x1800  }
0xab: {  	[sflag:s17] =	ssyncset.done $0x0  }
0xac: {  	[sflag:s17] =	ssyncadd.s32 $0xFFFFE800  }
0xad: {  	[spmem:s2] =	stream.indirect.scatter.add.f32 [tilespmem:s23], [sflag:$0x5], $0x30, s21, s22, $0xb8;
	[tilespmem:$0x1F000] =	vst v63  }
0xae: {  	s24 =	simm.s32 $0xF180  }
0xaf: {  	[tilespmem:s30], [sflag:$0x4] =	stream.indirect.gather [spmem:s3], $0x30, s24, s22, $0xb8;
	[tilespmem:$0x1F000] =	vst v63  }
0xb0: {  	_ =	swait.ge [sflag:s31], $0x1800  }
0xb1: {  	[sflag:s31] =	ssyncset.done $0x0  }
0xb2: {  	s26 =	simm.s32 $0x14080;
	[sflag:s31] =	ssyncadd.s32 $0xFFFFE800  }
0xb3: {  	[spmem:s2] =	stream.indirect.scatter.add.f32 [tilespmem:s25], [sflag:$0x6], $0x30, s26, s22, $0xb8;
	[tilespmem:$0x1F000] =	vst v63  }
0xb4: {  	_ =	swait.ge [sflag:s0], $0x1800  }
0xb5: {  	[sflag:s0] =	ssyncset.done $0x0  }
0xb6: {  	s29 =	simm.s32 $0xF200;
	[sflag:s0] =	ssyncadd.s32 $0xFFFFE800  }
0xb7: {  	[tilespmem:s23], [sflag:$0x1] =	stream.indirect.gather [spmem:s3], $0x30, s29, s22, $0xb8;
	[tilespmem:$0x1F000] =	vst v63  }
0xb8: {  	_ =	swait.ge [sflag:s5], $0x1800  }
0xb9: {  	[sflag:s5] =	ssyncset.done $0x0  }
0xba: {  	[sflag:s5] =	ssyncadd.s32 $0xFFFFE800  }
0xbb: {  	[spmem:s2] =	stream.indirect.scatter.add.f32 [tilespmem:s28], [sflag:$0x7], $0x30, s7, s22, $0xb8;
	[tilespmem:$0x1F000] =	vst v63  }
0xbc: {  	_ =	swait.ge [sflag:s18], $0x1800  }
0xbd: {  	[sflag:s18] =	ssyncset.done $0x0  }
0xbe: {  	[sflag:s18] =	ssyncadd.s32 $0xFFFFE800  }
0xbf: {  	[tilespmem:s25], [sflag:$0x2] =	stream.indirect.gather [spmem:s3], $0x30, s8, s22, $0xb8;
	[tilespmem:$0x1F000] =	vst v63  }
0xc0: {  	_ =	swait.ge [sflag:s9], $0x1800  }
0xc1: {  	[sflag:s9] =	ssyncset.done $0x0  }
0xc2: {  	[sflag:s9] =	ssyncadd.s32 $0xFFFFE800  }
0xc3: {  	[spmem:s2] =	stream.indirect.scatter.add.f32 [tilespmem:s30], [sflag:$0x8], $0x30, s10, s22, $0xb8;
	[tilespmem:$0x1F000] =	vst v63  }
0xc4: {  	_ =	swait.ge [sflag:s11], $0x1800  }
0xc5: {  	[sflag:s11] =	ssyncset.done $0x0  }
0xc6: {  	[sflag:s11] =	ssyncadd.s32 $0xFFFFE800  }
0xc7: {  	[tilespmem:s28], [sflag:$0x3] =	stream.indirect.gather [spmem:s3], $0x30, s12, s22, $0xb8;
	[tilespmem:$0x1F000] =	vst v63  }
.LBB2_5:
0xc8: {  	_ =	swait.ge [sflag:s17], $0x1800  }
0xc9: {  	s24 =	sshra.s32 s16, $0x2;
	[sflag:s17] =	ssyncset.done $0x0  }
0xca: {  	s1 =	sadd.s32 $0x14200, s24;
	[sflag:s17] =	ssyncadd.s32 $0xFFFFE800  }
0xcb: {  	[spmem:s2] =	stream.indirect.scatter.add.f32 [tilespmem:s23], [sflag:$0x5], $0x30, s1, s22, $0xb8;
	[tilespmem:$0x1F000] =	vst v63  }
0xcc: {  	_ =	swait.ge [sflag:s13], $0x1800  }
0xcd: {  	[sflag:s13] =	ssyncset.done $0x0  }
0xce: {  	s4 =	sadd.s32 $0xF380, s24;
	[sflag:s13] =	ssyncadd.s32 $0xFFFFE800  }
0xcf: {  	[tilespmem:s30], [sflag:$0x4] =	stream.indirect.gather [spmem:s3], $0x30, s4, s22, $0xb8;
	[tilespmem:$0x1F000] =	vst v63  }
0xd0: {  	_ =	swait.ge [sflag:s31], $0x1800  }
0xd1: {  	p0 =	seq.s32 s16, $0x13000;
	[sflag:s31] =	ssyncset.done $0x0  }
0xd2: {  	s26 =	sadd.s32 $0x14280, s24;
	s1 =	simm.s32 @p0 $0x3;
	[sflag:s31] =	ssyncadd.s32 $0xFFFFE800  }
0xd3: {  	[spmem:s2] =	stream.indirect.scatter.add.f32 [tilespmem:s25], [sflag:$0x6], $0x30, s26, s22, $0xb8;
	[tilespmem:$0x1F000] =	vst v63  }
0xd4: {  	_ =	swait.ge @p0 [sflag:s1], $0x1800  }
0xd5: {  	[sflag:s1] =	ssyncset.done @p0 $0x0  }
0xd6: {  	[sflag:s1] =	ssyncadd.s32 @p0 $0xFFFFE800;
	s1 =	sshra.s32 @p0 s16, $0x2  }
0xd7: {  	s4 =	simm.s32 @p0 $0x80;
	s26 =	simm.s32 @p0 $0x1C000;
	s1 =	sadd.s32 @p0 $0x14300, s1  }
0xd8: {  	[spmem:s2] =	stream.indirect.scatter.add.f32 @p0 [tilespmem:s26], [sflag:$0x7], $0x30, s1, s4, $0xb8;
	[tilespmem:$0x1F000] =	vst v63  }
0xd9: {  	s1 =	simm.s32 @!p0 $0x5  }
0xda: {  	_ =	swait.ge @!p0 [sflag:s1], $0x1800  }
0xdb: {  	[sflag:s1] =	ssyncset.done @!p0 $0x0  }
0xdc: {  	[sflag:s1] =	ssyncadd.s32 @!p0 $0xFFFFE800;
	s1 =	sshra.s32 @!p0 s16, $0x2  }
0xdd: {  	s29 =	simm.s32 @!p0 $0x19000;
	s26 =	simm.s32 @!p0 $0x80;
	s4 =	sadd.s32 @!p0 $0xF400, s1  }
0xde: {  	[tilespmem:s29], [sflag:$0x1] =	stream.indirect.gather @!p0 [spmem:s3], $0x30, s4, s26, $0xb8;
	[tilespmem:$0x1F000] =	vst v63  }
0xdf: {  	s4 =	simm.s32 @!p0 $0x3  }
0xe0: {  	_ =	swait.ge @!p0 [sflag:s4], $0x1800  }
0xe1: {  	[sflag:s4] =	ssyncset.done @!p0 $0x0  }
0xe2: {  	s29 =	simm.s32 @!p0 $0x1C000;
	[sflag:s4] =	ssyncadd.s32 @!p0 $0xFFFFE800;
	s4 =	sadd.s32 @!p0 $0x14300, s1  }
0xe3: {  	[spmem:s2] =	stream.indirect.scatter.add.f32 @!p0 [tilespmem:s29], [sflag:$0x7], $0x30, s4, s26, $0xb8;
	[tilespmem:$0x1F000] =	vst v63  }
0xe4: {  	s4 =	simm.s32 @!p0 $0x6  }
0xe5: {  	_ =	swait.ge @!p0 [sflag:s4], $0x1800  }
0xe6: {  	[sflag:s4] =	ssyncset.done @!p0 $0x0  }
0xe7: {  	s1 =	sadd.s32 @!p0 $0xF480, s1;
	[sflag:s4] =	ssyncadd.s32 @!p0 $0xFFFFE800;
	s4 =	simm.s32 @!p0 $0x1A800  }
0xe8: {  	[tilespmem:s4], [sflag:$0x2] =	stream.indirect.gather @!p0 [spmem:s3], $0x30, s1, s26, $0xb8;
	[tilespmem:$0x1F000] =	vst v63  }
.Ltmp4:
0xe9: {  	_ = 	snop;
	(pc) =	sbr.rel @p0 .LBB2_7-.Ltmp4, $4  }
0xea: {  	_ =	swait.ge [sflag:s9], $0x1800  }
0xeb: {  	[sflag:s9] =	ssyncset.done $0x0  }
0xec: {  	s29 =	sadd.s32 $0x14380, s24;
	[sflag:s9] =	ssyncadd.s32 $0xFFFFE800  }
0xed: {  	[spmem:s2] =	stream.indirect.scatter.add.f32 [tilespmem:s30], [sflag:$0x8], $0x30, s29, s22, $0xb8;
	[tilespmem:$0x1F000] =	vst v63  }
.Ltmp5:
0xee: {  	(pc) =	sbr.rel .LBB2_5-.Ltmp5, $4  }
0xef: {  	_ =	swait.ge [sflag:s11], $0x1800  }
0xf0: {  	[sflag:s11] =	ssyncset.done $0x0  }
0xf1: {  	s1 =	sadd.s32 $0xF500, s24;
	s16 =	sadd.s32 $0x800, s16;
	[sflag:s11] =	ssyncadd.s32 $0xFFFFE800  }
0xf2: {  	[tilespmem:s28], [sflag:$0x3] =	stream.indirect.gather [spmem:s3], $0x30, s1, s22, $0xb8;
	[tilespmem:$0x1F000] =	vst v63  }
.LBB2_8:
0xf3: {  	_ =	sfence.sel $0x180000  }
0xf4: {  	[bflag:$0x0] =	sbarrier.arrive $0xFFFF  }
0xf5: {  	_ =	strace $0x9000004D  }
0xf6: {  	s0 =	stileid.u32;
	[bflag:$0x2] =	sbarrier.arrive $0xFFFF  }
0xf7: {  	p0 =	sne.s32 s0, $0x0;
	s0 =	rddreg [dreg:$0x3]  }
0xf8: {  	s0 =	sadd.s32 @!p0 $0x100000, s0  }
0xf9: {  	[sflag:s0] =	ssyncadd.tile.s32 @!p0 $0x1;
	_ =	shalt  }
.Lfunc_end2:
_tile_overlayer_lowered:
.L_overlay_start_2:
0xfa: {  	(tag) =	ssettag $0x2  }
0xfb: {  	s0 =	rddreg [dreg:$0x0];
	s2 =	stileid.u32  }
0xfc: {  	s1 =	rddreg [dreg:$0x1];
	p0 =	sne.s32 s2, $0x0  }
0xfd: {  	s3 =	rddreg [dreg:$0x2];
	[bflag:$0x3] =	sbarrier.arrive $0xFFFF;
	s2 =	simm.s32 @!p0 $0x1C09  }
0xfe: {  	[timem:s3], [sflag:s2] =	dma.local @!p0 [hbm:s0], s1  }
0xff: {  	s0 =	simm.s32 @!p0 $0x9  }
0x100: {  	_ =	swait.ge @!p0 [sflag:s0], s1  }
0x101: {  	s1 =	ssub.s32 @!p0 $0x0, s1;
	[sflag:s0] =	ssyncset.done @!p0 $0x0  }
0x102: {  	[sflag:s0] =	ssyncadd.s32 @!p0 s1  }
0x103: {  	[bflag:$0x3] =	sbarrier.arrive $0xFFFF  }
0x104: {  	_ =	shalt  }

// kernel: kernel.8.cloned.1.call-start
scs
__scs_entry_jumppad:
0x0: {  	(pc) =	sbr.rel $0x88, $3  }
0x1: {  	(tag) =	ssettag $0x0;
	lr =	simm.s32 $0x1  }
0x2: {  	[smem:$0x3F8F] =	sst lr;
	_ =	strace $0xD0000000  }
0x3: {  	_ = 	snop  }
0x4: {  	_ = 	snop  }
0x5: {  	_ = 	snop  }
0x6: {  	_ = 	snop  }
0x7: {  	_ = 	snop  }
__scs_overlays_trampoline_lowered:
0x8: {  	[smem:$0x3F9E] =	sst s0  }
0x9: {  	[smem:$0x3F9F] =	sst s1  }
0xa: {  	[smem:$0x3FA0] =	sst s2  }
0xb: {  	[smem:$0x3FA1] =	sst s3  }
0xc: {  	[smem:$0x3FA2] =	sst s4  }
0xd: {  	[smem:$0x3FA3] =	sst s5  }
0xe: {  	[smem:$0x3FA4] =	sst s6  }
0xf: {  	[smem:$0x3FA5] =	sst s7  }
0x10: {  	[smem:$0x3FA6] =	sst s8  }
0x11: {  	[smem:$0x3FA7] =	sst s9;
	s0 =	simm.s32 @!p0 $0x0  }
0x12: {  	s1 =	sld [smem:$0x3F8D];
	s0 =	simm.s32 @p0 $0x1  }
0x13: {  	[smem:$0x3FA8] =	sst s0;
	s0 =	simm.s32 @!p1 $0x0  }
0x14: {  	s2 =	sld [smem:$0x3F8C];
	s0 =	simm.s32 @p1 $0x1  }
0x15: {  	[smem:$0x3FA9] =	sst s0;
	s0 =	simm.s32 @!p2 $0x0  }
0x16: {  	s3 =	sld [smem:$0x3FDB];
	s0 =	simm.s32 @p2 $0x1  }
0x17: {  	s4 =	simm.s32 $0x1BF5;
	[smem:$0x3FAB] =	sst s0  }
0x18: {  	s0 =	sld [smem:$0x3F8E];
	_ =	swait.ge [sflag:s4], $0x0  }
0x19: {  	s7 =	sld [smem:$0x3F8F]  }
0x1a: {  	s8 =	sadd.s32 $0xFFFFE003, lr  }
0x1b: {  	s9 =	sadd.s32 $0xFFFFFEF7, lr;
	s5 =	simm.s32 $0xFFFFFFFF;
	p2 =	slt.u32 s8, $0xFFFFF086  }
0x1c: {  	p1 =	slt.u32 s9, $0xF7A;
	s5 =	simm.s32 @!p2 $0x0  }
0x1d: {  	s5 =	simm.s32 @p1 $0x1;
	p0 =	seq.s32 s7, s2  }
0x1e: {  	s7 =	smul.u32 @!p0 $0xF7A, s2;
	p2 =	seq.s32 @!p0 s5, $0x0  }
0x1f: {  	s9 =	smul.u32 $0xF7A, s1;
	s8 =	simm.s32 @!p0 $0x1BF5;
	p2 =	por !p2, p0  }
0x20: {  	[sflag:s8] =	ssyncset.s32 @!p0 $0xFFFFF086;
	s6 =	sadd.s32 @!p0 s3, s7;
	s7 =	simm.s32 @!p0 $0x108  }
0x21: {  	s3 =	sadd.s32 s3, s9;
	s6 =	sadd.s32 @!p0 $0x88, s6;
	s7 =	simm.s32 @p2 $0x1082  }
0x22: {  	[simem:s7], [sflag:s8] =	dma.local @!p0 [hbm:s6], $0xF7A  }
0x23: {  	s9 =	sor.u32 $0xD0000000, s2;
	s6 =	simm.s32 $0x108;
	_ =	swait.ge @!p0 [sflag:s8], $0x0  }
0x24: {  	s3 =	sadd.s32 $0x88, s3;
	s6 =	simm.s32 @!p1 $0x1082;
	[sflag:s4] =	ssyncset.s32 $0xFFFFF086  }
0x25: {  	[simem:s6], [sflag:s4] =	dma.local [hbm:s3], $0xF7A  }
0x26: {  	[smem:$0x3F8F] =	sst s1;
	(tag) =	ssettag s2;
	_ =	strace s9  }
0x27: {  	s1 =	sld [smem:$0x3F9F]  }
0x28: {  	s2 =	sld [smem:$0x3FA0]  }
0x29: {  	s4 =	sld [smem:$0x3FA2]  }
0x2a: {  	p0 =	seq.s32 s5, $0x0;
	s5 =	sld [smem:$0x3FA3]  }
0x2b: {  	s6 =	sld [smem:$0x3FA4]  }
0x2c: {  	s7 =	sld [smem:$0x3FA5]  }
0x2d: {  	s3 =	simm.s32 $0x108;
	s8 =	sld [smem:$0x3FA6]  }
0x2e: {  	s3 =	simm.s32 @!p0 $0x1082;
	s9 =	sld [smem:$0x3FA7]  }
0x2f: {  	lr =	sadd.s32 s0, s3;
	s0 =	sld [smem:$0x3F9E]  }
0x30: {  	s3 =	sld [smem:$0x3FA1]  }
0x31: {  	[smem:$0x3FAA] =	sst s10  }
0x32: {  	s10 =	sld [smem:$0x3FA8];
	_ =	sdelay $0x3  }
0x33: {  	p0 =	seq.s32 s10, $0x1;
	s10 =	sld [smem:$0x3FAA];
	_ =	sdelay $0x3  }
0x34: {  	[smem:$0x3FAA] =	sst s10  }
0x35: {  	s10 =	sld [smem:$0x3FA9];
	_ =	sdelay $0x3  }
0x36: {  	p1 =	seq.s32 s10, $0x1;
	s10 =	sld [smem:$0x3FAA];
	_ =	sdelay $0x3  }
0x37: {  	[smem:$0x3FAA] =	sst s10  }
0x38: {  	s10 =	sld [smem:$0x3FAB]  }
0x39: {  	_ = 	snop;
	(pc) =	sbr.ind lr, $3  }
0x3a: {  	_ = 	snop  }
0x3b: {  	_ = 	snop  }
0x3c: {  	p2 =	seq.s32 s10, $0x1;
	s10 =	sld [smem:$0x3FAA]  }
0x3d: {  	_ =	shalt  }
0x3e: {  	_ =	shalt  }
0x3f: {  	_ =	shalt  }
0x40: {  	_ =	shalt  }
0x41: {  	_ =	shalt  }
0x42: {  	_ =	shalt  }
0x43: {  	_ =	shalt  }
0x44: {  	_ =	shalt  }
0x45: {  	_ =	shalt  }
0x46: {  	_ =	shalt  }
0x47: {  	_ =	shalt  }
0x48: {  	_ =	shalt  }
0x49: {  	_ =	shalt  }
0x4a: {  	_ =	shalt  }
0x4b: {  	_ =	shalt  }
0x4c: {  	_ =	shalt  }
0x4d: {  	_ =	shalt  }
0x4e: {  	_ =	shalt  }
0x4f: {  	_ =	shalt  }
0x50: {  	_ =	shalt  }
0x51: {  	_ =	shalt  }
0x52: {  	_ =	shalt  }
0x53: {  	_ =	shalt  }
0x54: {  	_ =	shalt  }
0x55: {  	_ =	shalt  }
0x56: {  	_ =	shalt  }
0x57: {  	_ =	shalt  }
0x58: {  	_ =	shalt  }
0x59: {  	_ =	shalt  }
0x5a: {  	_ =	shalt  }
0x5b: {  	_ =	shalt  }
0x5c: {  	_ =	shalt  }
0x5d: {  	_ =	shalt  }
0x5e: {  	_ =	shalt  }
0x5f: {  	_ =	shalt  }
0x60: {  	_ =	shalt  }
0x61: {  	_ =	shalt  }
0x62: {  	_ =	shalt  }
0x63: {  	_ =	shalt  }
0x64: {  	_ =	shalt  }
0x65: {  	_ =	shalt  }
0x66: {  	_ =	shalt  }
0x67: {  	_ =	shalt  }
0x68: {  	_ =	shalt  }
0x69: {  	_ =	shalt  }
0x6a: {  	_ =	shalt  }
0x6b: {  	_ =	shalt  }
0x6c: {  	_ =	shalt  }
0x6d: {  	_ =	shalt  }
0x6e: {  	_ =	shalt  }
0x6f: {  	_ =	shalt  }
0x70: {  	_ =	shalt  }
0x71: {  	_ =	shalt  }
0x72: {  	_ =	shalt  }
0x73: {  	_ =	shalt  }
0x74: {  	_ =	shalt  }
0x75: {  	_ =	shalt  }
0x76: {  	_ =	shalt  }
0x77: {  	_ =	shalt  }
0x78: {  	_ =	shalt  }
0x79: {  	_ =	shalt  }
0x7a: {  	_ =	shalt  }
0x7b: {  	_ =	shalt  }
0x7c: {  	_ =	shalt  }
0x7d: {  	_ =	shalt  }
0x7e: {  	_ =	shalt  }
0x7f: {  	_ =	shalt  }
0x80: {  	_ =	shalt  }
0x81: {  	_ =	shalt  }
0x82: {  	_ =	shalt  }
0x83: {  	_ =	shalt  }
0x84: {  	_ =	shalt  }
0x85: {  	_ =	shalt  }
0x86: {  	_ =	shalt  }
0x87: {  	_ =	shalt  }
.Lfunc_end0:
.L_simem_size_0:
called_computation_lowered:
.L_overlay_start_0:
0x88: {  	s2 =	sld [smem:$0x3FD9]  }
0x89: {  	s3 =	sld [smem:$0x3FFE];
	_ =	sdelay $0x1  }
0x8a: {  	s1 =	srdreg.scid  }
0x8b: {  	s0 =	sand.u32 $0x1, s1  }
0x8c: {  	s17 =	sshll.u32 s0, $0xA;
	s2 =	sadd.s32 s3, s2  }
0x8d: {  	s2 =	sadd.s32 s2, s17  }
0x8e: {  	[smem:$0x3FB6] =	sst s2  }
0x8f: {  	_ = 	snop  }
0x90: {  	s2 =	sld [smem:$0x3FD0];
	(tm) =	ssettm $0x1  }
0x91: {  	s18 =	sld [smem:$0x3FFB];
	_ =	sdelay $0x3  }
0x92: {  	_ =	strace s18  }
0x93: {  	s3 =	sld [smem:$0x3FFC];
	_ =	sdelay $0x3  }
0x94: {  	_ =	strace s3  }
0x95: {  	s3 =	sld [smem:$0x3FFD];
	_ =	sdelay $0x3  }
0x96: {  	_ =	strace s3  }
0x97: {  	_ =	strace $0x8FFFFFFF  }
0x98: {  	s19 =	sld [smem:$0x3FDB];
	_ =	sdelay $0x1  }
0x99: {  	s4 =	simm.s32 $_scs_section_size  }
0x9a: {  	s5 =	simm.s32 $_size__tile_overlayer_lowered;
	s6 =	simm.s32 $_tile_overlayer_lowered  }
0x9b: {  	s22 =	simm.s32 $0x1BFF;
	s21 =	sshll.u32 s6, $0x1;
	s3 =	sadd.s32 s4, s19  }
0x9c: {  	s7 =	simm.s32 $0x0;
	s20 =	sshll.u32 s5, $0x1;
	s5 =	sadd.s32 s21, s3  }
0x9d: {  	[timem:s7], [sflag:s22] =	dma.local [hbm:s5], s20  }
0x9e: {  	_ =	swait.ge [sflag:s22], s20  }
0x9f: {  	s4 =	ssub.s32 $0x0, s20;
	[sflag:s22] =	ssyncset.done $0x0  }
0xa0: {  	[sflag:s22] =	ssyncadd.s32 s4;
	_ =	sdelay $0x1  }
0xa1: {  	s23 =	simm.s32 $0x1B8B  }
0xa2: {  	_ =	swait.ge [sflag:s23], $0x1  }
0xa3: {  	[sflag:s23] =	ssyncset.done $0x0  }
0xa4: {  	s25 =	simm.s32 $0x1B8E;
	s24 =	sld [smem:$0x3FFE];
	[sflag:s23] =	ssyncadd.s32 $0xFFFFFFFF  }
0xa5: {  	s26 =	simm.s32 $execute0_lowered;
	[smem:$0x3FD2] =	sst s25  }
0xa6: {  	s5 =	sshll.u32 s26, $0x1;
	_ =	strace $0x80000046;
	[dreg:$0x1] =	wrdreg $0xFFFFFFFF  }
0xa7: {  	s28 =	simm.s32 $_size_execute0_lowered;
	s3 =	sadd.s32 s3, s5;
	[dreg:$0x0] =	wrdreg $0x0  }
0xa8: {  	s5 =	sshll.u32 s28, $0x1;
	[dreg:$0x2] =	wrdreg s3  }
0xa9: {  	[dreg:$0x3] =	wrdreg s5  }
0xaa: {  	[dreg:$0x4] =	wrdreg $0xC0  }
0xab: {  	_ =	task [dreg:s7], $0x5FFFF  }
0xac: {  	[dreg:$0x1] =	wrdreg $0xFFFFFFFF  }
0xad: {  	[dreg:$0x0] =	wrdreg $0x60  }
0xae: {  	[dreg:$0x2] =	wrdreg s24  }
0xaf: {  	[dreg:$0x3] =	wrdreg s2  }
0xb0: {  	[dreg:$0x4] =	wrdreg $0x0  }
0xb1: {  	[dreg:$0x5] =	wrdreg $0x28000  }
0xb2: {  	[dreg:$0x6] =	wrdreg $0x9  }
0xb3: {  	_ =	task.clear_ibuf [dreg:s7], $0x7FFFF;
	_ =	strace $0x90000046  }
0xb4: {  	s29 =	simm.s32 $0x9;
	_ =	strace $0x80000048  }
0xb5: {  	_ =	swait.ge [sflag:s29], $0x1  }
0xb6: {  	[sflag:s29] =	ssyncadd.s32 $0xFFFFFFFF  }
0xb7: {  	_ =	strace $0x90000048  }
0xb8: {  	_ =	sfence  }
0xb9: {  	s30 =	sld [smem:$0x0];
	_ =	sdelay $0x2  }
0xba: {  	s31 =	sshll.u32 s1, $0xD;
	s1 =	sshrl.u32 s1, $0x2  }
0xbb: {  	s3 =	sand.u32 $0x4000, s31;
	s1 =	sadd.s32 s1, s30  }
0xbc: {  	s0 =	sor.u32 s3, s0;
	s1 =	sshll.u32 s1, $0x11  }
0xbd: {  	s0 =	sor.u32 s1, s0  }
0xbe: {  	s0 =	sadd.s32 $0x8F2B, s0  }
0xbf: {  	[sflag:s0] =	ssyncadd.remote.s32 $0x1  }
0xc0: {  	_ =	sfence.sel $0xFFFF  }
0xc1: {  	[dreg:$0x0] =	wrdreg $0xFFFFFFFF;
	(pc) =	sbr.abs _section_cstart, $3  }
0xc2: {  	[dreg:$0x1] =	wrdreg $0xFFFFFFFF  }
0xc3: {  	_ =	task.clear_ibuf [dreg:s7], $0x2FFFF;
	_ =	strace $0x9FFFFFFF  }
0xc4: {  	(tm) =	ssettm $0x7FFFFFFF  }
0xc5: {  	_ =	shalt  }
tec
execute0_lowered:
.L_overlay_start_1:
0x0: {  	(tag) =	ssettag $0x1  }
0x1: {  	s7 =	rddreg [dreg:$0x0]  }
0x2: {  	s1 =	rddreg [dreg:$0x1];
	s2 =	srdreg.scid  }
0x3: {  	s0 =	stileid.u32;
	s3 =	rddreg [dreg:$0x2]  }
0x4: {  	s4 =	rddreg [dreg:$0x3];
	s5 =	simm.s32 $0x0;
	s16 =	simm.s32 $0x5000  }
0x5: {  	s17 =	simm.s32 $0x5800;
	s18 =	simm.s32 $0x80;
	s6 =	smul.u32 $0x5000, s0  }
0x6: {  	s19 =	simm.s32 $0x10;
	s20 =	simm.s32 $0x2;
	s28 =	smul.u32 $0x14000, s0  }
0x7: {  	s8 =	sand.u32 $0x1, s2;
	s2 =	rddreg [dreg:$0x4];
	s29 =	smul.u32 $0x2800, s0  }
0x8: {  	s21 =	simm.s32 $0x0;
	[smem:$0x7FF] =	sst s5;
	s9 =	smul.u32 $0x2800, s8  }
0x9: {  	s31 =	sshll.u32 s0, $0x6;
	s10 =	smul.u32 $0x280000, s8;
	s8 =	ssub.s32 $0x2, s8  }
0xa: {  	_ =	strace $0x80000047;
	s30 =	sshrl.u32 s8, $0x1;
	s14 =	sadd.s32 s29, s3  }
0xb: {  	s15 =	sadd.s32 s29, s4;
	s6 =	sadd.s32 s9, s6;
	s9 =	sadd.s32 s28, s10  }
0xc: {  	s13 =	ssub.s32 s8, s30;
	s15 =	sshrl.u32 s15, $0x3;
	s6 =	sshrl.u32 s6, $0x3  }
0xd: {  	s9 =	sshrl.u32 s9, $0x3;
	s11 =	sadd.s32 s6, s7;
	s6 =	sadd.s32 $0x18E00, s7  }
0xe: {  	s12 =	sadd.s32 s9, s7;
	s7 =	sor.u32 $0x1C01, s31;
	s8 =	sadd.s32 $0xEE00, s11  }
0xf: {  	s9 =	sadd.s32 $0x4E00, s11;
	s10 =	sadd.s32 $0x19000, s12;
	s11 =	sadd.s32 $0x41000, s12  }
0x10: {  	s12 =	smax.u32 s13, $0x1;
	s13 =	sshrl.u32 s14, $0x3;
	s14 =	simm.s32 $0x1  }
.LBB2_1:
0x11: {  	[spmem:s13], [sflag:s7] =	dma.local [hbm:s1], $0x500  }
0x12: {  	_ =	swait.ge [sflag:s14], $0x500  }
0x13: {  	[sflag:s14] =	ssyncset.done $0x0  }
0x14: {  	[sflag:s14] =	ssyncadd.s32 $0xFFFFFB00  }
0x15: {  	[spmem:s15], [sflag:s7] =	dma.local [hbm:s1], $0x500  }
0x16: {  	_ =	swait.ge [sflag:s14], $0x500  }
0x17: {  	[sflag:s14] =	ssyncset.done $0x0  }
0x18: {  	[sflag:s14] =	ssyncadd.s32 $0xFFFFFB00  }
0x19: {  	[tilespmem:s16], [sflag:$0x1] =	stream.linear.gather [hbm4b:s6+s5], $0x800, $0x38;
	[tilespmem:$0x8000] =	vst v63  }
0x1a: {  	_ =	swait.ge [sflag:s14], $0x800  }
0x1b: {  	[sflag:s14] =	ssyncset.done $0x0  }
0x1c: {  	[sflag:s14] =	ssyncadd.s32 $0xFFFFF800  }
0x1d: {  	[bflag:$0x0] =	sbarrier.arrive $0xFFFF  }
0x1e: {  	[tilespmem:s17], [sflag:$0x1] =	stream.linear.gather [hbm4b:s8+s5], $0x2800, $0x38;
	[tilespmem:$0x8000] =	vst v63  }
0x1f: {  	_ =	swait.ge [sflag:s14], $0x2800  }
0x20: {  	[sflag:s14] =	ssyncset.done $0x0  }
0x21: {  	s22 =	simm.s32 $0x5800;
	[sflag:s14] =	ssyncadd.s32 $0xFFFFD800  }
0x22: {  	[spmem:s3] =	stream.indirect.scatter.add.f32 [tilespmem:s16], [sflag:$0x1], $0x10, s22, s18, $0xb8;
	[tilespmem:$0x8000] =	vst v63  }
0x23: {  	s22 =	simm.s32 $0x200;
	_ =	swait.ge [sflag:s14], $0x800  }
.LBB2_2:
0x24: {  	s23 =	sshra.s32 s22, $0x2;
	[sflag:s14] =	ssyncset.done $0x0;
	p0 =	sne.s32 s22, $0x9E00  }
.Ltmp0:
0x25: {  	s23 =	sadd.s32 $0x5800, s23;
	[sflag:s14] =	ssyncadd.s32 $0xFFFFF800;
	(pc) =	sbr.rel @p0 .LBB2_2-.Ltmp0, $3  }
0x26: {  	[spmem:s3] =	stream.indirect.scatter.add.f32 [tilespmem:s16], [sflag:$0x1], $0x10, s23, s18, $0xb8;
	[tilespmem:$0x8000] =	vst v63  }
0x27: {  	s22 =	sadd.s32 $0x200, s22;
	_ =	sdelay $0x1  }
0x28: {  	_ =	swait.ge [sflag:s14], $0x800  }
0x29: {  	[sflag:s14] =	ssyncset.done $0x0  }
0x2a: {  	s22 =	simm.s32 $0x0;
	[sflag:s14] =	ssyncadd.s32 $0xFFFFF800  }
0x2b: {  	[tilespmem:s17], [sflag:$0x1] =	stream.linear.gather [hbm4b:s9+s22], $0x2800, $0x38;
	[tilespmem:$0x8000] =	vst v63  }
0x2c: {  	_ =	swait.ge [sflag:s14], $0x2800  }
0x2d: {  	[sflag:s14] =	ssyncset.done $0x0  }
0x2e: {  	s31 =	simm.s32 $0x5800;
	[sflag:s14] =	ssyncadd.s32 $0xFFFFD800  }
0x2f: {  	[spmem:s4] =	stream.indirect.scatter.add.f32 [tilespmem:s16], [sflag:$0x1], $0x10, s31, s18, $0xb8;
	[tilespmem:$0x8000] =	vst v63  }
0x30: {  	s22 =	simm.s32 $0x200;
	_ =	swait.ge [sflag:s14], $0x800  }
.LBB2_4:
0x31: {  	s23 =	sshra.s32 s22, $0x2;
	[sflag:s14] =	ssyncset.done $0x0;
	p0 =	sne.s32 s22, $0x9E00  }
.Ltmp1:
0x32: {  	s23 =	sadd.s32 $0x5800, s23;
	[sflag:s14] =	ssyncadd.s32 $0xFFFFF800;
	(pc) =	sbr.rel @p0 .LBB2_4-.Ltmp1, $3  }
0x33: {  	[spmem:s4] =	stream.indirect.scatter.add.f32 [tilespmem:s16], [sflag:$0x1], $0x10, s23, s18, $0xb8;
	[tilespmem:$0x8000] =	vst v63  }
0x34: {  	s22 =	sadd.s32 $0x200, s22;
	_ =	sdelay $0x1  }
0x35: {  	_ =	swait.ge [sflag:s14], $0x800  }
0x36: {  	[sflag:s14] =	ssyncset.done $0x0  }
0x37: {  	[sflag:s14] =	ssyncadd.s32 $0xFFFFF800  }
0x38: {  	[bflag:$0x0] =	sbarrier.arrive $0xFFFF  }
0x39: {  	[hbm:s10@s19], [sflag:s7] =	dma.strided [spmem:s13@s20], $0x500, s14, $0x2   }
0x3a: {  	s21 =	sadd.s32 $0x1, s21;
	_ =	swait.ge [sflag:s14], $0x500  }
0x3b: {  	p0 =	sne.s32 s21, s12;
	[sflag:s14] =	ssyncset.done $0x0  }
.Ltmp2:
0x3c: {  	[sflag:s14] =	ssyncadd.s32 $0xFFFFFB00;
	(pc) =	sbr.rel @p0 .LBB2_1-.Ltmp2, $4  }
0x3d: {  	[hbm:s11@s19], [sflag:s7] =	dma.strided [spmem:s15@s20], $0x500, s14, $0x2   }
0x3e: {  	_ =	swait.ge [sflag:s14], $0x500  }
0x3f: {  	[sflag:s14] =	ssyncset.done $0x0  }
0x40: {  	[sflag:s14] =	ssyncadd.s32 $0xFFFFFB00  }
0x41: {  	_ =	sfence.sel $0x180000  }
0x42: {  	[bflag:$0x0] =	sbarrier.arrive $0xFFFF  }
0x43: {  	p0 =	sne.s32 s0, $0x0;
	_ =	strace $0x90000047  }
0x44: {  	s0 =	sadd.s32 @!p0 $0x100000, s2;
	[bflag:$0x2] =	sbarrier.arrive $0xFFFF  }
0x45: {  	[sflag:s0] =	ssyncadd.tile.s32 @!p0 $0x1;
	_ =	shalt  }
.Lfunc_end2:
_tile_overlayer_lowered:
.L_overlay_start_2:
0x46: {  	(tag) =	ssettag $0x2  }
0x47: {  	s0 =	rddreg [dreg:$0x0];
	s2 =	stileid.u32  }
0x48: {  	s1 =	rddreg [dreg:$0x1];
	p0 =	sne.s32 s2, $0x0  }
0x49: {  	s3 =	rddreg [dreg:$0x2];
	[bflag:$0x3] =	sbarrier.arrive $0xFFFF;
	s2 =	simm.s32 @!p0 $0x1C01  }
0x4a: {  	[timem:s3], [sflag:s2] =	dma.local @!p0 [hbm:s0], s1  }
0x4b: {  	s0 =	simm.s32 @!p0 $0x1  }
0x4c: {  	_ =	swait.ge @!p0 [sflag:s0], s1  }
0x4d: {  	s1 =	ssub.s32 @!p0 $0x0, s1;
	[sflag:s0] =	ssyncset.done @!p0 $0x0  }
0x4e: {  	[sflag:s0] =	ssyncadd.s32 @!p0 s1  }
0x4f: {  	[bflag:$0x3] =	sbarrier.arrive $0xFFFF  }
0x50: {  	_ =	shalt  }

</sc_bundles>
